<compile_context>
chip_gen: v7x
topology: tpu7x:2x2x1
jax: 0.10.2.dev20260603
libtpu: 0.0.44.dev20260713+nightly
codegen_flags: <defaults>
</compile_context>

<pallas_src>
import functools

import jax
import jax.numpy as jnp
from jax import lax
from jax.experimental import pallas as pl
from jax.experimental.pallas import tpu as pltpu
from jax.experimental.pallas import tpu_sc as plsc

_CH = 4
_NB = 8
_D = 4
_NW = 32


def _sc_body(seq, tail, kc, vc, ko, vo, ok, ov, *rest):
    shared = rest[0]
    rsem = rest[1:1 + _NB]
    wsem = rest[1 + _NB:1 + 2 * _NB]
    c = lax.axis_index("c")
    s = lax.axis_index("s")
    bufs = [shared.at[s, u] for u in range(_NB)]
    w = s * 2 + c
    nq = _NW // 8
    head = w // nq
    q = lax.rem(w, nq)
    rows_w = seq // nq
    base = q * rows_w
    n = rows_w // _CH

    ng = 2 * n

    def rd(g, u):
        src = kc if u % 2 == 0 else vc
        m = (g - (u % 2)) // 2
        return pltpu.make_async_copy(
            src.at[0, head, pl.ds(base + m * _CH, _CH)], bufs[u], rsem[u]
        )

    def wr(g, u):
        dst = ok if u % 2 == 0 else ov
        m = (g - (u % 2)) // 2
        return pltpu.make_async_copy(
            bufs[u], dst.at[0, head, pl.ds(base + m * _CH, _CH)], wsem[u]
        )

    for g in range(_D):
        rd(g, g).start()
    for g in range(_NB):
        if g >= _D:
            wr(g - _D, g - _D).wait()
        if g + _D < ng:
            rd(g + _D, (g + _D) % _NB).start()
        rd(g, g).wait()
        wr(g, g).start()

    n_steady = ((ng - _NB - _D) // _NB) * _NB

    def step(j, carry):
        g0 = _NB + j * _NB
        for uu in range(_NB):
            g = g0 + uu
            wr(g - _D, (uu - _D) % _NB).wait()
            rd(g + _D, (uu + _D) % _NB).start()
            rd(g, uu).wait()
            wr(g, uu).start()
        return carry

    lax.fori_loop(0, n_steady // _NB, step, 0)

    for g in range(_NB + n_steady, ng):
        wr(g - _D, (g - _D) % _NB).wait()
        if g + _D < ng:
            rd(g + _D, (g + _D) % _NB).start()
        rd(g, g % _NB).wait()
        wr(g, g % _NB).start()
    for g in range(ng - _D, ng):
        wr(g, g % _NB).wait()

    @pl.when(q == 0)
    def _k_tail():
        for j in range(tail // _CH):
            pltpu.make_async_copy(
                ko.at[0, head, pl.ds(j * _CH, _CH)], bufs[j], rsem[j]
            ).start()
        for j in range(tail // _CH):
            pltpu.make_async_copy(
                ko.at[0, head, pl.ds(j * _CH, _CH)], bufs[j], rsem[j]
            ).wait()
            pltpu.make_async_copy(
                bufs[j], ok.at[0, head, pl.ds(seq + j * _CH, _CH)], wsem[j]
            ).start()
        for j in range(tail // _CH):
            pltpu.make_async_copy(
                bufs[j], ok.at[0, head, pl.ds(seq + j * _CH, _CH)], wsem[j]
            ).wait()

    @pl.when(q == 1)
    def _v_tail():
        for j in range(tail // _CH):
            pltpu.make_async_copy(
                vo.at[0, head, pl.ds(j * _CH, _CH)], bufs[j], rsem[j]
            ).start()
        for j in range(tail // _CH):
            pltpu.make_async_copy(
                vo.at[0, head, pl.ds(j * _CH, _CH)], bufs[j], rsem[j]
            ).wait()
            pltpu.make_async_copy(
                bufs[j], ov.at[0, head, pl.ds(seq + j * _CH, _CH)], wsem[j]
            ).start()
        for j in range(tail // _CH):
            pltpu.make_async_copy(
                bufs[j], ov.at[0, head, pl.ds(seq + j * _CH, _CH)], wsem[j]
            ).wait()


def kernel(k_cache, v_cache, k_out, v_out):
    b, h, seq, n, d = k_cache.shape
    tail = k_out.shape[2]
    nq = _NW // 8
    rows_w = seq // nq
    assert b * h == 8 and seq % nq == 0 and rows_w % _CH == 0
    assert 2 * (rows_w // _CH) >= _NB + 2 * _D
    assert tail % _CH == 0 and tail // _CH <= _NB
    out_sds = jax.ShapeDtypeStruct((b, h, seq + tail, n, d), k_cache.dtype)
    mesh = plsc.VectorSubcoreMesh(core_axis_name="c", subcore_axis_name="s")
    fn = pl.kernel(
        functools.partial(_sc_body, seq, tail),
        mesh=mesh,
        out_type=[out_sds, out_sds],
        scratch_types=(
            [pltpu.VMEM_SHARED((16, _NB, _CH, n, d), k_cache.dtype)]
            + [pltpu.SemaphoreType.DMA] * (2 * _NB)
        ),
    )
    k_new, v_new = fn(k_cache, v_cache, k_out, v_out)
    return (k_new, v_new)

# --- scband reference (transcript-rebuilt; emitter-appended) ---
"""Pipeline reference for scband-update-key-value-cache-11562051961204 (READ-ONLY COPY).

The authoritative reference and input builder live on the scoring server;
editing this copy changes nothing except your own understanding.
"""

import jax, jax.numpy as jnp
import numpy as np


def setup_inputs(seed: int = 0) -> dict:
    key = jax.random.key(seed)
    k0, k1, k2, k3 = jax.random.split(key, 4)
    k_cache = jax.random.normal(k0, (1, 8, 2048, 32, 128), dtype=jnp.float16)
    v_cache = jax.random.normal(k1, (1, 8, 2048, 32, 128), dtype=jnp.float16)
    k_out = jax.random.normal(k2, (1, 8, 16, 32, 128), dtype=jnp.float16)
    v_out = jax.random.normal(k3, (1, 8, 16, 32, 128), dtype=jnp.float16)
    return {"k_cache": k_cache, "v_cache": v_cache, "k_out": k_out, "v_out": v_out}


def reference(k_cache, v_cache, k_out, v_out):
    # Faithful translation of UpdateKeyValueCache.forward:
    # append new key/value tokens along the sequence axis (dim=2).
    k_cache_out = jnp.concatenate([k_cache, k_out], axis=2)
    v_cache_out = jnp.concatenate([v_cache, v_out], axis=2)
    return (k_cache_out, v_cache_out)

if __name__ == "__main__":
    import jax
    _d = setup_inputs()
    print(jax.jit(kernel)(*tuple(_d.values())))

</pallas_src>

<mosaic_0001>
#map = affine_map<(d0, d1) -> (0, 0, 0, 0, 0)>
module attributes {stable_mosaic.version = 14 : i64} {
  func.func @_sc_body(%arg0: i32, %arg1: i32, %arg2: memref<1x8x2048x32x128xf16, #tpu.memory_space<hbm>>, %arg3: memref<1x8x2048x32x128xf16, #tpu.memory_space<hbm>>, %arg4: memref<1x8x16x32x128xf16, #tpu.memory_space<hbm>>, %arg5: memref<1x8x16x32x128xf16, #tpu.memory_space<hbm>>, %arg6: memref<1x8x2064x32x128xf16, #tpu.memory_space<hbm>>, %arg7: memref<1x8x2064x32x128xf16, #tpu.memory_space<hbm>>, %arg8: memref<16x8x4x32x128xf16, #tpu.memory_space<vmem_shared>>, %arg9: memref<!tpu.dma_semaphore, #tpu.memory_space<semaphore_mem>>, %arg10: memref<!tpu.dma_semaphore, #tpu.memory_space<semaphore_mem>>, %arg11: memref<!tpu.dma_semaphore, #tpu.memory_space<semaphore_mem>>, %arg12: memref<!tpu.dma_semaphore, #tpu.memory_space<semaphore_mem>>, %arg13: memref<!tpu.dma_semaphore, #tpu.memory_space<semaphore_mem>>, %arg14: memref<!tpu.dma_semaphore, #tpu.memory_space<semaphore_mem>>, %arg15: memref<!tpu.dma_semaphore, #tpu.memory_space<semaphore_mem>>, %arg16: memref<!tpu.dma_semaphore, #tpu.memory_space<semaphore_mem>>, %arg17: memref<!tpu.dma_semaphore, #tpu.memory_space<semaphore_mem>>, %arg18: memref<!tpu.dma_semaphore, #tpu.memory_space<semaphore_mem>>, %arg19: memref<!tpu.dma_semaphore, #tpu.memory_space<semaphore_mem>>, %arg20: memref<!tpu.dma_semaphore, #tpu.memory_space<semaphore_mem>>, %arg21: memref<!tpu.dma_semaphore, #tpu.memory_space<semaphore_mem>>, %arg22: memref<!tpu.dma_semaphore, #tpu.memory_space<semaphore_mem>>, %arg23: memref<!tpu.dma_semaphore, #tpu.memory_space<semaphore_mem>>, %arg24: memref<!tpu.dma_semaphore, #tpu.memory_space<semaphore_mem>>) attributes {dimension_semantics = [#tpu.dimension_semantics<core_parallel>, #tpu.dimension_semantics<subcore_parallel>], iteration_bounds = array<i64: 2, 16>, scalar_prefetch = 0 : i64, scratch_operands = 17 : i64, tpu.core_type = #tpu.core_type<sc_vector_subcore>, window_params = [{transform_indices = #map}, {transform_indices = #map}, {transform_indices = #map}, {transform_indices = #map}, {transform_indices = #map}, {transform_indices = #map}]} {
    %mul3A = arith.constant 2 : i32
    %mul3A_0 = arith.muli %arg1, %mul3A : i32
    %add3A = arith.addi %mul3A_0, %arg0 : i32
    %jit3A = arith.constant 4 : i32
    %div3A = arith.divsi %add3A, %jit3A : i32
    %sign3A = arith.constant 0 : i32
    %sign3A_1 = arith.cmpi sgt, %add3A, %sign3A : i32
    %sign3A_2 = arith.extui %sign3A_1 : i1 to i32
    %sign3A_3 = arith.constant 0 : i32
    %sign3A_4 = arith.cmpi slt, %add3A, %sign3A_3 : i32
    %sign3A_5 = arith.extui %sign3A_4 : i1 to i32
    %sign3A_6 = arith.subi %sign3A_2, %sign3A_5 : i32
    %sign3A_7 = arith.constant 0 : i32
    %sign3A_8 = arith.cmpi sgt, %jit3A, %sign3A_7 : i32
    %sign3A_9 = arith.extui %sign3A_8 : i1 to i32
    %sign3A_10 = arith.constant 0 : i32
    %sign3A_11 = arith.cmpi slt, %jit3A, %sign3A_10 : i32
    %sign3A_12 = arith.extui %sign3A_11 : i1 to i32
    %sign3A_13 = arith.subi %sign3A_9, %sign3A_12 : i32
    %ne3A = arith.cmpi ne, %sign3A_6, %sign3A_13 : i32
    %rem3A = arith.remsi %add3A, %jit3A : i32
    %ne3A_14 = arith.constant 0 : i32
    %ne3A_15 = arith.cmpi ne, %rem3A, %ne3A_14 : i32
    %and3A = arith.andi %ne3A, %ne3A_15 : i1
    %sub3A = arith.constant 1 : i32
    %sub3A_16 = arith.subi %div3A, %sub3A : i32
    %select_n3A = arith.select %and3A, %sub3A_16, %div3A : i32
    %rem3A_17 = arith.constant 4 : i32
    %rem3A_18 = arith.remsi %add3A, %rem3A_17 : i32
    %mul3A_19 = arith.constant 512 : i32
    %mul3A_20 = arith.muli %rem3A_18, %mul3A_19 : i32
    %add3A_21 = arith.constant 0 : i32
    %add3A_22 = arith.addi %mul3A_20, %add3A_21 : i32
    %dma_start3A = arith.constant 0 : i32
    %dma_start3A_23 = arith.constant 0 : i32
    %dma_start3A_24 = arith.constant 0 : i32
    %dma_start3A_25 = arith.constant 0 : i32
    %dma_start3A_26 = arith.constant 0 : i32
    %dma_start3A_27 = tpu.memref_slice %arg8[%arg1, %dma_start3A_23, %dma_start3A_24, %dma_start3A_25, %dma_start3A_26] : memref<16x8x4x32x128xf16, #tpu.memory_space<vmem_shared>> -> memref<1x1x4x32x128xf16, #tpu.memory_space<vmem_shared>>
    %dma_start3A_28 = tpu.memref_squeeze %dma_start3A_27 : memref<1x1x4x32x128xf16, #tpu.memory_space<vmem_shared>> -> memref<4x32x128xf16, #tpu.memory_space<vmem_shared>>
    %dma_start3A_29 = arith.constant 0 : i32
    %dma_start3A_30 = arith.constant 0 : i32
    %dma_start3A_31 = tpu.memref_slice %arg2[%dma_start3A, %select_n3A, %add3A_22, %dma_start3A_29, %dma_start3A_30] : memref<1x8x2048x32x128xf16, #tpu.memory_space<hbm>> -> memref<1x1x4x32x128xf16, #tpu.memory_space<hbm>>
    %dma_start3A_32 = tpu.memref_squeeze %dma_start3A_31 : memref<1x1x4x32x128xf16, #tpu.memory_space<hbm>> -> memref<4x32x128xf16, #tpu.memory_space<hbm>>
    tpu.enqueue_dma source(%dma_start3A_32 : memref<4x32x128xf16, #tpu.memory_space<hbm>>) target(%dma_start3A_28 : memref<4x32x128xf16, #tpu.memory_space<vmem_shared>>) target_semaphore(%arg9 : memref<!tpu.dma_semaphore, #tpu.memory_space<semaphore_mem>>)
    %add3A_33 = arith.constant 0 : i32
    %add3A_34 = arith.addi %mul3A_20, %add3A_33 : i32
    %dma_start3A_35 = arith.constant 0 : i32
    %dma_start3A_36 = arith.constant 1 : i32
    %dma_start3A_37 = arith.constant 0 : i32
    %dma_start3A_38 = arith.constant 0 : i32
    %dma_start3A_39 = arith.constant 0 : i32
    %dma_start3A_40 = tpu.memref_slice %arg8[%arg1, %dma_start3A_36, %dma_start3A_37, %dma_start3A_38, %dma_start3A_39] : memref<16x8x4x32x128xf16, #tpu.memory_space<vmem_shared>> -> memref<1x1x4x32x128xf16, #tpu.memory_space<vmem_shared>>
    %dma_start3A_41 = tpu.memref_squeeze %dma_start3A_40 : memref<1x1x4x32x128xf16, #tpu.memory_space<vmem_shared>> -> memref<4x32x128xf16, #tpu.memory_space<vmem_shared>>
    %dma_start3A_42 = arith.constant 0 : i32
    %dma_start3A_43 = arith.constant 0 : i32
    %dma_start3A_44 = tpu.memref_slice %arg3[%dma_start3A_35, %select_n3A, %add3A_34, %dma_start3A_42, %dma_start3A_43] : memref<1x8x2048x32x128xf16, #tpu.memory_space<hbm>> -> memref<1x1x4x32x128xf16, #tpu.memory_space<hbm>>
    %dma_start3A_45 = tpu.memref_squeeze %dma_start3A_44 : memref<1x1x4x32x128xf16, #tpu.memory_space<hbm>> -> memref<4x32x128xf16, #tpu.memory_space<hbm>>
    tpu.enqueue_dma source(%dma_start3A_45 : memref<4x32x128xf16, #tpu.memory_space<hbm>>) target(%dma_start3A_41 : memref<4x32x128xf16, #tpu.memory_space<vmem_shared>>) target_semaphore(%arg10 : memref<!tpu.dma_semaphore, #tpu.memory_space<semaphore_mem>>)
    %add3A_46 = arith.constant 4 : i32
    %add3A_47 = arith.addi %mul3A_20, %add3A_46 : i32
    %dma_start3A_48 = arith.constant 0 : i32
    %dma_start3A_49 = arith.constant 2 : i32
    %dma_start3A_50 = arith.constant 0 : i32
    %dma_start3A_51 = arith.constant 0 : i32
    %dma_start3A_52 = arith.constant 0 : i32
    %dma_start3A_53 = tpu.memref_slice %arg8[%arg1, %dma_start3A_49, %dma_start3A_50, %dma_start3A_51, %dma_start3A_52] : memref<16x8x4x32x128xf16, #tpu.memory_space<vmem_shared>> -> memref<1x1x4x32x128xf16, #tpu.memory_space<vmem_shared>>
    %dma_start3A_54 = tpu.memref_squeeze %dma_start3A_53 : memref<1x1x4x32x128xf16, #tpu.memory_space<vmem_shared>> -> memref<4x32x128xf16, #tpu.memory_space<vmem_shared>>
    %dma_start3A_55 = arith.constant 0 : i32
    %dma_start3A_56 = arith.constant 0 : i32
    %dma_start3A_57 = tpu.memref_slice %arg2[%dma_start3A_48, %select_n3A, %add3A_47, %dma_start3A_55, %dma_start3A_56] : memref<1x8x2048x32x128xf16, #tpu.memory_space<hbm>> -> memref<1x1x4x32x128xf16, #tpu.memory_space<hbm>>
    %dma_start3A_58 = tpu.memref_squeeze %dma_start3A_57 : memref<1x1x4x32x128xf16, #tpu.memory_space<hbm>> -> memref<4x32x128xf16, #tpu.memory_space<hbm>>
    tpu.enqueue_dma source(%dma_start3A_58 : memref<4x32x128xf16, #tpu.memory_space<hbm>>) target(%dma_start3A_54 : memref<4x32x128xf16, #tpu.memory_space<vmem_shared>>) target_semaphore(%arg11 : memref<!tpu.dma_semaphore, #tpu.memory_space<semaphore_mem>>)
    %add3A_59 = arith.constant 4 : i32
    %add3A_60 = arith.addi %mul3A_20, %add3A_59 : i32
    %dma_start3A_61 = arith.constant 0 : i32
    %dma_start3A_62 = arith.constant 3 : i32
    %dma_start3A_63 = arith.constant 0 : i32
    %dma_start3A_64 = arith.constant 0 : i32
    %dma_start3A_65 = arith.constant 0 : i32
    %dma_start3A_66 = tpu.memref_slice %arg8[%arg1, %dma_start3A_62, %dma_start3A_63, %dma_start3A_64, %dma_start3A_65] : memref<16x8x4x32x128xf16, #tpu.memory_space<vmem_shared>> -> memref<1x1x4x32x128xf16, #tpu.memory_space<vmem_shared>>
    %dma_start3A_67 = tpu.memref_squeeze %dma_start3A_66 : memref<1x1x4x32x128xf16, #tpu.memory_space<vmem_shared>> -> memref<4x32x128xf16, #tpu.memory_space<vmem_shared>>
    %dma_start3A_68 = arith.constant 0 : i32
    %dma_start3A_69 = arith.constant 0 : i32
    %dma_start3A_70 = tpu.memref_slice %arg3[%dma_start3A_61, %select_n3A, %add3A_60, %dma_start3A_68, %dma_start3A_69] : memref<1x8x2048x32x128xf16, #tpu.memory_space<hbm>> -> memref<1x1x4x32x128xf16, #tpu.memory_space<hbm>>
    %dma_start3A_71 = tpu.memref_squeeze %dma_start3A_70 : memref<1x1x4x32x128xf16, #tpu.memory_space<hbm>> -> memref<4x32x128xf16, #tpu.memory_space<hbm>>
    tpu.enqueue_dma source(%dma_start3A_71 : memref<4x32x128xf16, #tpu.memory_space<hbm>>) target(%dma_start3A_67 : memref<4x32x128xf16, #tpu.memory_space<vmem_shared>>) target_semaphore(%arg12 : memref<!tpu.dma_semaphore, #tpu.memory_space<semaphore_mem>>)
    %add3A_72 = arith.constant 8 : i32
    %add3A_73 = arith.addi %mul3A_20, %add3A_72 : i32
    %dma_start3A_74 = arith.constant 0 : i32
    %dma_start3A_75 = arith.constant 4 : i32
    %dma_start3A_76 = arith.constant 0 : i32
    %dma_start3A_77 = arith.constant 0 : i32
    %dma_start3A_78 = arith.constant 0 : i32
    %dma_start3A_79 = tpu.memref_slice %arg8[%arg1, %dma_start3A_75, %dma_start3A_76, %dma_start3A_77, %dma_start3A_78] : memref<16x8x4x32x128xf16, #tpu.memory_space<vmem_shared>> -> memref<1x1x4x32x128xf16, #tpu.memory_space<vmem_shared>>
    %dma_start3A_80 = tpu.memref_squeeze %dma_start3A_79 : memref<1x1x4x32x128xf16, #tpu.memory_space<vmem_shared>> -> memref<4x32x128xf16, #tpu.memory_space<vmem_shared>>
    %dma_start3A_81 = arith.constant 0 : i32
    %dma_start3A_82 = arith.constant 0 : i32
    %dma_start3A_83 = tpu.memref_slice %arg2[%dma_start3A_74, %select_n3A, %add3A_73, %dma_start3A_81, %dma_start3A_82] : memref<1x8x2048x32x128xf16, #tpu.memory_space<hbm>> -> memref<1x1x4x32x128xf16, #tpu.memory_space<hbm>>
    %dma_start3A_84 = tpu.memref_squeeze %dma_start3A_83 : memref<1x1x4x32x128xf16, #tpu.memory_space<hbm>> -> memref<4x32x128xf16, #tpu.memory_space<hbm>>
    tpu.enqueue_dma source(%dma_start3A_84 : memref<4x32x128xf16, #tpu.memory_space<hbm>>) target(%dma_start3A_80 : memref<4x32x128xf16, #tpu.memory_space<vmem_shared>>) target_semaphore(%arg13 : memref<!tpu.dma_semaphore, #tpu.memory_space<semaphore_mem>>)
    %add3A_85 = arith.constant 0 : i32
    %add3A_86 = arith.addi %mul3A_20, %add3A_85 : i32
    %dma_wait3A = arith.constant 0 : i32
    %dma_wait3A_87 = arith.constant 0 : i32
    %dma_wait3A_88 = arith.constant 0 : i32
    %dma_wait3A_89 = arith.constant 0 : i32
    %dma_wait3A_90 = arith.constant 0 : i32
    %dma_wait3A_91 = tpu.memref_slice %arg8[%arg1, %dma_wait3A_87, %dma_wait3A_88, %dma_wait3A_89, %dma_wait3A_90] : memref<16x8x4x32x128xf16, #tpu.memory_space<vmem_shared>> -> memref<1x1x4x32x128xf16, #tpu.memory_space<vmem_shared>>
    %dma_wait3A_92 = tpu.memref_squeeze %dma_wait3A_91 : memref<1x1x4x32x128xf16, #tpu.memory_space<vmem_shared>> -> memref<4x32x128xf16, #tpu.memory_space<vmem_shared>>
    %dma_wait3A_93 = arith.constant 0 : i32
    %dma_wait3A_94 = arith.constant 0 : i32
    %dma_wait3A_95 = tpu.memref_slice %arg2[%dma_wait3A, %select_n3A, %add3A_86, %dma_wait3A_93, %dma_wait3A_94] : memref<1x8x2048x32x128xf16, #tpu.memory_space<hbm>> -> memref<1x1x4x32x128xf16, #tpu.memory_space<hbm>>
    %dma_wait3A_96 = tpu.memref_squeeze %dma_wait3A_95 : memref<1x1x4x32x128xf16, #tpu.memory_space<hbm>> -> memref<4x32x128xf16, #tpu.memory_space<hbm>>
    tpu.wait_dma2 semaphore(%arg9 : memref<!tpu.dma_semaphore, #tpu.memory_space<semaphore_mem>>) src(%dma_wait3A_96 : memref<4x32x128xf16, #tpu.memory_space<hbm>>) dst(%dma_wait3A_92 : memref<4x32x128xf16, #tpu.memory_space<vmem_shared>>)
    %add3A_97 = arith.constant 0 : i32
    %add3A_98 = arith.addi %mul3A_20, %add3A_97 : i32
    %dma_start3A_99 = arith.constant 0 : i32
    %dma_start3A_100 = arith.constant 0 : i32
    %dma_start3A_101 = arith.constant 0 : i32
    %dma_start3A_102 = arith.constant 0 : i32
    %dma_start3A_103 = tpu.memref_slice %arg6[%dma_start3A_100, %select_n3A, %add3A_98, %dma_start3A_101, %dma_start3A_102] : memref<1x8x2064x32x128xf16, #tpu.memory_space<hbm>> -> memref<1x1x4x32x128xf16, #tpu.memory_space<hbm>>
    %dma_start3A_104 = tpu.memref_squeeze %dma_start3A_103 : memref<1x1x4x32x128xf16, #tpu.memory_space<hbm>> -> memref<4x32x128xf16, #tpu.memory_space<hbm>>
    %dma_start3A_105 = arith.constant 0 : i32
    %dma_start3A_106 = arith.constant 0 : i32
    %dma_start3A_107 = arith.constant 0 : i32
    %dma_start3A_108 = tpu.memref_slice %arg8[%arg1, %dma_start3A_99, %dma_start3A_105, %dma_start3A_106, %dma_start3A_107] : memref<16x8x4x32x128xf16, #tpu.memory_space<vmem_shared>> -> memref<1x1x4x32x128xf16, #tpu.memory_space<vmem_shared>>
    %dma_start3A_109 = tpu.memref_squeeze %dma_start3A_108 : memref<1x1x4x32x128xf16, #tpu.memory_space<vmem_shared>> -> memref<4x32x128xf16, #tpu.memory_space<vmem_shared>>
    tpu.enqueue_dma source(%dma_start3A_109 : memref<4x32x128xf16, #tpu.memory_space<vmem_shared>>) target(%dma_start3A_104 : memref<4x32x128xf16, #tpu.memory_space<hbm>>) target_semaphore(%arg17 : memref<!tpu.dma_semaphore, #tpu.memory_space<semaphore_mem>>)
    %add3A_110 = arith.constant 8 : i32
    %add3A_111 = arith.addi %mul3A_20, %add3A_110 : i32
    %dma_start3A_112 = arith.constant 0 : i32
    %dma_start3A_113 = arith.constant 5 : i32
    %dma_start3A_114 = arith.constant 0 : i32
    %dma_start3A_115 = arith.constant 0 : i32
    %dma_start3A_116 = arith.constant 0 : i32
    %dma_start3A_117 = tpu.memref_slice %arg8[%arg1, %dma_start3A_113, %dma_start3A_114, %dma_start3A_115, %dma_start3A_116] : memref<16x8x4x32x128xf16, #tpu.memory_space<vmem_shared>> -> memref<1x1x4x32x128xf16, #tpu.memory_space<vmem_shared>>
    %dma_start3A_118 = tpu.memref_squeeze %dma_start3A_117 : memref<1x1x4x32x128xf16, #tpu.memory_space<vmem_shared>> -> memref<4x32x128xf16, #tpu.memory_space<vmem_shared>>
    %dma_start3A_119 = arith.constant 0 : i32
    %dma_start3A_120 = arith.constant 0 : i32
    %dma_start3A_121 = tpu.memref_slice %arg3[%dma_start3A_112, %select_n3A, %add3A_111, %dma_start3A_119, %dma_start3A_120] : memref<1x8x2048x32x128xf16, #tpu.memory_space<hbm>> -> memref<1x1x4x32x128xf16, #tpu.memory_space<hbm>>
    %dma_start3A_122 = tpu.memref_squeeze %dma_start3A_121 : memref<1x1x4x32x128xf16, #tpu.memory_space<hbm>> -> memref<4x32x128xf16, #tpu.memory_space<hbm>>
    tpu.enqueue_dma source(%dma_start3A_122 : memref<4x32x128xf16, #tpu.memory_space<hbm>>) target(%dma_start3A_118 : memref<4x32x128xf16, #tpu.memory_space<vmem_shared>>) target_semaphore(%arg14 : memref<!tpu.dma_semaphore, #tpu.memory_space<semaphore_mem>>)
    %add3A_123 = arith.constant 0 : i32
    %add3A_124 = arith.addi %mul3A_20, %add3A_123 : i32
    %dma_wait3A_125 = arith.constant 0 : i32
    %dma_wait3A_126 = arith.constant 1 : i32
    %dma_wait3A_127 = arith.constant 0 : i32
    %dma_wait3A_128 = arith.constant 0 : i32
    %dma_wait3A_129 = arith.constant 0 : i32
    %dma_wait3A_130 = tpu.memref_slice %arg8[%arg1, %dma_wait3A_126, %dma_wait3A_127, %dma_wait3A_128, %dma_wait3A_129] : memref<16x8x4x32x128xf16, #tpu.memory_space<vmem_shared>> -> memref<1x1x4x32x128xf16, #tpu.memory_space<vmem_shared>>
    %dma_wait3A_131 = tpu.memref_squeeze %dma_wait3A_130 : memref<1x1x4x32x128xf16, #tpu.memory_space<vmem_shared>> -> memref<4x32x128xf16, #tpu.memory_space<vmem_shared>>
    %dma_wait3A_132 = arith.constant 0 : i32
    %dma_wait3A_133 = arith.constant 0 : i32
    %dma_wait3A_134 = tpu.memref_slice %arg3[%dma_wait3A_125, %select_n3A, %add3A_124, %dma_wait3A_132, %dma_wait3A_133] : memref<1x8x2048x32x128xf16, #tpu.memory_space<hbm>> -> memref<1x1x4x32x128xf16, #tpu.memory_space<hbm>>
    %dma_wait3A_135 = tpu.memref_squeeze %dma_wait3A_134 : memref<1x1x4x32x128xf16, #tpu.memory_space<hbm>> -> memref<4x32x128xf16, #tpu.memory_space<hbm>>
    tpu.wait_dma2 semaphore(%arg10 : memref<!tpu.dma_semaphore, #tpu.memory_space<semaphore_mem>>) src(%dma_wait3A_135 : memref<4x32x128xf16, #tpu.memory_space<hbm>>) dst(%dma_wait3A_131 : memref<4x32x128xf16, #tpu.memory_space<vmem_shared>>)
    %add3A_136 = arith.constant 0 : i32
    %add3A_137 = arith.addi %mul3A_20, %add3A_136 : i32
    %dma_start3A_138 = arith.constant 1 : i32
    %dma_start3A_139 = arith.constant 0 : i32
    %dma_start3A_140 = arith.constant 0 : i32
    %dma_start3A_141 = arith.constant 0 : i32
    %dma_start3A_142 = tpu.memref_slice %arg7[%dma_start3A_139, %select_n3A, %add3A_137, %dma_start3A_140, %dma_start3A_141] : memref<1x8x2064x32x128xf16, #tpu.memory_space<hbm>> -> memref<1x1x4x32x128xf16, #tpu.memory_space<hbm>>
    %dma_start3A_143 = tpu.memref_squeeze %dma_start3A_142 : memref<1x1x4x32x128xf16, #tpu.memory_space<hbm>> -> memref<4x32x128xf16, #tpu.memory_space<hbm>>
    %dma_start3A_144 = arith.constant 0 : i32
    %dma_start3A_145 = arith.constant 0 : i32
    %dma_start3A_146 = arith.constant 0 : i32
    %dma_start3A_147 = tpu.memref_slice %arg8[%arg1, %dma_start3A_138, %dma_start3A_144, %dma_start3A_145, %dma_start3A_146] : memref<16x8x4x32x128xf16, #tpu.memory_space<vmem_shared>> -> memref<1x1x4x32x128xf16, #tpu.memory_space<vmem_shared>>
    %dma_start3A_148 = tpu.memref_squeeze %dma_start3A_147 : memref<1x1x4x32x128xf16, #tpu.memory_space<vmem_shared>> -> memref<4x32x128xf16, #tpu.memory_space<vmem_shared>>
    tpu.enqueue_dma source(%dma_start3A_148 : memref<4x32x128xf16, #tpu.memory_space<vmem_shared>>) target(%dma_start3A_143 : memref<4x32x128xf16, #tpu.memory_space<hbm>>) target_semaphore(%arg18 : memref<!tpu.dma_semaphore, #tpu.memory_space<semaphore_mem>>)
    %add3A_149 = arith.constant 12 : i32
    %add3A_150 = arith.addi %mul3A_20, %add3A_149 : i32
    %dma_start3A_151 = arith.constant 0 : i32
    %dma_start3A_152 = arith.constant 6 : i32
    %dma_start3A_153 = arith.constant 0 : i32
    %dma_start3A_154 = arith.constant 0 : i32
    %dma_start3A_155 = arith.constant 0 : i32
    %dma_start3A_156 = tpu.memref_slice %arg8[%arg1, %dma_start3A_152, %dma_start3A_153, %dma_start3A_154, %dma_start3A_155] : memref<16x8x4x32x128xf16, #tpu.memory_space<vmem_shared>> -> memref<1x1x4x32x128xf16, #tpu.memory_space<vmem_shared>>
    %dma_start3A_157 = tpu.memref_squeeze %dma_start3A_156 : memref<1x1x4x32x128xf16, #tpu.memory_space<vmem_shared>> -> memref<4x32x128xf16, #tpu.memory_space<vmem_shared>>
    %dma_start3A_158 = arith.constant 0 : i32
    %dma_start3A_159 = arith.constant 0 : i32
    %dma_start3A_160 = tpu.memref_slice %arg2[%dma_start3A_151, %select_n3A, %add3A_150, %dma_start3A_158, %dma_start3A_159] : memref<1x8x2048x32x128xf16, #tpu.memory_space<hbm>> -> memref<1x1x4x32x128xf16, #tpu.memory_space<hbm>>
    %dma_start3A_161 = tpu.memref_squeeze %dma_start3A_160 : memref<1x1x4x32x128xf16, #tpu.memory_space<hbm>> -> memref<4x32x128xf16, #tpu.memory_space<hbm>>
    tpu.enqueue_dma source(%dma_start3A_161 : memref<4x32x128xf16, #tpu.memory_space<hbm>>) target(%dma_start3A_157 : memref<4x32x128xf16, #tpu.memory_space<vmem_shared>>) target_semaphore(%arg15 : memref<!tpu.dma_semaphore, #tpu.memory_space<semaphore_mem>>)
    %add3A_162 = arith.constant 4 : i32
    %add3A_163 = arith.addi %mul3A_20, %add3A_162 : i32
    %dma_wait3A_164 = arith.constant 0 : i32
    %dma_wait3A_165 = arith.constant 2 : i32
    %dma_wait3A_166 = arith.constant 0 : i32
    %dma_wait3A_167 = arith.constant 0 : i32
    %dma_wait3A_168 = arith.constant 0 : i32
    %dma_wait3A_169 = tpu.memref_slice %arg8[%arg1, %dma_wait3A_165, %dma_wait3A_166, %dma_wait3A_167, %dma_wait3A_168] : memref<16x8x4x32x128xf16, #tpu.memory_space<vmem_shared>> -> memref<1x1x4x32x128xf16, #tpu.memory_space<vmem_shared>>
    %dma_wait3A_170 = tpu.memref_squeeze %dma_wait3A_169 : memref<1x1x4x32x128xf16, #tpu.memory_space<vmem_shared>> -> memref<4x32x128xf16, #tpu.memory_space<vmem_shared>>
    %dma_wait3A_171 = arith.constant 0 : i32
    %dma_wait3A_172 = arith.constant 0 : i32
    %dma_wait3A_173 = tpu.memref_slice %arg2[%dma_wait3A_164, %select_n3A, %add3A_163, %dma_wait3A_171, %dma_wait3A_172] : memref<1x8x2048x32x128xf16, #tpu.memory_space<hbm>> -> memref<1x1x4x32x128xf16, #tpu.memory_space<hbm>>
    %dma_wait3A_174 = tpu.memref_squeeze %dma_wait3A_173 : memref<1x1x4x32x128xf16, #tpu.memory_space<hbm>> -> memref<4x32x128xf16, #tpu.memory_space<hbm>>
    tpu.wait_dma2 semaphore(%arg11 : memref<!tpu.dma_semaphore, #tpu.memory_space<semaphore_mem>>) src(%dma_wait3A_174 : memref<4x32x128xf16, #tpu.memory_space<hbm>>) dst(%dma_wait3A_170 : memref<4x32x128xf16, #tpu.memory_space<vmem_shared>>)
    %add3A_175 = arith.constant 4 : i32
    %add3A_176 = arith.addi %mul3A_20, %add3A_175 : i32
    %dma_start3A_177 = arith.constant 2 : i32
    %dma_start3A_178 = arith.constant 0 : i32
    %dma_start3A_179 = arith.constant 0 : i32
    %dma_start3A_180 = arith.constant 0 : i32
    %dma_start3A_181 = tpu.memref_slice %arg6[%dma_start3A_178, %select_n3A, %add3A_176, %dma_start3A_179, %dma_start3A_180] : memref<1x8x2064x32x128xf16, #tpu.memory_space<hbm>> -> memref<1x1x4x32x128xf16, #tpu.memory_space<hbm>>
    %dma_start3A_182 = tpu.memref_squeeze %dma_start3A_181 : memref<1x1x4x32x128xf16, #tpu.memory_space<hbm>> -> memref<4x32x128xf16, #tpu.memory_space<hbm>>
    %dma_start3A_183 = arith.constant 0 : i32
    %dma_start3A_184 = arith.constant 0 : i32
    %dma_start3A_185 = arith.constant 0 : i32
    %dma_start3A_186 = tpu.memref_slice %arg8[%arg1, %dma_start3A_177, %dma_start3A_183, %dma_start3A_184, %dma_start3A_185] : memref<16x8x4x32x128xf16, #tpu.memory_space<vmem_shared>> -> memref<1x1x4x32x128xf16, #tpu.memory_space<vmem_shared>>
    %dma_start3A_187 = tpu.memref_squeeze %dma_start3A_186 : memref<1x1x4x32x128xf16, #tpu.memory_space<vmem_shared>> -> memref<4x32x128xf16, #tpu.memory_space<vmem_shared>>
    tpu.enqueue_dma source(%dma_start3A_187 : memref<4x32x128xf16, #tpu.memory_space<vmem_shared>>) target(%dma_start3A_182 : memref<4x32x128xf16, #tpu.memory_space<hbm>>) target_semaphore(%arg19 : memref<!tpu.dma_semaphore, #tpu.memory_space<semaphore_mem>>)
    %add3A_188 = arith.constant 12 : i32
    %add3A_189 = arith.addi %mul3A_20, %add3A_188 : i32
    %dma_start3A_190 = arith.constant 0 : i32
    %dma_start3A_191 = arith.constant 7 : i32
    %dma_start3A_192 = arith.constant 0 : i32
    %dma_start3A_193 = arith.constant 0 : i32
    %dma_start3A_194 = arith.constant 0 : i32
    %dma_start3A_195 = tpu.memref_slice %arg8[%arg1, %dma_start3A_191, %dma_start3A_192, %dma_start3A_193, %dma_start3A_194] : memref<16x8x4x32x128xf16, #tpu.memory_space<vmem_shared>> -> memref<1x1x4x32x128xf16, #tpu.memory_space<vmem_shared>>
    %dma_start3A_196 = tpu.memref_squeeze %dma_start3A_195 : memref<1x1x4x32x128xf16, #tpu.memory_space<vmem_shared>> -> memref<4x32x128xf16, #tpu.memory_space<vmem_shared>>
    %dma_start3A_197 = arith.constant 0 : i32
    %dma_start3A_198 = arith.constant 0 : i32
    %dma_start3A_199 = tpu.memref_slice %arg3[%dma_start3A_190, %select_n3A, %add3A_189, %dma_start3A_197, %dma_start3A_198] : memref<1x8x2048x32x128xf16, #tpu.memory_space<hbm>> -> memref<1x1x4x32x128xf16, #tpu.memory_space<hbm>>
    %dma_start3A_200 = tpu.memref_squeeze %dma_start3A_199 : memref<1x1x4x32x128xf16, #tpu.memory_space<hbm>> -> memref<4x32x128xf16, #tpu.memory_space<hbm>>
    tpu.enqueue_dma source(%dma_start3A_200 : memref<4x32x128xf16, #tpu.memory_space<hbm>>) target(%dma_start3A_196 : memref<4x32x128xf16, #tpu.memory_space<vmem_shared>>) target_semaphore(%arg16 : memref<!tpu.dma_semaphore, #tpu.memory_space<semaphore_mem>>)
    %add3A_201 = arith.constant 4 : i32
    %add3A_202 = arith.addi %mul3A_20, %add3A_201 : i32
    %dma_wait3A_203 = arith.constant 0 : i32
    %dma_wait3A_204 = arith.constant 3 : i32
    %dma_wait3A_205 = arith.constant 0 : i32
    %dma_wait3A_206 = arith.constant 0 : i32
    %dma_wait3A_207 = arith.constant 0 : i32
    %dma_wait3A_208 = tpu.memref_slice %arg8[%arg1, %dma_wait3A_204, %dma_wait3A_205, %dma_wait3A_206, %dma_wait3A_207] : memref<16x8x4x32x128xf16, #tpu.memory_space<vmem_shared>> -> memref<1x1x4x32x128xf16, #tpu.memory_space<vmem_shared>>
    %dma_wait3A_209 = tpu.memref_squeeze %dma_wait3A_208 : memref<1x1x4x32x128xf16, #tpu.memory_space<vmem_shared>> -> memref<4x32x128xf16, #tpu.memory_space<vmem_shared>>
    %dma_wait3A_210 = arith.constant 0 : i32
    %dma_wait3A_211 = arith.constant 0 : i32
    %dma_wait3A_212 = tpu.memref_slice %arg3[%dma_wait3A_203, %select_n3A, %add3A_202, %dma_wait3A_210, %dma_wait3A_211] : memref<1x8x2048x32x128xf16, #tpu.memory_space<hbm>> -> memref<1x1x4x32x128xf16, #tpu.memory_space<hbm>>
    %dma_wait3A_213 = tpu.memref_squeeze %dma_wait3A_212 : memref<1x1x4x32x128xf16, #tpu.memory_space<hbm>> -> memref<4x32x128xf16, #tpu.memory_space<hbm>>
    tpu.wait_dma2 semaphore(%arg12 : memref<!tpu.dma_semaphore, #tpu.memory_space<semaphore_mem>>) src(%dma_wait3A_213 : memref<4x32x128xf16, #tpu.memory_space<hbm>>) dst(%dma_wait3A_209 : memref<4x32x128xf16, #tpu.memory_space<vmem_shared>>)
    %add3A_214 = arith.constant 4 : i32
    %add3A_215 = arith.addi %mul3A_20, %add3A_214 : i32
    %dma_start3A_216 = arith.constant 3 : i32
    %dma_start3A_217 = arith.constant 0 : i32
    %dma_start3A_218 = arith.constant 0 : i32
    %dma_start3A_219 = arith.constant 0 : i32
    %dma_start3A_220 = tpu.memref_slice %arg7[%dma_start3A_217, %select_n3A, %add3A_215, %dma_start3A_218, %dma_start3A_219] : memref<1x8x2064x32x128xf16, #tpu.memory_space<hbm>> -> memref<1x1x4x32x128xf16, #tpu.memory_space<hbm>>
    %dma_start3A_221 = tpu.memref_squeeze %dma_start3A_220 : memref<1x1x4x32x128xf16, #tpu.memory_space<hbm>> -> memref<4x32x128xf16, #tpu.memory_space<hbm>>
    %dma_start3A_222 = arith.constant 0 : i32
    %dma_start3A_223 = arith.constant 0 : i32
    %dma_start3A_224 = arith.constant 0 : i32
    %dma_start3A_225 = tpu.memref_slice %arg8[%arg1, %dma_start3A_216, %dma_start3A_222, %dma_start3A_223, %dma_start3A_224] : memref<16x8x4x32x128xf16, #tpu.memory_space<vmem_shared>> -> memref<1x1x4x32x128xf16, #tpu.memory_space<vmem_shared>>
    %dma_start3A_226 = tpu.memref_squeeze %dma_start3A_225 : memref<1x1x4x32x128xf16, #tpu.memory_space<vmem_shared>> -> memref<4x32x128xf16, #tpu.memory_space<vmem_shared>>
    tpu.enqueue_dma source(%dma_start3A_226 : memref<4x32x128xf16, #tpu.memory_space<vmem_shared>>) target(%dma_start3A_221 : memref<4x32x128xf16, #tpu.memory_space<hbm>>) target_semaphore(%arg20 : memref<!tpu.dma_semaphore, #tpu.memory_space<semaphore_mem>>)
    %add3A_227 = arith.constant 0 : i32
    %add3A_228 = arith.addi %mul3A_20, %add3A_227 : i32
    %dma_wait3A_229 = arith.constant 0 : i32
    %dma_wait3A_230 = arith.constant 0 : i32
    %dma_wait3A_231 = arith.constant 0 : i32
    %dma_wait3A_232 = arith.constant 0 : i32
    %dma_wait3A_233 = tpu.memref_slice %arg6[%dma_wait3A_230, %select_n3A, %add3A_228, %dma_wait3A_231, %dma_wait3A_232] : memref<1x8x2064x32x128xf16, #tpu.memory_space<hbm>> -> memref<1x1x4x32x128xf16, #tpu.memory_space<hbm>>
    %dma_wait3A_234 = tpu.memref_squeeze %dma_wait3A_233 : memref<1x1x4x32x128xf16, #tpu.memory_space<hbm>> -> memref<4x32x128xf16, #tpu.memory_space<hbm>>
    %dma_wait3A_235 = arith.constant 0 : i32
    %dma_wait3A_236 = arith.constant 0 : i32
    %dma_wait3A_237 = arith.constant 0 : i32
    %dma_wait3A_238 = tpu.memref_slice %arg8[%arg1, %dma_wait3A_229, %dma_wait3A_235, %dma_wait3A_236, %dma_wait3A_237] : memref<16x8x4x32x128xf16, #tpu.memory_space<vmem_shared>> -> memref<1x1x4x32x128xf16, #tpu.memory_space<vmem_shared>>
    %dma_wait3A_239 = tpu.memref_squeeze %dma_wait3A_238 : memref<1x1x4x32x128xf16, #tpu.memory_space<vmem_shared>> -> memref<4x32x128xf16, #tpu.memory_space<vmem_shared>>
    tpu.wait_dma2 semaphore(%arg17 : memref<!tpu.dma_semaphore, #tpu.memory_space<semaphore_mem>>) src(%dma_wait3A_239 : memref<4x32x128xf16, #tpu.memory_space<vmem_shared>>) dst(%dma_wait3A_234 : memref<4x32x128xf16, #tpu.memory_space<hbm>>)
    %add3A_240 = arith.constant 16 : i32
    %add3A_241 = arith.addi %mul3A_20, %add3A_240 : i32
    %dma_start3A_242 = arith.constant 0 : i32
    %dma_start3A_243 = arith.constant 0 : i32
    %dma_start3A_244 = arith.constant 0 : i32
    %dma_start3A_245 = arith.constant 0 : i32
    %dma_start3A_246 = arith.constant 0 : i32
    %dma_start3A_247 = tpu.memref_slice %arg8[%arg1, %dma_start3A_243, %dma_start3A_244, %dma_start3A_245, %dma_start3A_246] : memref<16x8x4x32x128xf16, #tpu.memory_space<vmem_shared>> -> memref<1x1x4x32x128xf16, #tpu.memory_space<vmem_shared>>
    %dma_start3A_248 = tpu.memref_squeeze %dma_start3A_247 : memref<1x1x4x32x128xf16, #tpu.memory_space<vmem_shared>> -> memref<4x32x128xf16, #tpu.memory_space<vmem_shared>>
    %dma_start3A_249 = arith.constant 0 : i32
    %dma_start3A_250 = arith.constant 0 : i32
    %dma_start3A_251 = tpu.memref_slice %arg2[%dma_start3A_242, %select_n3A, %add3A_241, %dma_start3A_249, %dma_start3A_250] : memref<1x8x2048x32x128xf16, #tpu.memory_space<hbm>> -> memref<1x1x4x32x128xf16, #tpu.memory_space<hbm>>
    %dma_start3A_252 = tpu.memref_squeeze %dma_start3A_251 : memref<1x1x4x32x128xf16, #tpu.memory_space<hbm>> -> memref<4x32x128xf16, #tpu.memory_space<hbm>>
    tpu.enqueue_dma source(%dma_start3A_252 : memref<4x32x128xf16, #tpu.memory_space<hbm>>) target(%dma_start3A_248 : memref<4x32x128xf16, #tpu.memory_space<vmem_shared>>) target_semaphore(%arg9 : memref<!tpu.dma_semaphore, #tpu.memory_space<semaphore_mem>>)
    %add3A_253 = arith.constant 8 : i32
    %add3A_254 = arith.addi %mul3A_20, %add3A_253 : i32
    %dma_wait3A_255 = arith.constant 0 : i32
    %dma_wait3A_256 = arith.constant 4 : i32
    %dma_wait3A_257 = arith.constant 0 : i32
    %dma_wait3A_258 = arith.constant 0 : i32
    %dma_wait3A_259 = arith.constant 0 : i32
    %dma_wait3A_260 = tpu.memref_slice %arg8[%arg1, %dma_wait3A_256, %dma_wait3A_257, %dma_wait3A_258, %dma_wait3A_259] : memref<16x8x4x32x128xf16, #tpu.memory_space<vmem_shared>> -> memref<1x1x4x32x128xf16, #tpu.memory_space<vmem_shared>>
    %dma_wait3A_261 = tpu.memref_squeeze %dma_wait3A_260 : memref<1x1x4x32x128xf16, #tpu.memory_space<vmem_shared>> -> memref<4x32x128xf16, #tpu.memory_space<vmem_shared>>
    %dma_wait3A_262 = arith.constant 0 : i32
    %dma_wait3A_263 = arith.constant 0 : i32
    %dma_wait3A_264 = tpu.memref_slice %arg2[%dma_wait3A_255, %select_n3A, %add3A_254, %dma_wait3A_262, %dma_wait3A_263] : memref<1x8x2048x32x128xf16, #tpu.memory_space<hbm>> -> memref<1x1x4x32x128xf16, #tpu.memory_space<hbm>>
    %dma_wait3A_265 = tpu.memref_squeeze %dma_wait3A_264 : memref<1x1x4x32x128xf16, #tpu.memory_space<hbm>> -> memref<4x32x128xf16, #tpu.memory_space<hbm>>
    tpu.wait_dma2 semaphore(%arg13 : memref<!tpu.dma_semaphore, #tpu.memory_space<semaphore_mem>>) src(%dma_wait3A_265 : memref<4x32x128xf16, #tpu.memory_space<hbm>>) dst(%dma_wait3A_261 : memref<4x32x128xf16, #tpu.memory_space<vmem_shared>>)
    %add3A_266 = arith.constant 8 : i32
    %add3A_267 = arith.addi %mul3A_20, %add3A_266 : i32
    %dma_start3A_268 = arith.constant 4 : i32
    %dma_start3A_269 = arith.constant 0 : i32
    %dma_start3A_270 = arith.constant 0 : i32
    %dma_start3A_271 = arith.constant 0 : i32
    %dma_start3A_272 = tpu.memref_slice %arg6[%dma_start3A_269, %select_n3A, %add3A_267, %dma_start3A_270, %dma_start3A_271] : memref<1x8x2064x32x128xf16, #tpu.memory_space<hbm>> -> memref<1x1x4x32x128xf16, #tpu.memory_space<hbm>>
    %dma_start3A_273 = tpu.memref_squeeze %dma_start3A_272 : memref<1x1x4x32x128xf16, #tpu.memory_space<hbm>> -> memref<4x32x128xf16, #tpu.memory_space<hbm>>
    %dma_start3A_274 = arith.constant 0 : i32
    %dma_start3A_275 = arith.constant 0 : i32
    %dma_start3A_276 = arith.constant 0 : i32
    %dma_start3A_277 = tpu.memref_slice %arg8[%arg1, %dma_start3A_268, %dma_start3A_274, %dma_start3A_275, %dma_start3A_276] : memref<16x8x4x32x128xf16, #tpu.memory_space<vmem_shared>> -> memref<1x1x4x32x128xf16, #tpu.memory_space<vmem_shared>>
    %dma_start3A_278 = tpu.memref_squeeze %dma_start3A_277 : memref<1x1x4x32x128xf16, #tpu.memory_space<vmem_shared>> -> memref<4x32x128xf16, #tpu.memory_space<vmem_shared>>
    tpu.enqueue_dma source(%dma_start3A_278 : memref<4x32x128xf16, #tpu.memory_space<vmem_shared>>) target(%dma_start3A_273 : memref<4x32x128xf16, #tpu.memory_space<hbm>>) target_semaphore(%arg21 : memref<!tpu.dma_semaphore, #tpu.memory_space<semaphore_mem>>)
    %add3A_279 = arith.constant 0 : i32
    %add3A_280 = arith.addi %mul3A_20, %add3A_279 : i32
    %dma_wait3A_281 = arith.constant 1 : i32
    %dma_wait3A_282 = arith.constant 0 : i32
    %dma_wait3A_283 = arith.constant 0 : i32
    %dma_wait3A_284 = arith.constant 0 : i32
    %dma_wait3A_285 = tpu.memref_slice %arg7[%dma_wait3A_282, %select_n3A, %add3A_280, %dma_wait3A_283, %dma_wait3A_284] : memref<1x8x2064x32x128xf16, #tpu.memory_space<hbm>> -> memref<1x1x4x32x128xf16, #tpu.memory_space<hbm>>
    %dma_wait3A_286 = tpu.memref_squeeze %dma_wait3A_285 : memref<1x1x4x32x128xf16, #tpu.memory_space<hbm>> -> memref<4x32x128xf16, #tpu.memory_space<hbm>>
    %dma_wait3A_287 = arith.constant 0 : i32
    %dma_wait3A_288 = arith.constant 0 : i32
    %dma_wait3A_289 = arith.constant 0 : i32
    %dma_wait3A_290 = tpu.memref_slice %arg8[%arg1, %dma_wait3A_281, %dma_wait3A_287, %dma_wait3A_288, %dma_wait3A_289] : memref<16x8x4x32x128xf16, #tpu.memory_space<vmem_shared>> -> memref<1x1x4x32x128xf16, #tpu.memory_space<vmem_shared>>
    %dma_wait3A_291 = tpu.memref_squeeze %dma_wait3A_290 : memref<1x1x4x32x128xf16, #tpu.memory_space<vmem_shared>> -> memref<4x32x128xf16, #tpu.memory_space<vmem_shared>>
    tpu.wait_dma2 semaphore(%arg18 : memref<!tpu.dma_semaphore, #tpu.memory_space<semaphore_mem>>) src(%dma_wait3A_291 : memref<4x32x128xf16, #tpu.memory_space<vmem_shared>>) dst(%dma_wait3A_286 : memref<4x32x128xf16, #tpu.memory_space<hbm>>)
    %add3A_292 = arith.constant 16 : i32
    %add3A_293 = arith.addi %mul3A_20, %add3A_292 : i32
    %dma_start3A_294 = arith.constant 0 : i32
    %dma_start3A_295 = arith.constant 1 : i32
    %dma_start3A_296 = arith.constant 0 : i32
    %dma_start3A_297 = arith.constant 0 : i32
    %dma_start3A_298 = arith.constant 0 : i32
    %dma_start3A_299 = tpu.memref_slice %arg8[%arg1, %dma_start3A_295, %dma_start3A_296, %dma_start3A_297, %dma_start3A_298] : memref<16x8x4x32x128xf16, #tpu.memory_space<vmem_shared>> -> memref<1x1x4x32x128xf16, #tpu.memory_space<vmem_shared>>
    %dma_start3A_300 = tpu.memref_squeeze %dma_start3A_299 : memref<1x1x4x32x128xf16, #tpu.memory_space<vmem_shared>> -> memref<4x32x128xf16, #tpu.memory_space<vmem_shared>>
    %dma_start3A_301 = arith.constant 0 : i32
    %dma_start3A_302 = arith.constant 0 : i32
    %dma_start3A_303 = tpu.memref_slice %arg3[%dma_start3A_294, %select_n3A, %add3A_293, %dma_start3A_301, %dma_start3A_302] : memref<1x8x2048x32x128xf16, #tpu.memory_space<hbm>> -> memref<1x1x4x32x128xf16, #tpu.memory_space<hbm>>
    %dma_start3A_304 = tpu.memref_squeeze %dma_start3A_303 : memref<1x1x4x32x128xf16, #tpu.memory_space<hbm>> -> memref<4x32x128xf16, #tpu.memory_space<hbm>>
    tpu.enqueue_dma source(%dma_start3A_304 : memref<4x32x128xf16, #tpu.memory_space<hbm>>) target(%dma_start3A_300 : memref<4x32x128xf16, #tpu.memory_space<vmem_shared>>) target_semaphore(%arg10 : memref<!tpu.dma_semaphore, #tpu.memory_space<semaphore_mem>>)
    %add3A_305 = arith.constant 8 : i32
    %add3A_306 = arith.addi %mul3A_20, %add3A_305 : i32
    %dma_wait3A_307 = arith.constant 0 : i32
    %dma_wait3A_308 = arith.constant 5 : i32
    %dma_wait3A_309 = arith.constant 0 : i32
    %dma_wait3A_310 = arith.constant 0 : i32
    %dma_wait3A_311 = arith.constant 0 : i32
    %dma_wait3A_312 = tpu.memref_slice %arg8[%arg1, %dma_wait3A_308, %dma_wait3A_309, %dma_wait3A_310, %dma_wait3A_311] : memref<16x8x4x32x128xf16, #tpu.memory_space<vmem_shared>> -> memref<1x1x4x32x128xf16, #tpu.memory_space<vmem_shared>>
    %dma_wait3A_313 = tpu.memref_squeeze %dma_wait3A_312 : memref<1x1x4x32x128xf16, #tpu.memory_space<vmem_shared>> -> memref<4x32x128xf16, #tpu.memory_space<vmem_shared>>
    %dma_wait3A_314 = arith.constant 0 : i32
    %dma_wait3A_315 = arith.constant 0 : i32
    %dma_wait3A_316 = tpu.memref_slice %arg3[%dma_wait3A_307, %select_n3A, %add3A_306, %dma_wait3A_314, %dma_wait3A_315] : memref<1x8x2048x32x128xf16, #tpu.memory_space<hbm>> -> memref<1x1x4x32x128xf16, #tpu.memory_space<hbm>>
    %dma_wait3A_317 = tpu.memref_squeeze %dma_wait3A_316 : memref<1x1x4x32x128xf16, #tpu.memory_space<hbm>> -> memref<4x32x128xf16, #tpu.memory_space<hbm>>
    tpu.wait_dma2 semaphore(%arg14 : memref<!tpu.dma_semaphore, #tpu.memory_space<semaphore_mem>>) src(%dma_wait3A_317 : memref<4x32x128xf16, #tpu.memory_space<hbm>>) dst(%dma_wait3A_313 : memref<4x32x128xf16, #tpu.memory_space<vmem_shared>>)
    %add3A_318 = arith.constant 8 : i32
    %add3A_319 = arith.addi %mul3A_20, %add3A_318 : i32
    %dma_start3A_320 = arith.constant 5 : i32
    %dma_start3A_321 = arith.constant 0 : i32
    %dma_start3A_322 = arith.constant 0 : i32
    %dma_start3A_323 = arith.constant 0 : i32
    %dma_start3A_324 = tpu.memref_slice %arg7[%dma_start3A_321, %select_n3A, %add3A_319, %dma_start3A_322, %dma_start3A_323] : memref<1x8x2064x32x128xf16, #tpu.memory_space<hbm>> -> memref<1x1x4x32x128xf16, #tpu.memory_space<hbm>>
    %dma_start3A_325 = tpu.memref_squeeze %dma_start3A_324 : memref<1x1x4x32x128xf16, #tpu.memory_space<hbm>> -> memref<4x32x128xf16, #tpu.memory_space<hbm>>
    %dma_start3A_326 = arith.constant 0 : i32
    %dma_start3A_327 = arith.constant 0 : i32
    %dma_start3A_328 = arith.constant 0 : i32
    %dma_start3A_329 = tpu.memref_slice %arg8[%arg1, %dma_start3A_320, %dma_start3A_326, %dma_start3A_327, %dma_start3A_328] : memref<16x8x4x32x128xf16, #tpu.memory_space<vmem_shared>> -> memref<1x1x4x32x128xf16, #tpu.memory_space<vmem_shared>>
    %dma_start3A_330 = tpu.memref_squeeze %dma_start3A_329 : memref<1x1x4x32x128xf16, #tpu.memory_space<vmem_shared>> -> memref<4x32x128xf16, #tpu.memory_space<vmem_shared>>
    tpu.enqueue_dma source(%dma_start3A_330 : memref<4x32x128xf16, #tpu.memory_space<vmem_shared>>) target(%dma_start3A_325 : memref<4x32x128xf16, #tpu.memory_space<hbm>>) target_semaphore(%arg22 : memref<!tpu.dma_semaphore, #tpu.memory_space<semaphore_mem>>)
    %add3A_331 = arith.constant 4 : i32
    %add3A_332 = arith.addi %mul3A_20, %add3A_331 : i32
    %dma_wait3A_333 = arith.constant 2 : i32
    %dma_wait3A_334 = arith.constant 0 : i32
    %dma_wait3A_335 = arith.constant 0 : i32
    %dma_wait3A_336 = arith.constant 0 : i32
    %dma_wait3A_337 = tpu.memref_slice %arg6[%dma_wait3A_334, %select_n3A, %add3A_332, %dma_wait3A_335, %dma_wait3A_336] : memref<1x8x2064x32x128xf16, #tpu.memory_space<hbm>> -> memref<1x1x4x32x128xf16, #tpu.memory_space<hbm>>
    %dma_wait3A_338 = tpu.memref_squeeze %dma_wait3A_337 : memref<1x1x4x32x128xf16, #tpu.memory_space<hbm>> -> memref<4x32x128xf16, #tpu.memory_space<hbm>>
    %dma_wait3A_339 = arith.constant 0 : i32
    %dma_wait3A_340 = arith.constant 0 : i32
    %dma_wait3A_341 = arith.constant 0 : i32
    %dma_wait3A_342 = tpu.memref_slice %arg8[%arg1, %dma_wait3A_333, %dma_wait3A_339, %dma_wait3A_340, %dma_wait3A_341] : memref<16x8x4x32x128xf16, #tpu.memory_space<vmem_shared>> -> memref<1x1x4x32x128xf16, #tpu.memory_space<vmem_shared>>
    %dma_wait3A_343 = tpu.memref_squeeze %dma_wait3A_342 : memref<1x1x4x32x128xf16, #tpu.memory_space<vmem_shared>> -> memref<4x32x128xf16, #tpu.memory_space<vmem_shared>>
    tpu.wait_dma2 semaphore(%arg19 : memref<!tpu.dma_semaphore, #tpu.memory_space<semaphore_mem>>) src(%dma_wait3A_343 : memref<4x32x128xf16, #tpu.memory_space<vmem_shared>>) dst(%dma_wait3A_338 : memref<4x32x128xf16, #tpu.memory_space<hbm>>)
    %add3A_344 = arith.constant 20 : i32
    %add3A_345 = arith.addi %mul3A_20, %add3A_344 : i32
    %dma_start3A_346 = arith.constant 0 : i32
    %dma_start3A_347 = arith.constant 2 : i32
    %dma_start3A_348 = arith.constant 0 : i32
    %dma_start3A_349 = arith.constant 0 : i32
    %dma_start3A_350 = arith.constant 0 : i32
    %dma_start3A_351 = tpu.memref_slice %arg8[%arg1, %dma_start3A_347, %dma_start3A_348, %dma_start3A_349, %dma_start3A_350] : memref<16x8x4x32x128xf16, #tpu.memory_space<vmem_shared>> -> memref<1x1x4x32x128xf16, #tpu.memory_space<vmem_shared>>
    %dma_start3A_352 = tpu.memref_squeeze %dma_start3A_351 : memref<1x1x4x32x128xf16, #tpu.memory_space<vmem_shared>> -> memref<4x32x128xf16, #tpu.memory_space<vmem_shared>>
    %dma_start3A_353 = arith.constant 0 : i32
    %dma_start3A_354 = arith.constant 0 : i32
    %dma_start3A_355 = tpu.memref_slice %arg2[%dma_start3A_346, %select_n3A, %add3A_345, %dma_start3A_353, %dma_start3A_354] : memref<1x8x2048x32x128xf16, #tpu.memory_space<hbm>> -> memref<1x1x4x32x128xf16, #tpu.memory_space<hbm>>
    %dma_start3A_356 = tpu.memref_squeeze %dma_start3A_355 : memref<1x1x4x32x128xf16, #tpu.memory_space<hbm>> -> memref<4x32x128xf16, #tpu.memory_space<hbm>>
    tpu.enqueue_dma source(%dma_start3A_356 : memref<4x32x128xf16, #tpu.memory_space<hbm>>) target(%dma_start3A_352 : memref<4x32x128xf16, #tpu.memory_space<vmem_shared>>) target_semaphore(%arg11 : memref<!tpu.dma_semaphore, #tpu.memory_space<semaphore_mem>>)
    %add3A_357 = arith.constant 12 : i32
    %add3A_358 = arith.addi %mul3A_20, %add3A_357 : i32
    %dma_wait3A_359 = arith.constant 0 : i32
    %dma_wait3A_360 = arith.constant 6 : i32
    %dma_wait3A_361 = arith.constant 0 : i32
    %dma_wait3A_362 = arith.constant 0 : i32
    %dma_wait3A_363 = arith.constant 0 : i32
    %dma_wait3A_364 = tpu.memref_slice %arg8[%arg1, %dma_wait3A_360, %dma_wait3A_361, %dma_wait3A_362, %dma_wait3A_363] : memref<16x8x4x32x128xf16, #tpu.memory_space<vmem_shared>> -> memref<1x1x4x32x128xf16, #tpu.memory_space<vmem_shared>>
    %dma_wait3A_365 = tpu.memref_squeeze %dma_wait3A_364 : memref<1x1x4x32x128xf16, #tpu.memory_space<vmem_shared>> -> memref<4x32x128xf16, #tpu.memory_space<vmem_shared>>
    %dma_wait3A_366 = arith.constant 0 : i32
    %dma_wait3A_367 = arith.constant 0 : i32
    %dma_wait3A_368 = tpu.memref_slice %arg2[%dma_wait3A_359, %select_n3A, %add3A_358, %dma_wait3A_366, %dma_wait3A_367] : memref<1x8x2048x32x128xf16, #tpu.memory_space<hbm>> -> memref<1x1x4x32x128xf16, #tpu.memory_space<hbm>>
    %dma_wait3A_369 = tpu.memref_squeeze %dma_wait3A_368 : memref<1x1x4x32x128xf16, #tpu.memory_space<hbm>> -> memref<4x32x128xf16, #tpu.memory_space<hbm>>
    tpu.wait_dma2 semaphore(%arg15 : memref<!tpu.dma_semaphore, #tpu.memory_space<semaphore_mem>>) src(%dma_wait3A_369 : memref<4x32x128xf16, #tpu.memory_space<hbm>>) dst(%dma_wait3A_365 : memref<4x32x128xf16, #tpu.memory_space<vmem_shared>>)
    %add3A_370 = arith.constant 12 : i32
    %add3A_371 = arith.addi %mul3A_20, %add3A_370 : i32
    %dma_start3A_372 = arith.constant 6 : i32
    %dma_start3A_373 = arith.constant 0 : i32
    %dma_start3A_374 = arith.constant 0 : i32
    %dma_start3A_375 = arith.constant 0 : i32
    %dma_start3A_376 = tpu.memref_slice %arg6[%dma_start3A_373, %select_n3A, %add3A_371, %dma_start3A_374, %dma_start3A_375] : memref<1x8x2064x32x128xf16, #tpu.memory_space<hbm>> -> memref<1x1x4x32x128xf16, #tpu.memory_space<hbm>>
    %dma_start3A_377 = tpu.memref_squeeze %dma_start3A_376 : memref<1x1x4x32x128xf16, #tpu.memory_space<hbm>> -> memref<4x32x128xf16, #tpu.memory_space<hbm>>
    %dma_start3A_378 = arith.constant 0 : i32
    %dma_start3A_379 = arith.constant 0 : i32
    %dma_start3A_380 = arith.constant 0 : i32
    %dma_start3A_381 = tpu.memref_slice %arg8[%arg1, %dma_start3A_372, %dma_start3A_378, %dma_start3A_379, %dma_start3A_380] : memref<16x8x4x32x128xf16, #tpu.memory_space<vmem_shared>> -> memref<1x1x4x32x128xf16, #tpu.memory_space<vmem_shared>>
    %dma_start3A_382 = tpu.memref_squeeze %dma_start3A_381 : memref<1x1x4x32x128xf16, #tpu.memory_space<vmem_shared>> -> memref<4x32x128xf16, #tpu.memory_space<vmem_shared>>
    tpu.enqueue_dma source(%dma_start3A_382 : memref<4x32x128xf16, #tpu.memory_space<vmem_shared>>) target(%dma_start3A_377 : memref<4x32x128xf16, #tpu.memory_space<hbm>>) target_semaphore(%arg23 : memref<!tpu.dma_semaphore, #tpu.memory_space<semaphore_mem>>)
    %add3A_383 = arith.constant 4 : i32
    %add3A_384 = arith.addi %mul3A_20, %add3A_383 : i32
    %dma_wait3A_385 = arith.constant 3 : i32
    %dma_wait3A_386 = arith.constant 0 : i32
    %dma_wait3A_387 = arith.constant 0 : i32
    %dma_wait3A_388 = arith.constant 0 : i32
    %dma_wait3A_389 = tpu.memref_slice %arg7[%dma_wait3A_386, %select_n3A, %add3A_384, %dma_wait3A_387, %dma_wait3A_388] : memref<1x8x2064x32x128xf16, #tpu.memory_space<hbm>> -> memref<1x1x4x32x128xf16, #tpu.memory_space<hbm>>
    %dma_wait3A_390 = tpu.memref_squeeze %dma_wait3A_389 : memref<1x1x4x32x128xf16, #tpu.memory_space<hbm>> -> memref<4x32x128xf16, #tpu.memory_space<hbm>>
    %dma_wait3A_391 = arith.constant 0 : i32
    %dma_wait3A_392 = arith.constant 0 : i32
    %dma_wait3A_393 = arith.constant 0 : i32
    %dma_wait3A_394 = tpu.memref_slice %arg8[%arg1, %dma_wait3A_385, %dma_wait3A_391, %dma_wait3A_392, %dma_wait3A_393] : memref<16x8x4x32x128xf16, #tpu.memory_space<vmem_shared>> -> memref<1x1x4x32x128xf16, #tpu.memory_space<vmem_shared>>
    %dma_wait3A_395 = tpu.memref_squeeze %dma_wait3A_394 : memref<1x1x4x32x128xf16, #tpu.memory_space<vmem_shared>> -> memref<4x32x128xf16, #tpu.memory_space<vmem_shared>>
    tpu.wait_dma2 semaphore(%arg20 : memref<!tpu.dma_semaphore, #tpu.memory_space<semaphore_mem>>) src(%dma_wait3A_395 : memref<4x32x128xf16, #tpu.memory_space<vmem_shared>>) dst(%dma_wait3A_390 : memref<4x32x128xf16, #tpu.memory_space<hbm>>)
    %add3A_396 = arith.constant 20 : i32
    %add3A_397 = arith.addi %mul3A_20, %add3A_396 : i32
    %dma_start3A_398 = arith.constant 0 : i32
    %dma_start3A_399 = arith.constant 3 : i32
    %dma_start3A_400 = arith.constant 0 : i32
    %dma_start3A_401 = arith.constant 0 : i32
    %dma_start3A_402 = arith.constant 0 : i32
    %dma_start3A_403 = tpu.memref_slice %arg8[%arg1, %dma_start3A_399, %dma_start3A_400, %dma_start3A_401, %dma_start3A_402] : memref<16x8x4x32x128xf16, #tpu.memory_space<vmem_shared>> -> memref<1x1x4x32x128xf16, #tpu.memory_space<vmem_shared>>
    %dma_start3A_404 = tpu.memref_squeeze %dma_start3A_403 : memref<1x1x4x32x128xf16, #tpu.memory_space<vmem_shared>> -> memref<4x32x128xf16, #tpu.memory_space<vmem_shared>>
    %dma_start3A_405 = arith.constant 0 : i32
    %dma_start3A_406 = arith.constant 0 : i32
    %dma_start3A_407 = tpu.memref_slice %arg3[%dma_start3A_398, %select_n3A, %add3A_397, %dma_start3A_405, %dma_start3A_406] : memref<1x8x2048x32x128xf16, #tpu.memory_space<hbm>> -> memref<1x1x4x32x128xf16, #tpu.memory_space<hbm>>
    %dma_start3A_408 = tpu.memref_squeeze %dma_start3A_407 : memref<1x1x4x32x128xf16, #tpu.memory_space<hbm>> -> memref<4x32x128xf16, #tpu.memory_space<hbm>>
    tpu.enqueue_dma source(%dma_start3A_408 : memref<4x32x128xf16, #tpu.memory_space<hbm>>) target(%dma_start3A_404 : memref<4x32x128xf16, #tpu.memory_space<vmem_shared>>) target_semaphore(%arg12 : memref<!tpu.dma_semaphore, #tpu.memory_space<semaphore_mem>>)
    %add3A_409 = arith.constant 12 : i32
    %add3A_410 = arith.addi %mul3A_20, %add3A_409 : i32
    %dma_wait3A_411 = arith.constant 0 : i32
    %dma_wait3A_412 = arith.constant 7 : i32
    %dma_wait3A_413 = arith.constant 0 : i32
    %dma_wait3A_414 = arith.constant 0 : i32
    %dma_wait3A_415 = arith.constant 0 : i32
    %dma_wait3A_416 = tpu.memref_slice %arg8[%arg1, %dma_wait3A_412, %dma_wait3A_413, %dma_wait3A_414, %dma_wait3A_415] : memref<16x8x4x32x128xf16, #tpu.memory_space<vmem_shared>> -> memref<1x1x4x32x128xf16, #tpu.memory_space<vmem_shared>>
    %dma_wait3A_417 = tpu.memref_squeeze %dma_wait3A_416 : memref<1x1x4x32x128xf16, #tpu.memory_space<vmem_shared>> -> memref<4x32x128xf16, #tpu.memory_space<vmem_shared>>
    %dma_wait3A_418 = arith.constant 0 : i32
    %dma_wait3A_419 = arith.constant 0 : i32
    %dma_wait3A_420 = tpu.memref_slice %arg3[%dma_wait3A_411, %select_n3A, %add3A_410, %dma_wait3A_418, %dma_wait3A_419] : memref<1x8x2048x32x128xf16, #tpu.memory_space<hbm>> -> memref<1x1x4x32x128xf16, #tpu.memory_space<hbm>>
    %dma_wait3A_421 = tpu.memref_squeeze %dma_wait3A_420 : memref<1x1x4x32x128xf16, #tpu.memory_space<hbm>> -> memref<4x32x128xf16, #tpu.memory_space<hbm>>
    tpu.wait_dma2 semaphore(%arg16 : memref<!tpu.dma_semaphore, #tpu.memory_space<semaphore_mem>>) src(%dma_wait3A_421 : memref<4x32x128xf16, #tpu.memory_space<hbm>>) dst(%dma_wait3A_417 : memref<4x32x128xf16, #tpu.memory_space<vmem_shared>>)
    %add3A_422 = arith.constant 12 : i32
    %add3A_423 = arith.addi %mul3A_20, %add3A_422 : i32
    %dma_start3A_424 = arith.constant 7 : i32
    %dma_start3A_425 = arith.constant 0 : i32
    %dma_start3A_426 = arith.constant 0 : i32
    %dma_start3A_427 = arith.constant 0 : i32
    %dma_start3A_428 = tpu.memref_slice %arg7[%dma_start3A_425, %select_n3A, %add3A_423, %dma_start3A_426, %dma_start3A_427] : memref<1x8x2064x32x128xf16, #tpu.memory_space<hbm>> -> memref<1x1x4x32x128xf16, #tpu.memory_space<hbm>>
    %dma_start3A_429 = tpu.memref_squeeze %dma_start3A_428 : memref<1x1x4x32x128xf16, #tpu.memory_space<hbm>> -> memref<4x32x128xf16, #tpu.memory_space<hbm>>
    %dma_start3A_430 = arith.constant 0 : i32
    %dma_start3A_431 = arith.constant 0 : i32
    %dma_start3A_432 = arith.constant 0 : i32
    %dma_start3A_433 = tpu.memref_slice %arg8[%arg1, %dma_start3A_424, %dma_start3A_430, %dma_start3A_431, %dma_start3A_432] : memref<16x8x4x32x128xf16, #tpu.memory_space<vmem_shared>> -> memref<1x1x4x32x128xf16, #tpu.memory_space<vmem_shared>>
    %dma_start3A_434 = tpu.memref_squeeze %dma_start3A_433 : memref<1x1x4x32x128xf16, #tpu.memory_space<vmem_shared>> -> memref<4x32x128xf16, #tpu.memory_space<vmem_shared>>
    tpu.enqueue_dma source(%dma_start3A_434 : memref<4x32x128xf16, #tpu.memory_space<vmem_shared>>) target(%dma_start3A_429 : memref<4x32x128xf16, #tpu.memory_space<hbm>>) target_semaphore(%arg24 : memref<!tpu.dma_semaphore, #tpu.memory_space<semaphore_mem>>)
    %scan3A = arith.constant 0 : i32
    %scan3A_435 = arith.constant 4 : i32
    %scan3A_436 = arith.constant 0 : i32
    %scan3A_437 = arith.constant 5 : i32
    %scan3A_438 = arith.constant 1 : i32
    %scan3A_439 = arith.constant 6 : i32
    %scan3A_440 = arith.constant 2 : i32
    %scan3A_441 = arith.constant 7 : i32
    %scan3A_442 = arith.constant 3 : i32
    %scan3A_443 = arith.constant 0 : i32
    %scan3A_444 = arith.constant 30 : i32
    %scan3A_445 = arith.addi %scan3A_443, %scan3A_444 : i32
    %scan3A_446 = arith.constant 1 : i32
    scf.for %scan3A_879 = %scan3A_443 to %scan3A_445 step %scan3A_446  : i32 {
      %mul3A_880 = arith.constant 8 : i32
      %mul3A_881 = arith.muli %scan3A_879, %mul3A_880 : i32
      %add3A_882 = arith.constant 8 : i32
      %add3A_883 = arith.addi %add3A_882, %mul3A_881 : i32
      %add3A_884 = arith.constant 0 : i32
      %add3A_885 = arith.addi %add3A_883, %add3A_884 : i32
      %sub3A_886 = arith.constant 4 : i32
      %sub3A_887 = arith.subi %add3A_885, %sub3A_886 : i32
      %sub3A_888 = arith.constant 0 : i32
      %sub3A_889 = arith.subi %sub3A_887, %sub3A_888 : i32
      %jit3A_890 = arith.constant 2 : i32
      %div3A_891 = arith.divsi %sub3A_889, %jit3A_890 : i32
      %sign3A_892 = arith.constant 0 : i32
      %sign3A_893 = arith.cmpi sgt, %sub3A_889, %sign3A_892 : i32
      %sign3A_894 = arith.extui %sign3A_893 : i1 to i32
      %sign3A_895 = arith.constant 0 : i32
      %sign3A_896 = arith.cmpi slt, %sub3A_889, %sign3A_895 : i32
      %sign3A_897 = arith.extui %sign3A_896 : i1 to i32
      %sign3A_898 = arith.subi %sign3A_894, %sign3A_897 : i32
      %sign3A_899 = arith.constant 0 : i32
      %sign3A_900 = arith.cmpi sgt, %jit3A_890, %sign3A_899 : i32
      %sign3A_901 = arith.extui %sign3A_900 : i1 to i32
      %sign3A_902 = arith.constant 0 : i32
      %sign3A_903 = arith.cmpi slt, %jit3A_890, %sign3A_902 : i32
      %sign3A_904 = arith.extui %sign3A_903 : i1 to i32
      %sign3A_905 = arith.subi %sign3A_901, %sign3A_904 : i32
      %ne3A_906 = arith.cmpi ne, %sign3A_898, %sign3A_905 : i32
      %rem3A_907 = arith.remsi %sub3A_889, %jit3A_890 : i32
      %ne3A_908 = arith.constant 0 : i32
      %ne3A_909 = arith.cmpi ne, %rem3A_907, %ne3A_908 : i32
      %and3A_910 = arith.andi %ne3A_906, %ne3A_909 : i1
      %sub3A_911 = arith.constant 1 : i32
      %sub3A_912 = arith.subi %div3A_891, %sub3A_911 : i32
      %select_n3A_913 = arith.select %and3A_910, %sub3A_912, %div3A_891 : i32
      %mul3A_914 = arith.constant 4 : i32
      %mul3A_915 = arith.muli %select_n3A_913, %mul3A_914 : i32
      %add3A_916 = arith.addi %mul3A_20, %mul3A_915 : i32
      %dma_wait3A_917 = arith.constant 0 : i32
      %dma_wait3A_918 = arith.constant 0 : i32
      %dma_wait3A_919 = arith.constant 0 : i32
      %dma_wait3A_920 = tpu.memref_slice %arg6[%dma_wait3A_917, %select_n3A, %add3A_916, %dma_wait3A_918, %dma_wait3A_919] : memref<1x8x2064x32x128xf16, #tpu.memory_space<hbm>> -> memref<1x1x4x32x128xf16, #tpu.memory_space<hbm>>
      %dma_wait3A_921 = tpu.memref_squeeze %dma_wait3A_920 : memref<1x1x4x32x128xf16, #tpu.memory_space<hbm>> -> memref<4x32x128xf16, #tpu.memory_space<hbm>>
      %dma_wait3A_922 = arith.constant 0 : i32
      %dma_wait3A_923 = arith.constant 0 : i32
      %dma_wait3A_924 = arith.constant 0 : i32
      %dma_wait3A_925 = tpu.memref_slice %arg8[%arg1, %scan3A_435, %dma_wait3A_922, %dma_wait3A_923, %dma_wait3A_924] : memref<16x8x4x32x128xf16, #tpu.memory_space<vmem_shared>> -> memref<1x1x4x32x128xf16, #tpu.memory_space<vmem_shared>>
      %dma_wait3A_926 = tpu.memref_squeeze %dma_wait3A_925 : memref<1x1x4x32x128xf16, #tpu.memory_space<vmem_shared>> -> memref<4x32x128xf16, #tpu.memory_space<vmem_shared>>
      tpu.wait_dma2 semaphore(%arg21 : memref<!tpu.dma_semaphore, #tpu.memory_space<semaphore_mem>>) src(%dma_wait3A_926 : memref<4x32x128xf16, #tpu.memory_space<vmem_shared>>) dst(%dma_wait3A_921 : memref<4x32x128xf16, #tpu.memory_space<hbm>>)
      %add3A_927 = arith.constant 4 : i32
      %add3A_928 = arith.addi %add3A_885, %add3A_927 : i32
      %sub3A_929 = arith.constant 0 : i32
      %sub3A_930 = arith.subi %add3A_928, %sub3A_929 : i32
      %jit3A_931 = arith.constant 2 : i32
      %div3A_932 = arith.divsi %sub3A_930, %jit3A_931 : i32
      %sign3A_933 = arith.constant 0 : i32
      %sign3A_934 = arith.cmpi sgt, %sub3A_930, %sign3A_933 : i32
      %sign3A_935 = arith.extui %sign3A_934 : i1 to i32
      %sign3A_936 = arith.constant 0 : i32
      %sign3A_937 = arith.cmpi slt, %sub3A_930, %sign3A_936 : i32
      %sign3A_938 = arith.extui %sign3A_937 : i1 to i32
      %sign3A_939 = arith.subi %sign3A_935, %sign3A_938 : i32
      %sign3A_940 = arith.constant 0 : i32
      %sign3A_941 = arith.cmpi sgt, %jit3A_931, %sign3A_940 : i32
      %sign3A_942 = arith.extui %sign3A_941 : i1 to i32
      %sign3A_943 = arith.constant 0 : i32
      %sign3A_944 = arith.cmpi slt, %jit3A_931, %sign3A_943 : i32
      %sign3A_945 = arith.extui %sign3A_944 : i1 to i32
      %sign3A_946 = arith.subi %sign3A_942, %sign3A_945 : i32
      %ne3A_947 = arith.cmpi ne, %sign3A_939, %sign3A_946 : i32
      %rem3A_948 = arith.remsi %sub3A_930, %jit3A_931 : i32
      %ne3A_949 = arith.constant 0 : i32
      %ne3A_950 = arith.cmpi ne, %rem3A_948, %ne3A_949 : i32
      %and3A_951 = arith.andi %ne3A_947, %ne3A_950 : i1
      %sub3A_952 = arith.constant 1 : i32
      %sub3A_953 = arith.subi %div3A_932, %sub3A_952 : i32
      %select_n3A_954 = arith.select %and3A_951, %sub3A_953, %div3A_932 : i32
      %mul3A_955 = arith.constant 4 : i32
      %mul3A_956 = arith.muli %select_n3A_954, %mul3A_955 : i32
      %add3A_957 = arith.addi %mul3A_20, %mul3A_956 : i32
      %dma_start3A_958 = arith.constant 0 : i32
      %dma_start3A_959 = arith.constant 0 : i32
      %dma_start3A_960 = arith.constant 0 : i32
      %dma_start3A_961 = arith.constant 0 : i32
      %dma_start3A_962 = tpu.memref_slice %arg8[%arg1, %scan3A_435, %dma_start3A_959, %dma_start3A_960, %dma_start3A_961] : memref<16x8x4x32x128xf16, #tpu.memory_space<vmem_shared>> -> memref<1x1x4x32x128xf16, #tpu.memory_space<vmem_shared>>
      %dma_start3A_963 = tpu.memref_squeeze %dma_start3A_962 : memref<1x1x4x32x128xf16, #tpu.memory_space<vmem_shared>> -> memref<4x32x128xf16, #tpu.memory_space<vmem_shared>>
      %dma_start3A_964 = arith.constant 0 : i32
      %dma_start3A_965 = arith.constant 0 : i32
      %dma_start3A_966 = tpu.memref_slice %arg2[%dma_start3A_958, %select_n3A, %add3A_957, %dma_start3A_964, %dma_start3A_965] : memref<1x8x2048x32x128xf16, #tpu.memory_space<hbm>> -> memref<1x1x4x32x128xf16, #tpu.memory_space<hbm>>
      %dma_start3A_967 = tpu.memref_squeeze %dma_start3A_966 : memref<1x1x4x32x128xf16, #tpu.memory_space<hbm>> -> memref<4x32x128xf16, #tpu.memory_space<hbm>>
      tpu.enqueue_dma source(%dma_start3A_967 : memref<4x32x128xf16, #tpu.memory_space<hbm>>) target(%dma_start3A_963 : memref<4x32x128xf16, #tpu.memory_space<vmem_shared>>) target_semaphore(%arg13 : memref<!tpu.dma_semaphore, #tpu.memory_space<semaphore_mem>>)
      %sub3A_968 = arith.constant 0 : i32
      %sub3A_969 = arith.subi %add3A_885, %sub3A_968 : i32
      %jit3A_970 = arith.constant 2 : i32
      %div3A_971 = arith.divsi %sub3A_969, %jit3A_970 : i32
      %sign3A_972 = arith.constant 0 : i32
      %sign3A_973 = arith.cmpi sgt, %sub3A_969, %sign3A_972 : i32
      %sign3A_974 = arith.extui %sign3A_973 : i1 to i32
      %sign3A_975 = arith.constant 0 : i32
      %sign3A_976 = arith.cmpi slt, %sub3A_969, %sign3A_975 : i32
      %sign3A_977 = arith.extui %sign3A_976 : i1 to i32
      %sign3A_978 = arith.subi %sign3A_974, %sign3A_977 : i32
      %sign3A_979 = arith.constant 0 : i32
      %sign3A_980 = arith.cmpi sgt, %jit3A_970, %sign3A_979 : i32
      %sign3A_981 = arith.extui %sign3A_980 : i1 to i32
      %sign3A_982 = arith.constant 0 : i32
      %sign3A_983 = arith.cmpi slt, %jit3A_970, %sign3A_982 : i32
      %sign3A_984 = arith.extui %sign3A_983 : i1 to i32
      %sign3A_985 = arith.subi %sign3A_981, %sign3A_984 : i32
      %ne3A_986 = arith.cmpi ne, %sign3A_978, %sign3A_985 : i32
      %rem3A_987 = arith.remsi %sub3A_969, %jit3A_970 : i32
      %ne3A_988 = arith.constant 0 : i32
      %ne3A_989 = arith.cmpi ne, %rem3A_987, %ne3A_988 : i32
      %and3A_990 = arith.andi %ne3A_986, %ne3A_989 : i1
      %sub3A_991 = arith.constant 1 : i32
      %sub3A_992 = arith.subi %div3A_971, %sub3A_991 : i32
      %select_n3A_993 = arith.select %and3A_990, %sub3A_992, %div3A_971 : i32
      %mul3A_994 = arith.constant 4 : i32
      %mul3A_995 = arith.muli %select_n3A_993, %mul3A_994 : i32
      %add3A_996 = arith.addi %mul3A_20, %mul3A_995 : i32
      %dma_wait3A_997 = arith.constant 0 : i32
      %dma_wait3A_998 = arith.constant 0 : i32
      %dma_wait3A_999 = arith.constant 0 : i32
      %dma_wait3A_1000 = arith.constant 0 : i32
      %dma_wait3A_1001 = tpu.memref_slice %arg8[%arg1, %scan3A_436, %dma_wait3A_998, %dma_wait3A_999, %dma_wait3A_1000] : memref<16x8x4x32x128xf16, #tpu.memory_space<vmem_shared>> -> memref<1x1x4x32x128xf16, #tpu.memory_space<vmem_shared>>
      %dma_wait3A_1002 = tpu.memref_squeeze %dma_wait3A_1001 : memref<1x1x4x32x128xf16, #tpu.memory_space<vmem_shared>> -> memref<4x32x128xf16, #tpu.memory_space<vmem_shared>>
      %dma_wait3A_1003 = arith.constant 0 : i32
      %dma_wait3A_1004 = arith.constant 0 : i32
      %dma_wait3A_1005 = tpu.memref_slice %arg2[%dma_wait3A_997, %select_n3A, %add3A_996, %dma_wait3A_1003, %dma_wait3A_1004] : memref<1x8x2048x32x128xf16, #tpu.memory_space<hbm>> -> memref<1x1x4x32x128xf16, #tpu.memory_space<hbm>>
      %dma_wait3A_1006 = tpu.memref_squeeze %dma_wait3A_1005 : memref<1x1x4x32x128xf16, #tpu.memory_space<hbm>> -> memref<4x32x128xf16, #tpu.memory_space<hbm>>
      tpu.wait_dma2 semaphore(%arg9 : memref<!tpu.dma_semaphore, #tpu.memory_space<semaphore_mem>>) src(%dma_wait3A_1006 : memref<4x32x128xf16, #tpu.memory_space<hbm>>) dst(%dma_wait3A_1002 : memref<4x32x128xf16, #tpu.memory_space<vmem_shared>>)
      %sub3A_1007 = arith.constant 0 : i32
      %sub3A_1008 = arith.subi %add3A_885, %sub3A_1007 : i32
      %jit3A_1009 = arith.constant 2 : i32
      %div3A_1010 = arith.divsi %sub3A_1008, %jit3A_1009 : i32
      %sign3A_1011 = arith.constant 0 : i32
      %sign3A_1012 = arith.cmpi sgt, %sub3A_1008, %sign3A_1011 : i32
      %sign3A_1013 = arith.extui %sign3A_1012 : i1 to i32
      %sign3A_1014 = arith.constant 0 : i32
      %sign3A_1015 = arith.cmpi slt, %sub3A_1008, %sign3A_1014 : i32
      %sign3A_1016 = arith.extui %sign3A_1015 : i1 to i32
      %sign3A_1017 = arith.subi %sign3A_1013, %sign3A_1016 : i32
      %sign3A_1018 = arith.constant 0 : i32
      %sign3A_1019 = arith.cmpi sgt, %jit3A_1009, %sign3A_1018 : i32
      %sign3A_1020 = arith.extui %sign3A_1019 : i1 to i32
      %sign3A_1021 = arith.constant 0 : i32
      %sign3A_1022 = arith.cmpi slt, %jit3A_1009, %sign3A_1021 : i32
      %sign3A_1023 = arith.extui %sign3A_1022 : i1 to i32
      %sign3A_1024 = arith.subi %sign3A_1020, %sign3A_1023 : i32
      %ne3A_1025 = arith.cmpi ne, %sign3A_1017, %sign3A_1024 : i32
      %rem3A_1026 = arith.remsi %sub3A_1008, %jit3A_1009 : i32
      %ne3A_1027 = arith.constant 0 : i32
      %ne3A_1028 = arith.cmpi ne, %rem3A_1026, %ne3A_1027 : i32
      %and3A_1029 = arith.andi %ne3A_1025, %ne3A_1028 : i1
      %sub3A_1030 = arith.constant 1 : i32
      %sub3A_1031 = arith.subi %div3A_1010, %sub3A_1030 : i32
      %select_n3A_1032 = arith.select %and3A_1029, %sub3A_1031, %div3A_1010 : i32
      %mul3A_1033 = arith.constant 4 : i32
      %mul3A_1034 = arith.muli %select_n3A_1032, %mul3A_1033 : i32
      %add3A_1035 = arith.addi %mul3A_20, %mul3A_1034 : i32
      %dma_start3A_1036 = arith.constant 0 : i32
      %dma_start3A_1037 = arith.constant 0 : i32
      %dma_start3A_1038 = arith.constant 0 : i32
      %dma_start3A_1039 = tpu.memref_slice %arg6[%dma_start3A_1036, %select_n3A, %add3A_1035, %dma_start3A_1037, %dma_start3A_1038] : memref<1x8x2064x32x128xf16, #tpu.memory_space<hbm>> -> memref<1x1x4x32x128xf16, #tpu.memory_space<hbm>>
      %dma_start3A_1040 = tpu.memref_squeeze %dma_start3A_1039 : memref<1x1x4x32x128xf16, #tpu.memory_space<hbm>> -> memref<4x32x128xf16, #tpu.memory_space<hbm>>
      %dma_start3A_1041 = arith.constant 0 : i32
      %dma_start3A_1042 = arith.constant 0 : i32
      %dma_start3A_1043 = arith.constant 0 : i32
      %dma_start3A_1044 = tpu.memref_slice %arg8[%arg1, %scan3A_436, %dma_start3A_1041, %dma_start3A_1042, %dma_start3A_1043] : memref<16x8x4x32x128xf16, #tpu.memory_space<vmem_shared>> -> memref<1x1x4x32x128xf16, #tpu.memory_space<vmem_shared>>
      %dma_start3A_1045 = tpu.memref_squeeze %dma_start3A_1044 : memref<1x1x4x32x128xf16, #tpu.memory_space<vmem_shared>> -> memref<4x32x128xf16, #tpu.memory_space<vmem_shared>>
      tpu.enqueue_dma source(%dma_start3A_1045 : memref<4x32x128xf16, #tpu.memory_space<vmem_shared>>) target(%dma_start3A_1040 : memref<4x32x128xf16, #tpu.memory_space<hbm>>) target_semaphore(%arg17 : memref<!tpu.dma_semaphore, #tpu.memory_space<semaphore_mem>>)
      %add3A_1046 = arith.constant 1 : i32
      %add3A_1047 = arith.addi %add3A_883, %add3A_1046 : i32
      %sub3A_1048 = arith.constant 4 : i32
      %sub3A_1049 = arith.subi %add3A_1047, %sub3A_1048 : i32
      %sub3A_1050 = arith.constant 1 : i32
      %sub3A_1051 = arith.subi %sub3A_1049, %sub3A_1050 : i32
      %jit3A_1052 = arith.constant 2 : i32
      %div3A_1053 = arith.divsi %sub3A_1051, %jit3A_1052 : i32
      %sign3A_1054 = arith.constant 0 : i32
      %sign3A_1055 = arith.cmpi sgt, %sub3A_1051, %sign3A_1054 : i32
      %sign3A_1056 = arith.extui %sign3A_1055 : i1 to i32
      %sign3A_1057 = arith.constant 0 : i32
      %sign3A_1058 = arith.cmpi slt, %sub3A_1051, %sign3A_1057 : i32
      %sign3A_1059 = arith.extui %sign3A_1058 : i1 to i32
      %sign3A_1060 = arith.subi %sign3A_1056, %sign3A_1059 : i32
      %sign3A_1061 = arith.constant 0 : i32
      %sign3A_1062 = arith.cmpi sgt, %jit3A_1052, %sign3A_1061 : i32
      %sign3A_1063 = arith.extui %sign3A_1062 : i1 to i32
      %sign3A_1064 = arith.constant 0 : i32
      %sign3A_1065 = arith.cmpi slt, %jit3A_1052, %sign3A_1064 : i32
      %sign3A_1066 = arith.extui %sign3A_1065 : i1 to i32
      %sign3A_1067 = arith.subi %sign3A_1063, %sign3A_1066 : i32
      %ne3A_1068 = arith.cmpi ne, %sign3A_1060, %sign3A_1067 : i32
      %rem3A_1069 = arith.remsi %sub3A_1051, %jit3A_1052 : i32
      %ne3A_1070 = arith.constant 0 : i32
      %ne3A_1071 = arith.cmpi ne, %rem3A_1069, %ne3A_1070 : i32
      %and3A_1072 = arith.andi %ne3A_1068, %ne3A_1071 : i1
      %sub3A_1073 = arith.constant 1 : i32
      %sub3A_1074 = arith.subi %div3A_1053, %sub3A_1073 : i32
      %select_n3A_1075 = arith.select %and3A_1072, %sub3A_1074, %div3A_1053 : i32
      %mul3A_1076 = arith.constant 4 : i32
      %mul3A_1077 = arith.muli %select_n3A_1075, %mul3A_1076 : i32
      %add3A_1078 = arith.addi %mul3A_20, %mul3A_1077 : i32
      %dma_wait3A_1079 = arith.constant 0 : i32
      %dma_wait3A_1080 = arith.constant 0 : i32
      %dma_wait3A_1081 = arith.constant 0 : i32
      %dma_wait3A_1082 = tpu.memref_slice %arg7[%dma_wait3A_1079, %select_n3A, %add3A_1078, %dma_wait3A_1080, %dma_wait3A_1081] : memref<1x8x2064x32x128xf16, #tpu.memory_space<hbm>> -> memref<1x1x4x32x128xf16, #tpu.memory_space<hbm>>
      %dma_wait3A_1083 = tpu.memref_squeeze %dma_wait3A_1082 : memref<1x1x4x32x128xf16, #tpu.memory_space<hbm>> -> memref<4x32x128xf16, #tpu.memory_space<hbm>>
      %dma_wait3A_1084 = arith.constant 0 : i32
      %dma_wait3A_1085 = arith.constant 0 : i32
      %dma_wait3A_1086 = arith.constant 0 : i32
      %dma_wait3A_1087 = tpu.memref_slice %arg8[%arg1, %scan3A_437, %dma_wait3A_1084, %dma_wait3A_1085, %dma_wait3A_1086] : memref<16x8x4x32x128xf16, #tpu.memory_space<vmem_shared>> -> memref<1x1x4x32x128xf16, #tpu.memory_space<vmem_shared>>
      %dma_wait3A_1088 = tpu.memref_squeeze %dma_wait3A_1087 : memref<1x1x4x32x128xf16, #tpu.memory_space<vmem_shared>> -> memref<4x32x128xf16, #tpu.memory_space<vmem_shared>>
      tpu.wait_dma2 semaphore(%arg22 : memref<!tpu.dma_semaphore, #tpu.memory_space<semaphore_mem>>) src(%dma_wait3A_1088 : memref<4x32x128xf16, #tpu.memory_space<vmem_shared>>) dst(%dma_wait3A_1083 : memref<4x32x128xf16, #tpu.memory_space<hbm>>)
      %add3A_1089 = arith.constant 4 : i32
      %add3A_1090 = arith.addi %add3A_1047, %add3A_1089 : i32
      %sub3A_1091 = arith.constant 1 : i32
      %sub3A_1092 = arith.subi %add3A_1090, %sub3A_1091 : i32
      %jit3A_1093 = arith.constant 2 : i32
      %div3A_1094 = arith.divsi %sub3A_1092, %jit3A_1093 : i32
      %sign3A_1095 = arith.constant 0 : i32
      %sign3A_1096 = arith.cmpi sgt, %sub3A_1092, %sign3A_1095 : i32
      %sign3A_1097 = arith.extui %sign3A_1096 : i1 to i32
      %sign3A_1098 = arith.constant 0 : i32
      %sign3A_1099 = arith.cmpi slt, %sub3A_1092, %sign3A_1098 : i32
      %sign3A_1100 = arith.extui %sign3A_1099 : i1 to i32
      %sign3A_1101 = arith.subi %sign3A_1097, %sign3A_1100 : i32
      %sign3A_1102 = arith.constant 0 : i32
      %sign3A_1103 = arith.cmpi sgt, %jit3A_1093, %sign3A_1102 : i32
      %sign3A_1104 = arith.extui %sign3A_1103 : i1 to i32
      %sign3A_1105 = arith.constant 0 : i32
      %sign3A_1106 = arith.cmpi slt, %jit3A_1093, %sign3A_1105 : i32
      %sign3A_1107 = arith.extui %sign3A_1106 : i1 to i32
      %sign3A_1108 = arith.subi %sign3A_1104, %sign3A_1107 : i32
      %ne3A_1109 = arith.cmpi ne, %sign3A_1101, %sign3A_1108 : i32
      %rem3A_1110 = arith.remsi %sub3A_1092, %jit3A_1093 : i32
      %ne3A_1111 = arith.constant 0 : i32
      %ne3A_1112 = arith.cmpi ne, %rem3A_1110, %ne3A_1111 : i32
      %and3A_1113 = arith.andi %ne3A_1109, %ne3A_1112 : i1
      %sub3A_1114 = arith.constant 1 : i32
      %sub3A_1115 = arith.subi %div3A_1094, %sub3A_1114 : i32
      %select_n3A_1116 = arith.select %and3A_1113, %sub3A_1115, %div3A_1094 : i32
      %mul3A_1117 = arith.constant 4 : i32
      %mul3A_1118 = arith.muli %select_n3A_1116, %mul3A_1117 : i32
      %add3A_1119 = arith.addi %mul3A_20, %mul3A_1118 : i32
      %dma_start3A_1120 = arith.constant 0 : i32
      %dma_start3A_1121 = arith.constant 0 : i32
      %dma_start3A_1122 = arith.constant 0 : i32
      %dma_start3A_1123 = arith.constant 0 : i32
      %dma_start3A_1124 = tpu.memref_slice %arg8[%arg1, %scan3A_437, %dma_start3A_1121, %dma_start3A_1122, %dma_start3A_1123] : memref<16x8x4x32x128xf16, #tpu.memory_space<vmem_shared>> -> memref<1x1x4x32x128xf16, #tpu.memory_space<vmem_shared>>
      %dma_start3A_1125 = tpu.memref_squeeze %dma_start3A_1124 : memref<1x1x4x32x128xf16, #tpu.memory_space<vmem_shared>> -> memref<4x32x128xf16, #tpu.memory_space<vmem_shared>>
      %dma_start3A_1126 = arith.constant 0 : i32
      %dma_start3A_1127 = arith.constant 0 : i32
      %dma_start3A_1128 = tpu.memref_slice %arg3[%dma_start3A_1120, %select_n3A, %add3A_1119, %dma_start3A_1126, %dma_start3A_1127] : memref<1x8x2048x32x128xf16, #tpu.memory_space<hbm>> -> memref<1x1x4x32x128xf16, #tpu.memory_space<hbm>>
      %dma_start3A_1129 = tpu.memref_squeeze %dma_start3A_1128 : memref<1x1x4x32x128xf16, #tpu.memory_space<hbm>> -> memref<4x32x128xf16, #tpu.memory_space<hbm>>
      tpu.enqueue_dma source(%dma_start3A_1129 : memref<4x32x128xf16, #tpu.memory_space<hbm>>) target(%dma_start3A_1125 : memref<4x32x128xf16, #tpu.memory_space<vmem_shared>>) target_semaphore(%arg14 : memref<!tpu.dma_semaphore, #tpu.memory_space<semaphore_mem>>)
      %sub3A_1130 = arith.constant 1 : i32
      %sub3A_1131 = arith.subi %add3A_1047, %sub3A_1130 : i32
      %jit3A_1132 = arith.constant 2 : i32
      %div3A_1133 = arith.divsi %sub3A_1131, %jit3A_1132 : i32
      %sign3A_1134 = arith.constant 0 : i32
      %sign3A_1135 = arith.cmpi sgt, %sub3A_1131, %sign3A_1134 : i32
      %sign3A_1136 = arith.extui %sign3A_1135 : i1 to i32
      %sign3A_1137 = arith.constant 0 : i32
      %sign3A_1138 = arith.cmpi slt, %sub3A_1131, %sign3A_1137 : i32
      %sign3A_1139 = arith.extui %sign3A_1138 : i1 to i32
      %sign3A_1140 = arith.subi %sign3A_1136, %sign3A_1139 : i32
      %sign3A_1141 = arith.constant 0 : i32
      %sign3A_1142 = arith.cmpi sgt, %jit3A_1132, %sign3A_1141 : i32
      %sign3A_1143 = arith.extui %sign3A_1142 : i1 to i32
      %sign3A_1144 = arith.constant 0 : i32
      %sign3A_1145 = arith.cmpi slt, %jit3A_1132, %sign3A_1144 : i32
      %sign3A_1146 = arith.extui %sign3A_1145 : i1 to i32
      %sign3A_1147 = arith.subi %sign3A_1143, %sign3A_1146 : i32
      %ne3A_1148 = arith.cmpi ne, %sign3A_1140, %sign3A_1147 : i32
      %rem3A_1149 = arith.remsi %sub3A_1131, %jit3A_1132 : i32
      %ne3A_1150 = arith.constant 0 : i32
      %ne3A_1151 = arith.cmpi ne, %rem3A_1149, %ne3A_1150 : i32
      %and3A_1152 = arith.andi %ne3A_1148, %ne3A_1151 : i1
      %sub3A_1153 = arith.constant 1 : i32
      %sub3A_1154 = arith.subi %div3A_1133, %sub3A_1153 : i32
      %select_n3A_1155 = arith.select %and3A_1152, %sub3A_1154, %div3A_1133 : i32
      %mul3A_1156 = arith.constant 4 : i32
      %mul3A_1157 = arith.muli %select_n3A_1155, %mul3A_1156 : i32
      %add3A_1158 = arith.addi %mul3A_20, %mul3A_1157 : i32
      %dma_wait3A_1159 = arith.constant 0 : i32
      %dma_wait3A_1160 = arith.constant 0 : i32
      %dma_wait3A_1161 = arith.constant 0 : i32
      %dma_wait3A_1162 = arith.constant 0 : i32
      %dma_wait3A_1163 = tpu.memref_slice %arg8[%arg1, %scan3A_438, %dma_wait3A_1160, %dma_wait3A_1161, %dma_wait3A_1162] : memref<16x8x4x32x128xf16, #tpu.memory_space<vmem_shared>> -> memref<1x1x4x32x128xf16, #tpu.memory_space<vmem_shared>>
      %dma_wait3A_1164 = tpu.memref_squeeze %dma_wait3A_1163 : memref<1x1x4x32x128xf16, #tpu.memory_space<vmem_shared>> -> memref<4x32x128xf16, #tpu.memory_space<vmem_shared>>
      %dma_wait3A_1165 = arith.constant 0 : i32
      %dma_wait3A_1166 = arith.constant 0 : i32
      %dma_wait3A_1167 = tpu.memref_slice %arg3[%dma_wait3A_1159, %select_n3A, %add3A_1158, %dma_wait3A_1165, %dma_wait3A_1166] : memref<1x8x2048x32x128xf16, #tpu.memory_space<hbm>> -> memref<1x1x4x32x128xf16, #tpu.memory_space<hbm>>
      %dma_wait3A_1168 = tpu.memref_squeeze %dma_wait3A_1167 : memref<1x1x4x32x128xf16, #tpu.memory_space<hbm>> -> memref<4x32x128xf16, #tpu.memory_space<hbm>>
      tpu.wait_dma2 semaphore(%arg10 : memref<!tpu.dma_semaphore, #tpu.memory_space<semaphore_mem>>) src(%dma_wait3A_1168 : memref<4x32x128xf16, #tpu.memory_space<hbm>>) dst(%dma_wait3A_1164 : memref<4x32x128xf16, #tpu.memory_space<vmem_shared>>)
      %sub3A_1169 = arith.constant 1 : i32
      %sub3A_1170 = arith.subi %add3A_1047, %sub3A_1169 : i32
      %jit3A_1171 = arith.constant 2 : i32
      %div3A_1172 = arith.divsi %sub3A_1170, %jit3A_1171 : i32
      %sign3A_1173 = arith.constant 0 : i32
      %sign3A_1174 = arith.cmpi sgt, %sub3A_1170, %sign3A_1173 : i32
      %sign3A_1175 = arith.extui %sign3A_1174 : i1 to i32
      %sign3A_1176 = arith.constant 0 : i32
      %sign3A_1177 = arith.cmpi slt, %sub3A_1170, %sign3A_1176 : i32
      %sign3A_1178 = arith.extui %sign3A_1177 : i1 to i32
      %sign3A_1179 = arith.subi %sign3A_1175, %sign3A_1178 : i32
      %sign3A_1180 = arith.constant 0 : i32
      %sign3A_1181 = arith.cmpi sgt, %jit3A_1171, %sign3A_1180 : i32
      %sign3A_1182 = arith.extui %sign3A_1181 : i1 to i32
      %sign3A_1183 = arith.constant 0 : i32
      %sign3A_1184 = arith.cmpi slt, %jit3A_1171, %sign3A_1183 : i32
      %sign3A_1185 = arith.extui %sign3A_1184 : i1 to i32
      %sign3A_1186 = arith.subi %sign3A_1182, %sign3A_1185 : i32
      %ne3A_1187 = arith.cmpi ne, %sign3A_1179, %sign3A_1186 : i32
      %rem3A_1188 = arith.remsi %sub3A_1170, %jit3A_1171 : i32
      %ne3A_1189 = arith.constant 0 : i32
      %ne3A_1190 = arith.cmpi ne, %rem3A_1188, %ne3A_1189 : i32
      %and3A_1191 = arith.andi %ne3A_1187, %ne3A_1190 : i1
      %sub3A_1192 = arith.constant 1 : i32
      %sub3A_1193 = arith.subi %div3A_1172, %sub3A_1192 : i32
      %select_n3A_1194 = arith.select %and3A_1191, %sub3A_1193, %div3A_1172 : i32
      %mul3A_1195 = arith.constant 4 : i32
      %mul3A_1196 = arith.muli %select_n3A_1194, %mul3A_1195 : i32
      %add3A_1197 = arith.addi %mul3A_20, %mul3A_1196 : i32
      %dma_start3A_1198 = arith.constant 0 : i32
      %dma_start3A_1199 = arith.constant 0 : i32
      %dma_start3A_1200 = arith.constant 0 : i32
      %dma_start3A_1201 = tpu.memref_slice %arg7[%dma_start3A_1198, %select_n3A, %add3A_1197, %dma_start3A_1199, %dma_start3A_1200] : memref<1x8x2064x32x128xf16, #tpu.memory_space<hbm>> -> memref<1x1x4x32x128xf16, #tpu.memory_space<hbm>>
      %dma_start3A_1202 = tpu.memref_squeeze %dma_start3A_1201 : memref<1x1x4x32x128xf16, #tpu.memory_space<hbm>> -> memref<4x32x128xf16, #tpu.memory_space<hbm>>
      %dma_start3A_1203 = arith.constant 0 : i32
      %dma_start3A_1204 = arith.constant 0 : i32
      %dma_start3A_1205 = arith.constant 0 : i32
      %dma_start3A_1206 = tpu.memref_slice %arg8[%arg1, %scan3A_438, %dma_start3A_1203, %dma_start3A_1204, %dma_start3A_1205] : memref<16x8x4x32x128xf16, #tpu.memory_space<vmem_shared>> -> memref<1x1x4x32x128xf16, #tpu.memory_space<vmem_shared>>
      %dma_start3A_1207 = tpu.memref_squeeze %dma_start3A_1206 : memref<1x1x4x32x128xf16, #tpu.memory_space<vmem_shared>> -> memref<4x32x128xf16, #tpu.memory_space<vmem_shared>>
      tpu.enqueue_dma source(%dma_start3A_1207 : memref<4x32x128xf16, #tpu.memory_space<vmem_shared>>) target(%dma_start3A_1202 : memref<4x32x128xf16, #tpu.memory_space<hbm>>) target_semaphore(%arg18 : memref<!tpu.dma_semaphore, #tpu.memory_space<semaphore_mem>>)
      %add3A_1208 = arith.constant 2 : i32
      %add3A_1209 = arith.addi %add3A_883, %add3A_1208 : i32
      %sub3A_1210 = arith.constant 4 : i32
      %sub3A_1211 = arith.subi %add3A_1209, %sub3A_1210 : i32
      %sub3A_1212 = arith.constant 0 : i32
      %sub3A_1213 = arith.subi %sub3A_1211, %sub3A_1212 : i32
      %jit3A_1214 = arith.constant 2 : i32
      %div3A_1215 = arith.divsi %sub3A_1213, %jit3A_1214 : i32
      %sign3A_1216 = arith.constant 0 : i32
      %sign3A_1217 = arith.cmpi sgt, %sub3A_1213, %sign3A_1216 : i32
      %sign3A_1218 = arith.extui %sign3A_1217 : i1 to i32
      %sign3A_1219 = arith.constant 0 : i32
      %sign3A_1220 = arith.cmpi slt, %sub3A_1213, %sign3A_1219 : i32
      %sign3A_1221 = arith.extui %sign3A_1220 : i1 to i32
      %sign3A_1222 = arith.subi %sign3A_1218, %sign3A_1221 : i32
      %sign3A_1223 = arith.constant 0 : i32
      %sign3A_1224 = arith.cmpi sgt, %jit3A_1214, %sign3A_1223 : i32
      %sign3A_1225 = arith.extui %sign3A_1224 : i1 to i32
      %sign3A_1226 = arith.constant 0 : i32
      %sign3A_1227 = arith.cmpi slt, %jit3A_1214, %sign3A_1226 : i32
      %sign3A_1228 = arith.extui %sign3A_1227 : i1 to i32
      %sign3A_1229 = arith.subi %sign3A_1225, %sign3A_1228 : i32
      %ne3A_1230 = arith.cmpi ne, %sign3A_1222, %sign3A_1229 : i32
      %rem3A_1231 = arith.remsi %sub3A_1213, %jit3A_1214 : i32
      %ne3A_1232 = arith.constant 0 : i32
      %ne3A_1233 = arith.cmpi ne, %rem3A_1231, %ne3A_1232 : i32
      %and3A_1234 = arith.andi %ne3A_1230, %ne3A_1233 : i1
      %sub3A_1235 = arith.constant 1 : i32
      %sub3A_1236 = arith.subi %div3A_1215, %sub3A_1235 : i32
      %select_n3A_1237 = arith.select %and3A_1234, %sub3A_1236, %div3A_1215 : i32
      %mul3A_1238 = arith.constant 4 : i32
      %mul3A_1239 = arith.muli %select_n3A_1237, %mul3A_1238 : i32
      %add3A_1240 = arith.addi %mul3A_20, %mul3A_1239 : i32
      %dma_wait3A_1241 = arith.constant 0 : i32
      %dma_wait3A_1242 = arith.constant 0 : i32
      %dma_wait3A_1243 = arith.constant 0 : i32
      %dma_wait3A_1244 = tpu.memref_slice %arg6[%dma_wait3A_1241, %select_n3A, %add3A_1240, %dma_wait3A_1242, %dma_wait3A_1243] : memref<1x8x2064x32x128xf16, #tpu.memory_space<hbm>> -> memref<1x1x4x32x128xf16, #tpu.memory_space<hbm>>
      %dma_wait3A_1245 = tpu.memref_squeeze %dma_wait3A_1244 : memref<1x1x4x32x128xf16, #tpu.memory_space<hbm>> -> memref<4x32x128xf16, #tpu.memory_space<hbm>>
      %dma_wait3A_1246 = arith.constant 0 : i32
      %dma_wait3A_1247 = arith.constant 0 : i32
      %dma_wait3A_1248 = arith.constant 0 : i32
      %dma_wait3A_1249 = tpu.memref_slice %arg8[%arg1, %scan3A_439, %dma_wait3A_1246, %dma_wait3A_1247, %dma_wait3A_1248] : memref<16x8x4x32x128xf16, #tpu.memory_space<vmem_shared>> -> memref<1x1x4x32x128xf16, #tpu.memory_space<vmem_shared>>
      %dma_wait3A_1250 = tpu.memref_squeeze %dma_wait3A_1249 : memref<1x1x4x32x128xf16, #tpu.memory_space<vmem_shared>> -> memref<4x32x128xf16, #tpu.memory_space<vmem_shared>>
      tpu.wait_dma2 semaphore(%arg23 : memref<!tpu.dma_semaphore, #tpu.memory_space<semaphore_mem>>) src(%dma_wait3A_1250 : memref<4x32x128xf16, #tpu.memory_space<vmem_shared>>) dst(%dma_wait3A_1245 : memref<4x32x128xf16, #tpu.memory_space<hbm>>)
      %add3A_1251 = arith.constant 4 : i32
      %add3A_1252 = arith.addi %add3A_1209, %add3A_1251 : i32
      %sub3A_1253 = arith.constant 0 : i32
      %sub3A_1254 = arith.subi %add3A_1252, %sub3A_1253 : i32
      %jit3A_1255 = arith.constant 2 : i32
      %div3A_1256 = arith.divsi %sub3A_1254, %jit3A_1255 : i32
      %sign3A_1257 = arith.constant 0 : i32
      %sign3A_1258 = arith.cmpi sgt, %sub3A_1254, %sign3A_1257 : i32
      %sign3A_1259 = arith.extui %sign3A_1258 : i1 to i32
      %sign3A_1260 = arith.constant 0 : i32
      %sign3A_1261 = arith.cmpi slt, %sub3A_1254, %sign3A_1260 : i32
      %sign3A_1262 = arith.extui %sign3A_1261 : i1 to i32
      %sign3A_1263 = arith.subi %sign3A_1259, %sign3A_1262 : i32
      %sign3A_1264 = arith.constant 0 : i32
      %sign3A_1265 = arith.cmpi sgt, %jit3A_1255, %sign3A_1264 : i32
      %sign3A_1266 = arith.extui %sign3A_1265 : i1 to i32
      %sign3A_1267 = arith.constant 0 : i32
      %sign3A_1268 = arith.cmpi slt, %jit3A_1255, %sign3A_1267 : i32
      %sign3A_1269 = arith.extui %sign3A_1268 : i1 to i32
      %sign3A_1270 = arith.subi %sign3A_1266, %sign3A_1269 : i32
      %ne3A_1271 = arith.cmpi ne, %sign3A_1263, %sign3A_1270 : i32
      %rem3A_1272 = arith.remsi %sub3A_1254, %jit3A_1255 : i32
      %ne3A_1273 = arith.constant 0 : i32
      %ne3A_1274 = arith.cmpi ne, %rem3A_1272, %ne3A_1273 : i32
      %and3A_1275 = arith.andi %ne3A_1271, %ne3A_1274 : i1
      %sub3A_1276 = arith.constant 1 : i32
      %sub3A_1277 = arith.subi %div3A_1256, %sub3A_1276 : i32
      %select_n3A_1278 = arith.select %and3A_1275, %sub3A_1277, %div3A_1256 : i32
      %mul3A_1279 = arith.constant 4 : i32
      %mul3A_1280 = arith.muli %select_n3A_1278, %mul3A_1279 : i32
      %add3A_1281 = arith.addi %mul3A_20, %mul3A_1280 : i32
      %dma_start3A_1282 = arith.constant 0 : i32
      %dma_start3A_1283 = arith.constant 0 : i32
      %dma_start3A_1284 = arith.constant 0 : i32
      %dma_start3A_1285 = arith.constant 0 : i32
      %dma_start3A_1286 = tpu.memref_slice %arg8[%arg1, %scan3A_439, %dma_start3A_1283, %dma_start3A_1284, %dma_start3A_1285] : memref<16x8x4x32x128xf16, #tpu.memory_space<vmem_shared>> -> memref<1x1x4x32x128xf16, #tpu.memory_space<vmem_shared>>
      %dma_start3A_1287 = tpu.memref_squeeze %dma_start3A_1286 : memref<1x1x4x32x128xf16, #tpu.memory_space<vmem_shared>> -> memref<4x32x128xf16, #tpu.memory_space<vmem_shared>>
      %dma_start3A_1288 = arith.constant 0 : i32
      %dma_start3A_1289 = arith.constant 0 : i32
      %dma_start3A_1290 = tpu.memref_slice %arg2[%dma_start3A_1282, %select_n3A, %add3A_1281, %dma_start3A_1288, %dma_start3A_1289] : memref<1x8x2048x32x128xf16, #tpu.memory_space<hbm>> -> memref<1x1x4x32x128xf16, #tpu.memory_space<hbm>>
      %dma_start3A_1291 = tpu.memref_squeeze %dma_start3A_1290 : memref<1x1x4x32x128xf16, #tpu.memory_space<hbm>> -> memref<4x32x128xf16, #tpu.memory_space<hbm>>
      tpu.enqueue_dma source(%dma_start3A_1291 : memref<4x32x128xf16, #tpu.memory_space<hbm>>) target(%dma_start3A_1287 : memref<4x32x128xf16, #tpu.memory_space<vmem_shared>>) target_semaphore(%arg15 : memref<!tpu.dma_semaphore, #tpu.memory_space<semaphore_mem>>)
      %sub3A_1292 = arith.constant 0 : i32
      %sub3A_1293 = arith.subi %add3A_1209, %sub3A_1292 : i32
      %jit3A_1294 = arith.constant 2 : i32
      %div3A_1295 = arith.divsi %sub3A_1293, %jit3A_1294 : i32
      %sign3A_1296 = arith.constant 0 : i32
      %sign3A_1297 = arith.cmpi sgt, %sub3A_1293, %sign3A_1296 : i32
      %sign3A_1298 = arith.extui %sign3A_1297 : i1 to i32
      %sign3A_1299 = arith.constant 0 : i32
      %sign3A_1300 = arith.cmpi slt, %sub3A_1293, %sign3A_1299 : i32
      %sign3A_1301 = arith.extui %sign3A_1300 : i1 to i32
      %sign3A_1302 = arith.subi %sign3A_1298, %sign3A_1301 : i32
      %sign3A_1303 = arith.constant 0 : i32
      %sign3A_1304 = arith.cmpi sgt, %jit3A_1294, %sign3A_1303 : i32
      %sign3A_1305 = arith.extui %sign3A_1304 : i1 to i32
      %sign3A_1306 = arith.constant 0 : i32
      %sign3A_1307 = arith.cmpi slt, %jit3A_1294, %sign3A_1306 : i32
      %sign3A_1308 = arith.extui %sign3A_1307 : i1 to i32
      %sign3A_1309 = arith.subi %sign3A_1305, %sign3A_1308 : i32
      %ne3A_1310 = arith.cmpi ne, %sign3A_1302, %sign3A_1309 : i32
      %rem3A_1311 = arith.remsi %sub3A_1293, %jit3A_1294 : i32
      %ne3A_1312 = arith.constant 0 : i32
      %ne3A_1313 = arith.cmpi ne, %rem3A_1311, %ne3A_1312 : i32
      %and3A_1314 = arith.andi %ne3A_1310, %ne3A_1313 : i1
      %sub3A_1315 = arith.constant 1 : i32
      %sub3A_1316 = arith.subi %div3A_1295, %sub3A_1315 : i32
      %select_n3A_1317 = arith.select %and3A_1314, %sub3A_1316, %div3A_1295 : i32
      %mul3A_1318 = arith.constant 4 : i32
      %mul3A_1319 = arith.muli %select_n3A_1317, %mul3A_1318 : i32
      %add3A_1320 = arith.addi %mul3A_20, %mul3A_1319 : i32
      %dma_wait3A_1321 = arith.constant 0 : i32
      %dma_wait3A_1322 = arith.constant 0 : i32
      %dma_wait3A_1323 = arith.constant 0 : i32
      %dma_wait3A_1324 = arith.constant 0 : i32
      %dma_wait3A_1325 = tpu.memref_slice %arg8[%arg1, %scan3A_440, %dma_wait3A_1322, %dma_wait3A_1323, %dma_wait3A_1324] : memref<16x8x4x32x128xf16, #tpu.memory_space<vmem_shared>> -> memref<1x1x4x32x128xf16, #tpu.memory_space<vmem_shared>>
      %dma_wait3A_1326 = tpu.memref_squeeze %dma_wait3A_1325 : memref<1x1x4x32x128xf16, #tpu.memory_space<vmem_shared>> -> memref<4x32x128xf16, #tpu.memory_space<vmem_shared>>
      %dma_wait3A_1327 = arith.constant 0 : i32
      %dma_wait3A_1328 = arith.constant 0 : i32
      %dma_wait3A_1329 = tpu.memref_slice %arg2[%dma_wait3A_1321, %select_n3A, %add3A_1320, %dma_wait3A_1327, %dma_wait3A_1328] : memref<1x8x2048x32x128xf16, #tpu.memory_space<hbm>> -> memref<1x1x4x32x128xf16, #tpu.memory_space<hbm>>
      %dma_wait3A_1330 = tpu.memref_squeeze %dma_wait3A_1329 : memref<1x1x4x32x128xf16, #tpu.memory_space<hbm>> -> memref<4x32x128xf16, #tpu.memory_space<hbm>>
      tpu.wait_dma2 semaphore(%arg11 : memref<!tpu.dma_semaphore, #tpu.memory_space<semaphore_mem>>) src(%dma_wait3A_1330 : memref<4x32x128xf16, #tpu.memory_space<hbm>>) dst(%dma_wait3A_1326 : memref<4x32x128xf16, #tpu.memory_space<vmem_shared>>)
      %sub3A_1331 = arith.constant 0 : i32
      %sub3A_1332 = arith.subi %add3A_1209, %sub3A_1331 : i32
      %jit3A_1333 = arith.constant 2 : i32
      %div3A_1334 = arith.divsi %sub3A_1332, %jit3A_1333 : i32
      %sign3A_1335 = arith.constant 0 : i32
      %sign3A_1336 = arith.cmpi sgt, %sub3A_1332, %sign3A_1335 : i32
      %sign3A_1337 = arith.extui %sign3A_1336 : i1 to i32
      %sign3A_1338 = arith.constant 0 : i32
      %sign3A_1339 = arith.cmpi slt, %sub3A_1332, %sign3A_1338 : i32
      %sign3A_1340 = arith.extui %sign3A_1339 : i1 to i32
      %sign3A_1341 = arith.subi %sign3A_1337, %sign3A_1340 : i32
      %sign3A_1342 = arith.constant 0 : i32
      %sign3A_1343 = arith.cmpi sgt, %jit3A_1333, %sign3A_1342 : i32
      %sign3A_1344 = arith.extui %sign3A_1343 : i1 to i32
      %sign3A_1345 = arith.constant 0 : i32
      %sign3A_1346 = arith.cmpi slt, %jit3A_1333, %sign3A_1345 : i32
      %sign3A_1347 = arith.extui %sign3A_1346 : i1 to i32
      %sign3A_1348 = arith.subi %sign3A_1344, %sign3A_1347 : i32
      %ne3A_1349 = arith.cmpi ne, %sign3A_1341, %sign3A_1348 : i32
      %rem3A_1350 = arith.remsi %sub3A_1332, %jit3A_1333 : i32
      %ne3A_1351 = arith.constant 0 : i32
      %ne3A_1352 = arith.cmpi ne, %rem3A_1350, %ne3A_1351 : i32
      %and3A_1353 = arith.andi %ne3A_1349, %ne3A_1352 : i1
      %sub3A_1354 = arith.constant 1 : i32
      %sub3A_1355 = arith.subi %div3A_1334, %sub3A_1354 : i32
      %select_n3A_1356 = arith.select %and3A_1353, %sub3A_1355, %div3A_1334 : i32
      %mul3A_1357 = arith.constant 4 : i32
      %mul3A_1358 = arith.muli %select_n3A_1356, %mul3A_1357 : i32
      %add3A_1359 = arith.addi %mul3A_20, %mul3A_1358 : i32
      %dma_start3A_1360 = arith.constant 0 : i32
      %dma_start3A_1361 = arith.constant 0 : i32
      %dma_start3A_1362 = arith.constant 0 : i32
      %dma_start3A_1363 = tpu.memref_slice %arg6[%dma_start3A_1360, %select_n3A, %add3A_1359, %dma_start3A_1361, %dma_start3A_1362] : memref<1x8x2064x32x128xf16, #tpu.memory_space<hbm>> -> memref<1x1x4x32x128xf16, #tpu.memory_space<hbm>>
      %dma_start3A_1364 = tpu.memref_squeeze %dma_start3A_1363 : memref<1x1x4x32x128xf16, #tpu.memory_space<hbm>> -> memref<4x32x128xf16, #tpu.memory_space<hbm>>
      %dma_start3A_1365 = arith.constant 0 : i32
      %dma_start3A_1366 = arith.constant 0 : i32
      %dma_start3A_1367 = arith.constant 0 : i32
      %dma_start3A_1368 = tpu.memref_slice %arg8[%arg1, %scan3A_440, %dma_start3A_1365, %dma_start3A_1366, %dma_start3A_1367] : memref<16x8x4x32x128xf16, #tpu.memory_space<vmem_shared>> -> memref<1x1x4x32x128xf16, #tpu.memory_space<vmem_shared>>
      %dma_start3A_1369 = tpu.memref_squeeze %dma_start3A_1368 : memref<1x1x4x32x128xf16, #tpu.memory_space<vmem_shared>> -> memref<4x32x128xf16, #tpu.memory_space<vmem_shared>>
      tpu.enqueue_dma source(%dma_start3A_1369 : memref<4x32x128xf16, #tpu.memory_space<vmem_shared>>) target(%dma_start3A_1364 : memref<4x32x128xf16, #tpu.memory_space<hbm>>) target_semaphore(%arg19 : memref<!tpu.dma_semaphore, #tpu.memory_space<semaphore_mem>>)
      %add3A_1370 = arith.constant 3 : i32
      %add3A_1371 = arith.addi %add3A_883, %add3A_1370 : i32
      %sub3A_1372 = arith.constant 4 : i32
      %sub3A_1373 = arith.subi %add3A_1371, %sub3A_1372 : i32
      %sub3A_1374 = arith.constant 1 : i32
      %sub3A_1375 = arith.subi %sub3A_1373, %sub3A_1374 : i32
      %jit3A_1376 = arith.constant 2 : i32
      %div3A_1377 = arith.divsi %sub3A_1375, %jit3A_1376 : i32
      %sign3A_1378 = arith.constant 0 : i32
      %sign3A_1379 = arith.cmpi sgt, %sub3A_1375, %sign3A_1378 : i32
      %sign3A_1380 = arith.extui %sign3A_1379 : i1 to i32
      %sign3A_1381 = arith.constant 0 : i32
      %sign3A_1382 = arith.cmpi slt, %sub3A_1375, %sign3A_1381 : i32
      %sign3A_1383 = arith.extui %sign3A_1382 : i1 to i32
      %sign3A_1384 = arith.subi %sign3A_1380, %sign3A_1383 : i32
      %sign3A_1385 = arith.constant 0 : i32
      %sign3A_1386 = arith.cmpi sgt, %jit3A_1376, %sign3A_1385 : i32
      %sign3A_1387 = arith.extui %sign3A_1386 : i1 to i32
      %sign3A_1388 = arith.constant 0 : i32
      %sign3A_1389 = arith.cmpi slt, %jit3A_1376, %sign3A_1388 : i32
      %sign3A_1390 = arith.extui %sign3A_1389 : i1 to i32
      %sign3A_1391 = arith.subi %sign3A_1387, %sign3A_1390 : i32
      %ne3A_1392 = arith.cmpi ne, %sign3A_1384, %sign3A_1391 : i32
      %rem3A_1393 = arith.remsi %sub3A_1375, %jit3A_1376 : i32
      %ne3A_1394 = arith.constant 0 : i32
      %ne3A_1395 = arith.cmpi ne, %rem3A_1393, %ne3A_1394 : i32
      %and3A_1396 = arith.andi %ne3A_1392, %ne3A_1395 : i1
      %sub3A_1397 = arith.constant 1 : i32
      %sub3A_1398 = arith.subi %div3A_1377, %sub3A_1397 : i32
      %select_n3A_1399 = arith.select %and3A_1396, %sub3A_1398, %div3A_1377 : i32
      %mul3A_1400 = arith.constant 4 : i32
      %mul3A_1401 = arith.muli %select_n3A_1399, %mul3A_1400 : i32
      %add3A_1402 = arith.addi %mul3A_20, %mul3A_1401 : i32
      %dma_wait3A_1403 = arith.constant 0 : i32
      %dma_wait3A_1404 = arith.constant 0 : i32
      %dma_wait3A_1405 = arith.constant 0 : i32
      %dma_wait3A_1406 = tpu.memref_slice %arg7[%dma_wait3A_1403, %select_n3A, %add3A_1402, %dma_wait3A_1404, %dma_wait3A_1405] : memref<1x8x2064x32x128xf16, #tpu.memory_space<hbm>> -> memref<1x1x4x32x128xf16, #tpu.memory_space<hbm>>
      %dma_wait3A_1407 = tpu.memref_squeeze %dma_wait3A_1406 : memref<1x1x4x32x128xf16, #tpu.memory_space<hbm>> -> memref<4x32x128xf16, #tpu.memory_space<hbm>>
      %dma_wait3A_1408 = arith.constant 0 : i32
      %dma_wait3A_1409 = arith.constant 0 : i32
      %dma_wait3A_1410 = arith.constant 0 : i32
      %dma_wait3A_1411 = tpu.memref_slice %arg8[%arg1, %scan3A_441, %dma_wait3A_1408, %dma_wait3A_1409, %dma_wait3A_1410] : memref<16x8x4x32x128xf16, #tpu.memory_space<vmem_shared>> -> memref<1x1x4x32x128xf16, #tpu.memory_space<vmem_shared>>
      %dma_wait3A_1412 = tpu.memref_squeeze %dma_wait3A_1411 : memref<1x1x4x32x128xf16, #tpu.memory_space<vmem_shared>> -> memref<4x32x128xf16, #tpu.memory_space<vmem_shared>>
      tpu.wait_dma2 semaphore(%arg24 : memref<!tpu.dma_semaphore, #tpu.memory_space<semaphore_mem>>) src(%dma_wait3A_1412 : memref<4x32x128xf16, #tpu.memory_space<vmem_shared>>) dst(%dma_wait3A_1407 : memref<4x32x128xf16, #tpu.memory_space<hbm>>)
      %add3A_1413 = arith.constant 4 : i32
      %add3A_1414 = arith.addi %add3A_1371, %add3A_1413 : i32
      %sub3A_1415 = arith.constant 1 : i32
      %sub3A_1416 = arith.subi %add3A_1414, %sub3A_1415 : i32
      %jit3A_1417 = arith.constant 2 : i32
      %div3A_1418 = arith.divsi %sub3A_1416, %jit3A_1417 : i32
      %sign3A_1419 = arith.constant 0 : i32
      %sign3A_1420 = arith.cmpi sgt, %sub3A_1416, %sign3A_1419 : i32
      %sign3A_1421 = arith.extui %sign3A_1420 : i1 to i32
      %sign3A_1422 = arith.constant 0 : i32
      %sign3A_1423 = arith.cmpi slt, %sub3A_1416, %sign3A_1422 : i32
      %sign3A_1424 = arith.extui %sign3A_1423 : i1 to i32
      %sign3A_1425 = arith.subi %sign3A_1421, %sign3A_1424 : i32
      %sign3A_1426 = arith.constant 0 : i32
      %sign3A_1427 = arith.cmpi sgt, %jit3A_1417, %sign3A_1426 : i32
      %sign3A_1428 = arith.extui %sign3A_1427 : i1 to i32
      %sign3A_1429 = arith.constant 0 : i32
      %sign3A_1430 = arith.cmpi slt, %jit3A_1417, %sign3A_1429 : i32
      %sign3A_1431 = arith.extui %sign3A_1430 : i1 to i32
      %sign3A_1432 = arith.subi %sign3A_1428, %sign3A_1431 : i32
      %ne3A_1433 = arith.cmpi ne, %sign3A_1425, %sign3A_1432 : i32
      %rem3A_1434 = arith.remsi %sub3A_1416, %jit3A_1417 : i32
      %ne3A_1435 = arith.constant 0 : i32
      %ne3A_1436 = arith.cmpi ne, %rem3A_1434, %ne3A_1435 : i32
      %and3A_1437 = arith.andi %ne3A_1433, %ne3A_1436 : i1
      %sub3A_1438 = arith.constant 1 : i32
      %sub3A_1439 = arith.subi %div3A_1418, %sub3A_1438 : i32
      %select_n3A_1440 = arith.select %and3A_1437, %sub3A_1439, %div3A_1418 : i32
      %mul3A_1441 = arith.constant 4 : i32
      %mul3A_1442 = arith.muli %select_n3A_1440, %mul3A_1441 : i32
      %add3A_1443 = arith.addi %mul3A_20, %mul3A_1442 : i32
      %dma_start3A_1444 = arith.constant 0 : i32
      %dma_start3A_1445 = arith.constant 0 : i32
      %dma_start3A_1446 = arith.constant 0 : i32
      %dma_start3A_1447 = arith.constant 0 : i32
      %dma_start3A_1448 = tpu.memref_slice %arg8[%arg1, %scan3A_441, %dma_start3A_1445, %dma_start3A_1446, %dma_start3A_1447] : memref<16x8x4x32x128xf16, #tpu.memory_space<vmem_shared>> -> memref<1x1x4x32x128xf16, #tpu.memory_space<vmem_shared>>
      %dma_start3A_1449 = tpu.memref_squeeze %dma_start3A_1448 : memref<1x1x4x32x128xf16, #tpu.memory_space<vmem_shared>> -> memref<4x32x128xf16, #tpu.memory_space<vmem_shared>>
      %dma_start3A_1450 = arith.constant 0 : i32
      %dma_start3A_1451 = arith.constant 0 : i32
      %dma_start3A_1452 = tpu.memref_slice %arg3[%dma_start3A_1444, %select_n3A, %add3A_1443, %dma_start3A_1450, %dma_start3A_1451] : memref<1x8x2048x32x128xf16, #tpu.memory_space<hbm>> -> memref<1x1x4x32x128xf16, #tpu.memory_space<hbm>>
      %dma_start3A_1453 = tpu.memref_squeeze %dma_start3A_1452 : memref<1x1x4x32x128xf16, #tpu.memory_space<hbm>> -> memref<4x32x128xf16, #tpu.memory_space<hbm>>
      tpu.enqueue_dma source(%dma_start3A_1453 : memref<4x32x128xf16, #tpu.memory_space<hbm>>) target(%dma_start3A_1449 : memref<4x32x128xf16, #tpu.memory_space<vmem_shared>>) target_semaphore(%arg16 : memref<!tpu.dma_semaphore, #tpu.memory_space<semaphore_mem>>)
      %sub3A_1454 = arith.constant 1 : i32
      %sub3A_1455 = arith.subi %add3A_1371, %sub3A_1454 : i32
      %jit3A_1456 = arith.constant 2 : i32
      %div3A_1457 = arith.divsi %sub3A_1455, %jit3A_1456 : i32
      %sign3A_1458 = arith.constant 0 : i32
      %sign3A_1459 = arith.cmpi sgt, %sub3A_1455, %sign3A_1458 : i32
      %sign3A_1460 = arith.extui %sign3A_1459 : i1 to i32
      %sign3A_1461 = arith.constant 0 : i32
      %sign3A_1462 = arith.cmpi slt, %sub3A_1455, %sign3A_1461 : i32
      %sign3A_1463 = arith.extui %sign3A_1462 : i1 to i32
      %sign3A_1464 = arith.subi %sign3A_1460, %sign3A_1463 : i32
      %sign3A_1465 = arith.constant 0 : i32
      %sign3A_1466 = arith.cmpi sgt, %jit3A_1456, %sign3A_1465 : i32
      %sign3A_1467 = arith.extui %sign3A_1466 : i1 to i32
      %sign3A_1468 = arith.constant 0 : i32
      %sign3A_1469 = arith.cmpi slt, %jit3A_1456, %sign3A_1468 : i32
      %sign3A_1470 = arith.extui %sign3A_1469 : i1 to i32
      %sign3A_1471 = arith.subi %sign3A_1467, %sign3A_1470 : i32
      %ne3A_1472 = arith.cmpi ne, %sign3A_1464, %sign3A_1471 : i32
      %rem3A_1473 = arith.remsi %sub3A_1455, %jit3A_1456 : i32
      %ne3A_1474 = arith.constant 0 : i32
      %ne3A_1475 = arith.cmpi ne, %rem3A_1473, %ne3A_1474 : i32
      %and3A_1476 = arith.andi %ne3A_1472, %ne3A_1475 : i1
      %sub3A_1477 = arith.constant 1 : i32
      %sub3A_1478 = arith.subi %div3A_1457, %sub3A_1477 : i32
      %select_n3A_1479 = arith.select %and3A_1476, %sub3A_1478, %div3A_1457 : i32
      %mul3A_1480 = arith.constant 4 : i32
      %mul3A_1481 = arith.muli %select_n3A_1479, %mul3A_1480 : i32
      %add3A_1482 = arith.addi %mul3A_20, %mul3A_1481 : i32
      %dma_wait3A_1483 = arith.constant 0 : i32
      %dma_wait3A_1484 = arith.constant 0 : i32
      %dma_wait3A_1485 = arith.constant 0 : i32
      %dma_wait3A_1486 = arith.constant 0 : i32
      %dma_wait3A_1487 = tpu.memref_slice %arg8[%arg1, %scan3A_442, %dma_wait3A_1484, %dma_wait3A_1485, %dma_wait3A_1486] : memref<16x8x4x32x128xf16, #tpu.memory_space<vmem_shared>> -> memref<1x1x4x32x128xf16, #tpu.memory_space<vmem_shared>>
      %dma_wait3A_1488 = tpu.memref_squeeze %dma_wait3A_1487 : memref<1x1x4x32x128xf16, #tpu.memory_space<vmem_shared>> -> memref<4x32x128xf16, #tpu.memory_space<vmem_shared>>
      %dma_wait3A_1489 = arith.constant 0 : i32
      %dma_wait3A_1490 = arith.constant 0 : i32
      %dma_wait3A_1491 = tpu.memref_slice %arg3[%dma_wait3A_1483, %select_n3A, %add3A_1482, %dma_wait3A_1489, %dma_wait3A_1490] : memref<1x8x2048x32x128xf16, #tpu.memory_space<hbm>> -> memref<1x1x4x32x128xf16, #tpu.memory_space<hbm>>
      %dma_wait3A_1492 = tpu.memref_squeeze %dma_wait3A_1491 : memref<1x1x4x32x128xf16, #tpu.memory_space<hbm>> -> memref<4x32x128xf16, #tpu.memory_space<hbm>>
      tpu.wait_dma2 semaphore(%arg12 : memref<!tpu.dma_semaphore, #tpu.memory_space<semaphore_mem>>) src(%dma_wait3A_1492 : memref<4x32x128xf16, #tpu.memory_space<hbm>>) dst(%dma_wait3A_1488 : memref<4x32x128xf16, #tpu.memory_space<vmem_shared>>)
      %sub3A_1493 = arith.constant 1 : i32
      %sub3A_1494 = arith.subi %add3A_1371, %sub3A_1493 : i32
      %jit3A_1495 = arith.constant 2 : i32
      %div3A_1496 = arith.divsi %sub3A_1494, %jit3A_1495 : i32
      %sign3A_1497 = arith.constant 0 : i32
      %sign3A_1498 = arith.cmpi sgt, %sub3A_1494, %sign3A_1497 : i32
      %sign3A_1499 = arith.extui %sign3A_1498 : i1 to i32
      %sign3A_1500 = arith.constant 0 : i32
      %sign3A_1501 = arith.cmpi slt, %sub3A_1494, %sign3A_1500 : i32
      %sign3A_1502 = arith.extui %sign3A_1501 : i1 to i32
      %sign3A_1503 = arith.subi %sign3A_1499, %sign3A_1502 : i32
      %sign3A_1504 = arith.constant 0 : i32
      %sign3A_1505 = arith.cmpi sgt, %jit3A_1495, %sign3A_1504 : i32
      %sign3A_1506 = arith.extui %sign3A_1505 : i1 to i32
      %sign3A_1507 = arith.constant 0 : i32
      %sign3A_1508 = arith.cmpi slt, %jit3A_1495, %sign3A_1507 : i32
      %sign3A_1509 = arith.extui %sign3A_1508 : i1 to i32
      %sign3A_1510 = arith.subi %sign3A_1506, %sign3A_1509 : i32
      %ne3A_1511 = arith.cmpi ne, %sign3A_1503, %sign3A_1510 : i32
      %rem3A_1512 = arith.remsi %sub3A_1494, %jit3A_1495 : i32
      %ne3A_1513 = arith.constant 0 : i32
      %ne3A_1514 = arith.cmpi ne, %rem3A_1512, %ne3A_1513 : i32
      %and3A_1515 = arith.andi %ne3A_1511, %ne3A_1514 : i1
      %sub3A_1516 = arith.constant 1 : i32
      %sub3A_1517 = arith.subi %div3A_1496, %sub3A_1516 : i32
      %select_n3A_1518 = arith.select %and3A_1515, %sub3A_1517, %div3A_1496 : i32
      %mul3A_1519 = arith.constant 4 : i32
      %mul3A_1520 = arith.muli %select_n3A_1518, %mul3A_1519 : i32
      %add3A_1521 = arith.addi %mul3A_20, %mul3A_1520 : i32
      %dma_start3A_1522 = arith.constant 0 : i32
      %dma_start3A_1523 = arith.constant 0 : i32
      %dma_start3A_1524 = arith.constant 0 : i32
      %dma_start3A_1525 = tpu.memref_slice %arg7[%dma_start3A_1522, %select_n3A, %add3A_1521, %dma_start3A_1523, %dma_start3A_1524] : memref<1x8x2064x32x128xf16, #tpu.memory_space<hbm>> -> memref<1x1x4x32x128xf16, #tpu.memory_space<hbm>>
      %dma_start3A_1526 = tpu.memref_squeeze %dma_start3A_1525 : memref<1x1x4x32x128xf16, #tpu.memory_space<hbm>> -> memref<4x32x128xf16, #tpu.memory_space<hbm>>
      %dma_start3A_1527 = arith.constant 0 : i32
      %dma_start3A_1528 = arith.constant 0 : i32
      %dma_start3A_1529 = arith.constant 0 : i32
      %dma_start3A_1530 = tpu.memref_slice %arg8[%arg1, %scan3A_442, %dma_start3A_1527, %dma_start3A_1528, %dma_start3A_1529] : memref<16x8x4x32x128xf16, #tpu.memory_space<vmem_shared>> -> memref<1x1x4x32x128xf16, #tpu.memory_space<vmem_shared>>
      %dma_start3A_1531 = tpu.memref_squeeze %dma_start3A_1530 : memref<1x1x4x32x128xf16, #tpu.memory_space<vmem_shared>> -> memref<4x32x128xf16, #tpu.memory_space<vmem_shared>>
      tpu.enqueue_dma source(%dma_start3A_1531 : memref<4x32x128xf16, #tpu.memory_space<vmem_shared>>) target(%dma_start3A_1526 : memref<4x32x128xf16, #tpu.memory_space<hbm>>) target_semaphore(%arg20 : memref<!tpu.dma_semaphore, #tpu.memory_space<semaphore_mem>>)
      %add3A_1532 = arith.constant 4 : i32
      %add3A_1533 = arith.addi %add3A_883, %add3A_1532 : i32
      %sub3A_1534 = arith.constant 4 : i32
      %sub3A_1535 = arith.subi %add3A_1533, %sub3A_1534 : i32
      %sub3A_1536 = arith.constant 0 : i32
      %sub3A_1537 = arith.subi %sub3A_1535, %sub3A_1536 : i32
      %jit3A_1538 = arith.constant 2 : i32
      %div3A_1539 = arith.divsi %sub3A_1537, %jit3A_1538 : i32
      %sign3A_1540 = arith.constant 0 : i32
      %sign3A_1541 = arith.cmpi sgt, %sub3A_1537, %sign3A_1540 : i32
      %sign3A_1542 = arith.extui %sign3A_1541 : i1 to i32
      %sign3A_1543 = arith.constant 0 : i32
      %sign3A_1544 = arith.cmpi slt, %sub3A_1537, %sign3A_1543 : i32
      %sign3A_1545 = arith.extui %sign3A_1544 : i1 to i32
      %sign3A_1546 = arith.subi %sign3A_1542, %sign3A_1545 : i32
      %sign3A_1547 = arith.constant 0 : i32
      %sign3A_1548 = arith.cmpi sgt, %jit3A_1538, %sign3A_1547 : i32
      %sign3A_1549 = arith.extui %sign3A_1548 : i1 to i32
      %sign3A_1550 = arith.constant 0 : i32
      %sign3A_1551 = arith.cmpi slt, %jit3A_1538, %sign3A_1550 : i32
      %sign3A_1552 = arith.extui %sign3A_1551 : i1 to i32
      %sign3A_1553 = arith.subi %sign3A_1549, %sign3A_1552 : i32
      %ne3A_1554 = arith.cmpi ne, %sign3A_1546, %sign3A_1553 : i32
      %rem3A_1555 = arith.remsi %sub3A_1537, %jit3A_1538 : i32
      %ne3A_1556 = arith.constant 0 : i32
      %ne3A_1557 = arith.cmpi ne, %rem3A_1555, %ne3A_1556 : i32
      %and3A_1558 = arith.andi %ne3A_1554, %ne3A_1557 : i1
      %sub3A_1559 = arith.constant 1 : i32
      %sub3A_1560 = arith.subi %div3A_1539, %sub3A_1559 : i32
      %select_n3A_1561 = arith.select %and3A_1558, %sub3A_1560, %div3A_1539 : i32
      %mul3A_1562 = arith.constant 4 : i32
      %mul3A_1563 = arith.muli %select_n3A_1561, %mul3A_1562 : i32
      %add3A_1564 = arith.addi %mul3A_20, %mul3A_1563 : i32
      %dma_wait3A_1565 = arith.constant 0 : i32
      %dma_wait3A_1566 = arith.constant 0 : i32
      %dma_wait3A_1567 = arith.constant 0 : i32
      %dma_wait3A_1568 = tpu.memref_slice %arg6[%dma_wait3A_1565, %select_n3A, %add3A_1564, %dma_wait3A_1566, %dma_wait3A_1567] : memref<1x8x2064x32x128xf16, #tpu.memory_space<hbm>> -> memref<1x1x4x32x128xf16, #tpu.memory_space<hbm>>
      %dma_wait3A_1569 = tpu.memref_squeeze %dma_wait3A_1568 : memref<1x1x4x32x128xf16, #tpu.memory_space<hbm>> -> memref<4x32x128xf16, #tpu.memory_space<hbm>>
      %dma_wait3A_1570 = arith.constant 0 : i32
      %dma_wait3A_1571 = arith.constant 0 : i32
      %dma_wait3A_1572 = arith.constant 0 : i32
      %dma_wait3A_1573 = tpu.memref_slice %arg8[%arg1, %scan3A_436, %dma_wait3A_1570, %dma_wait3A_1571, %dma_wait3A_1572] : memref<16x8x4x32x128xf16, #tpu.memory_space<vmem_shared>> -> memref<1x1x4x32x128xf16, #tpu.memory_space<vmem_shared>>
      %dma_wait3A_1574 = tpu.memref_squeeze %dma_wait3A_1573 : memref<1x1x4x32x128xf16, #tpu.memory_space<vmem_shared>> -> memref<4x32x128xf16, #tpu.memory_space<vmem_shared>>
      tpu.wait_dma2 semaphore(%arg17 : memref<!tpu.dma_semaphore, #tpu.memory_space<semaphore_mem>>) src(%dma_wait3A_1574 : memref<4x32x128xf16, #tpu.memory_space<vmem_shared>>) dst(%dma_wait3A_1569 : memref<4x32x128xf16, #tpu.memory_space<hbm>>)
      %add3A_1575 = arith.constant 4 : i32
      %add3A_1576 = arith.addi %add3A_1533, %add3A_1575 : i32
      %sub3A_1577 = arith.constant 0 : i32
      %sub3A_1578 = arith.subi %add3A_1576, %sub3A_1577 : i32
      %jit3A_1579 = arith.constant 2 : i32
      %div3A_1580 = arith.divsi %sub3A_1578, %jit3A_1579 : i32
      %sign3A_1581 = arith.constant 0 : i32
      %sign3A_1582 = arith.cmpi sgt, %sub3A_1578, %sign3A_1581 : i32
      %sign3A_1583 = arith.extui %sign3A_1582 : i1 to i32
      %sign3A_1584 = arith.constant 0 : i32
      %sign3A_1585 = arith.cmpi slt, %sub3A_1578, %sign3A_1584 : i32
      %sign3A_1586 = arith.extui %sign3A_1585 : i1 to i32
      %sign3A_1587 = arith.subi %sign3A_1583, %sign3A_1586 : i32
      %sign3A_1588 = arith.constant 0 : i32
      %sign3A_1589 = arith.cmpi sgt, %jit3A_1579, %sign3A_1588 : i32
      %sign3A_1590 = arith.extui %sign3A_1589 : i1 to i32
      %sign3A_1591 = arith.constant 0 : i32
      %sign3A_1592 = arith.cmpi slt, %jit3A_1579, %sign3A_1591 : i32
      %sign3A_1593 = arith.extui %sign3A_1592 : i1 to i32
      %sign3A_1594 = arith.subi %sign3A_1590, %sign3A_1593 : i32
      %ne3A_1595 = arith.cmpi ne, %sign3A_1587, %sign3A_1594 : i32
      %rem3A_1596 = arith.remsi %sub3A_1578, %jit3A_1579 : i32
      %ne3A_1597 = arith.constant 0 : i32
      %ne3A_1598 = arith.cmpi ne, %rem3A_1596, %ne3A_1597 : i32
      %and3A_1599 = arith.andi %ne3A_1595, %ne3A_1598 : i1
      %sub3A_1600 = arith.constant 1 : i32
      %sub3A_1601 = arith.subi %div3A_1580, %sub3A_1600 : i32
      %select_n3A_1602 = arith.select %and3A_1599, %sub3A_1601, %div3A_1580 : i32
      %mul3A_1603 = arith.constant 4 : i32
      %mul3A_1604 = arith.muli %select_n3A_1602, %mul3A_1603 : i32
      %add3A_1605 = arith.addi %mul3A_20, %mul3A_1604 : i32
      %dma_start3A_1606 = arith.constant 0 : i32
      %dma_start3A_1607 = arith.constant 0 : i32
      %dma_start3A_1608 = arith.constant 0 : i32
      %dma_start3A_1609 = arith.constant 0 : i32
      %dma_start3A_1610 = tpu.memref_slice %arg8[%arg1, %scan3A_436, %dma_start3A_1607, %dma_start3A_1608, %dma_start3A_1609] : memref<16x8x4x32x128xf16, #tpu.memory_space<vmem_shared>> -> memref<1x1x4x32x128xf16, #tpu.memory_space<vmem_shared>>
      %dma_start3A_1611 = tpu.memref_squeeze %dma_start3A_1610 : memref<1x1x4x32x128xf16, #tpu.memory_space<vmem_shared>> -> memref<4x32x128xf16, #tpu.memory_space<vmem_shared>>
      %dma_start3A_1612 = arith.constant 0 : i32
      %dma_start3A_1613 = arith.constant 0 : i32
      %dma_start3A_1614 = tpu.memref_slice %arg2[%dma_start3A_1606, %select_n3A, %add3A_1605, %dma_start3A_1612, %dma_start3A_1613] : memref<1x8x2048x32x128xf16, #tpu.memory_space<hbm>> -> memref<1x1x4x32x128xf16, #tpu.memory_space<hbm>>
      %dma_start3A_1615 = tpu.memref_squeeze %dma_start3A_1614 : memref<1x1x4x32x128xf16, #tpu.memory_space<hbm>> -> memref<4x32x128xf16, #tpu.memory_space<hbm>>
      tpu.enqueue_dma source(%dma_start3A_1615 : memref<4x32x128xf16, #tpu.memory_space<hbm>>) target(%dma_start3A_1611 : memref<4x32x128xf16, #tpu.memory_space<vmem_shared>>) target_semaphore(%arg9 : memref<!tpu.dma_semaphore, #tpu.memory_space<semaphore_mem>>)
      %sub3A_1616 = arith.constant 0 : i32
      %sub3A_1617 = arith.subi %add3A_1533, %sub3A_1616 : i32
      %jit3A_1618 = arith.constant 2 : i32
      %div3A_1619 = arith.divsi %sub3A_1617, %jit3A_1618 : i32
      %sign3A_1620 = arith.constant 0 : i32
      %sign3A_1621 = arith.cmpi sgt, %sub3A_1617, %sign3A_1620 : i32
      %sign3A_1622 = arith.extui %sign3A_1621 : i1 to i32
      %sign3A_1623 = arith.constant 0 : i32
      %sign3A_1624 = arith.cmpi slt, %sub3A_1617, %sign3A_1623 : i32
      %sign3A_1625 = arith.extui %sign3A_1624 : i1 to i32
      %sign3A_1626 = arith.subi %sign3A_1622, %sign3A_1625 : i32
      %sign3A_1627 = arith.constant 0 : i32
      %sign3A_1628 = arith.cmpi sgt, %jit3A_1618, %sign3A_1627 : i32
      %sign3A_1629 = arith.extui %sign3A_1628 : i1 to i32
      %sign3A_1630 = arith.constant 0 : i32
      %sign3A_1631 = arith.cmpi slt, %jit3A_1618, %sign3A_1630 : i32
      %sign3A_1632 = arith.extui %sign3A_1631 : i1 to i32
      %sign3A_1633 = arith.subi %sign3A_1629, %sign3A_1632 : i32
      %ne3A_1634 = arith.cmpi ne, %sign3A_1626, %sign3A_1633 : i32
      %rem3A_1635 = arith.remsi %sub3A_1617, %jit3A_1618 : i32
      %ne3A_1636 = arith.constant 0 : i32
      %ne3A_1637 = arith.cmpi ne, %rem3A_1635, %ne3A_1636 : i32
      %and3A_1638 = arith.andi %ne3A_1634, %ne3A_1637 : i1
      %sub3A_1639 = arith.constant 1 : i32
      %sub3A_1640 = arith.subi %div3A_1619, %sub3A_1639 : i32
      %select_n3A_1641 = arith.select %and3A_1638, %sub3A_1640, %div3A_1619 : i32
      %mul3A_1642 = arith.constant 4 : i32
      %mul3A_1643 = arith.muli %select_n3A_1641, %mul3A_1642 : i32
      %add3A_1644 = arith.addi %mul3A_20, %mul3A_1643 : i32
      %dma_wait3A_1645 = arith.constant 0 : i32
      %dma_wait3A_1646 = arith.constant 0 : i32
      %dma_wait3A_1647 = arith.constant 0 : i32
      %dma_wait3A_1648 = arith.constant 0 : i32
      %dma_wait3A_1649 = tpu.memref_slice %arg8[%arg1, %scan3A_435, %dma_wait3A_1646, %dma_wait3A_1647, %dma_wait3A_1648] : memref<16x8x4x32x128xf16, #tpu.memory_space<vmem_shared>> -> memref<1x1x4x32x128xf16, #tpu.memory_space<vmem_shared>>
      %dma_wait3A_1650 = tpu.memref_squeeze %dma_wait3A_1649 : memref<1x1x4x32x128xf16, #tpu.memory_space<vmem_shared>> -> memref<4x32x128xf16, #tpu.memory_space<vmem_shared>>
      %dma_wait3A_1651 = arith.constant 0 : i32
      %dma_wait3A_1652 = arith.constant 0 : i32
      %dma_wait3A_1653 = tpu.memref_slice %arg2[%dma_wait3A_1645, %select_n3A, %add3A_1644, %dma_wait3A_1651, %dma_wait3A_1652] : memref<1x8x2048x32x128xf16, #tpu.memory_space<hbm>> -> memref<1x1x4x32x128xf16, #tpu.memory_space<hbm>>
      %dma_wait3A_1654 = tpu.memref_squeeze %dma_wait3A_1653 : memref<1x1x4x32x128xf16, #tpu.memory_space<hbm>> -> memref<4x32x128xf16, #tpu.memory_space<hbm>>
      tpu.wait_dma2 semaphore(%arg13 : memref<!tpu.dma_semaphore, #tpu.memory_space<semaphore_mem>>) src(%dma_wait3A_1654 : memref<4x32x128xf16, #tpu.memory_space<hbm>>) dst(%dma_wait3A_1650 : memref<4x32x128xf16, #tpu.memory_space<vmem_shared>>)
      %sub3A_1655 = arith.constant 0 : i32
      %sub3A_1656 = arith.subi %add3A_1533, %sub3A_1655 : i32
      %jit3A_1657 = arith.constant 2 : i32
      %div3A_1658 = arith.divsi %sub3A_1656, %jit3A_1657 : i32
      %sign3A_1659 = arith.constant 0 : i32
      %sign3A_1660 = arith.cmpi sgt, %sub3A_1656, %sign3A_1659 : i32
      %sign3A_1661 = arith.extui %sign3A_1660 : i1 to i32
      %sign3A_1662 = arith.constant 0 : i32
      %sign3A_1663 = arith.cmpi slt, %sub3A_1656, %sign3A_1662 : i32
      %sign3A_1664 = arith.extui %sign3A_1663 : i1 to i32
      %sign3A_1665 = arith.subi %sign3A_1661, %sign3A_1664 : i32
      %sign3A_1666 = arith.constant 0 : i32
      %sign3A_1667 = arith.cmpi sgt, %jit3A_1657, %sign3A_1666 : i32
      %sign3A_1668 = arith.extui %sign3A_1667 : i1 to i32
      %sign3A_1669 = arith.constant 0 : i32
      %sign3A_1670 = arith.cmpi slt, %jit3A_1657, %sign3A_1669 : i32
      %sign3A_1671 = arith.extui %sign3A_1670 : i1 to i32
      %sign3A_1672 = arith.subi %sign3A_1668, %sign3A_1671 : i32
      %ne3A_1673 = arith.cmpi ne, %sign3A_1665, %sign3A_1672 : i32
      %rem3A_1674 = arith.remsi %sub3A_1656, %jit3A_1657 : i32
      %ne3A_1675 = arith.constant 0 : i32
      %ne3A_1676 = arith.cmpi ne, %rem3A_1674, %ne3A_1675 : i32
      %and3A_1677 = arith.andi %ne3A_1673, %ne3A_1676 : i1
      %sub3A_1678 = arith.constant 1 : i32
      %sub3A_1679 = arith.subi %div3A_1658, %sub3A_1678 : i32
      %select_n3A_1680 = arith.select %and3A_1677, %sub3A_1679, %div3A_1658 : i32
      %mul3A_1681 = arith.constant 4 : i32
      %mul3A_1682 = arith.muli %select_n3A_1680, %mul3A_1681 : i32
      %add3A_1683 = arith.addi %mul3A_20, %mul3A_1682 : i32
      %dma_start3A_1684 = arith.constant 0 : i32
      %dma_start3A_1685 = arith.constant 0 : i32
      %dma_start3A_1686 = arith.constant 0 : i32
      %dma_start3A_1687 = tpu.memref_slice %arg6[%dma_start3A_1684, %select_n3A, %add3A_1683, %dma_start3A_1685, %dma_start3A_1686] : memref<1x8x2064x32x128xf16, #tpu.memory_space<hbm>> -> memref<1x1x4x32x128xf16, #tpu.memory_space<hbm>>
      %dma_start3A_1688 = tpu.memref_squeeze %dma_start3A_1687 : memref<1x1x4x32x128xf16, #tpu.memory_space<hbm>> -> memref<4x32x128xf16, #tpu.memory_space<hbm>>
      %dma_start3A_1689 = arith.constant 0 : i32
      %dma_start3A_1690 = arith.constant 0 : i32
      %dma_start3A_1691 = arith.constant 0 : i32
      %dma_start3A_1692 = tpu.memref_slice %arg8[%arg1, %scan3A_435, %dma_start3A_1689, %dma_start3A_1690, %dma_start3A_1691] : memref<16x8x4x32x128xf16, #tpu.memory_space<vmem_shared>> -> memref<1x1x4x32x128xf16, #tpu.memory_space<vmem_shared>>
      %dma_start3A_1693 = tpu.memref_squeeze %dma_start3A_1692 : memref<1x1x4x32x128xf16, #tpu.memory_space<vmem_shared>> -> memref<4x32x128xf16, #tpu.memory_space<vmem_shared>>
      tpu.enqueue_dma source(%dma_start3A_1693 : memref<4x32x128xf16, #tpu.memory_space<vmem_shared>>) target(%dma_start3A_1688 : memref<4x32x128xf16, #tpu.memory_space<hbm>>) target_semaphore(%arg21 : memref<!tpu.dma_semaphore, #tpu.memory_space<semaphore_mem>>)
      %add3A_1694 = arith.constant 5 : i32
      %add3A_1695 = arith.addi %add3A_883, %add3A_1694 : i32
      %sub3A_1696 = arith.constant 4 : i32
      %sub3A_1697 = arith.subi %add3A_1695, %sub3A_1696 : i32
      %sub3A_1698 = arith.constant 1 : i32
      %sub3A_1699 = arith.subi %sub3A_1697, %sub3A_1698 : i32
      %jit3A_1700 = arith.constant 2 : i32
      %div3A_1701 = arith.divsi %sub3A_1699, %jit3A_1700 : i32
      %sign3A_1702 = arith.constant 0 : i32
      %sign3A_1703 = arith.cmpi sgt, %sub3A_1699, %sign3A_1702 : i32
      %sign3A_1704 = arith.extui %sign3A_1703 : i1 to i32
      %sign3A_1705 = arith.constant 0 : i32
      %sign3A_1706 = arith.cmpi slt, %sub3A_1699, %sign3A_1705 : i32
      %sign3A_1707 = arith.extui %sign3A_1706 : i1 to i32
      %sign3A_1708 = arith.subi %sign3A_1704, %sign3A_1707 : i32
      %sign3A_1709 = arith.constant 0 : i32
      %sign3A_1710 = arith.cmpi sgt, %jit3A_1700, %sign3A_1709 : i32
      %sign3A_1711 = arith.extui %sign3A_1710 : i1 to i32
      %sign3A_1712 = arith.constant 0 : i32
      %sign3A_1713 = arith.cmpi slt, %jit3A_1700, %sign3A_1712 : i32
      %sign3A_1714 = arith.extui %sign3A_1713 : i1 to i32
      %sign3A_1715 = arith.subi %sign3A_1711, %sign3A_1714 : i32
      %ne3A_1716 = arith.cmpi ne, %sign3A_1708, %sign3A_1715 : i32
      %rem3A_1717 = arith.remsi %sub3A_1699, %jit3A_1700 : i32
      %ne3A_1718 = arith.constant 0 : i32
      %ne3A_1719 = arith.cmpi ne, %rem3A_1717, %ne3A_1718 : i32
      %and3A_1720 = arith.andi %ne3A_1716, %ne3A_1719 : i1
      %sub3A_1721 = arith.constant 1 : i32
      %sub3A_1722 = arith.subi %div3A_1701, %sub3A_1721 : i32
      %select_n3A_1723 = arith.select %and3A_1720, %sub3A_1722, %div3A_1701 : i32
      %mul3A_1724 = arith.constant 4 : i32
      %mul3A_1725 = arith.muli %select_n3A_1723, %mul3A_1724 : i32
      %add3A_1726 = arith.addi %mul3A_20, %mul3A_1725 : i32
      %dma_wait3A_1727 = arith.constant 0 : i32
      %dma_wait3A_1728 = arith.constant 0 : i32
      %dma_wait3A_1729 = arith.constant 0 : i32
      %dma_wait3A_1730 = tpu.memref_slice %arg7[%dma_wait3A_1727, %select_n3A, %add3A_1726, %dma_wait3A_1728, %dma_wait3A_1729] : memref<1x8x2064x32x128xf16, #tpu.memory_space<hbm>> -> memref<1x1x4x32x128xf16, #tpu.memory_space<hbm>>
      %dma_wait3A_1731 = tpu.memref_squeeze %dma_wait3A_1730 : memref<1x1x4x32x128xf16, #tpu.memory_space<hbm>> -> memref<4x32x128xf16, #tpu.memory_space<hbm>>
      %dma_wait3A_1732 = arith.constant 0 : i32
      %dma_wait3A_1733 = arith.constant 0 : i32
      %dma_wait3A_1734 = arith.constant 0 : i32
      %dma_wait3A_1735 = tpu.memref_slice %arg8[%arg1, %scan3A_438, %dma_wait3A_1732, %dma_wait3A_1733, %dma_wait3A_1734] : memref<16x8x4x32x128xf16, #tpu.memory_space<vmem_shared>> -> memref<1x1x4x32x128xf16, #tpu.memory_space<vmem_shared>>
      %dma_wait3A_1736 = tpu.memref_squeeze %dma_wait3A_1735 : memref<1x1x4x32x128xf16, #tpu.memory_space<vmem_shared>> -> memref<4x32x128xf16, #tpu.memory_space<vmem_shared>>
      tpu.wait_dma2 semaphore(%arg18 : memref<!tpu.dma_semaphore, #tpu.memory_space<semaphore_mem>>) src(%dma_wait3A_1736 : memref<4x32x128xf16, #tpu.memory_space<vmem_shared>>) dst(%dma_wait3A_1731 : memref<4x32x128xf16, #tpu.memory_space<hbm>>)
      %add3A_1737 = arith.constant 4 : i32
      %add3A_1738 = arith.addi %add3A_1695, %add3A_1737 : i32
      %sub3A_1739 = arith.constant 1 : i32
      %sub3A_1740 = arith.subi %add3A_1738, %sub3A_1739 : i32
      %jit3A_1741 = arith.constant 2 : i32
      %div3A_1742 = arith.divsi %sub3A_1740, %jit3A_1741 : i32
      %sign3A_1743 = arith.constant 0 : i32
      %sign3A_1744 = arith.cmpi sgt, %sub3A_1740, %sign3A_1743 : i32
      %sign3A_1745 = arith.extui %sign3A_1744 : i1 to i32
      %sign3A_1746 = arith.constant 0 : i32
      %sign3A_1747 = arith.cmpi slt, %sub3A_1740, %sign3A_1746 : i32
      %sign3A_1748 = arith.extui %sign3A_1747 : i1 to i32
      %sign3A_1749 = arith.subi %sign3A_1745, %sign3A_1748 : i32
      %sign3A_1750 = arith.constant 0 : i32
      %sign3A_1751 = arith.cmpi sgt, %jit3A_1741, %sign3A_1750 : i32
      %sign3A_1752 = arith.extui %sign3A_1751 : i1 to i32
      %sign3A_1753 = arith.constant 0 : i32
      %sign3A_1754 = arith.cmpi slt, %jit3A_1741, %sign3A_1753 : i32
      %sign3A_1755 = arith.extui %sign3A_1754 : i1 to i32
      %sign3A_1756 = arith.subi %sign3A_1752, %sign3A_1755 : i32
      %ne3A_1757 = arith.cmpi ne, %sign3A_1749, %sign3A_1756 : i32
      %rem3A_1758 = arith.remsi %sub3A_1740, %jit3A_1741 : i32
      %ne3A_1759 = arith.constant 0 : i32
      %ne3A_1760 = arith.cmpi ne, %rem3A_1758, %ne3A_1759 : i32
      %and3A_1761 = arith.andi %ne3A_1757, %ne3A_1760 : i1
      %sub3A_1762 = arith.constant 1 : i32
      %sub3A_1763 = arith.subi %div3A_1742, %sub3A_1762 : i32
      %select_n3A_1764 = arith.select %and3A_1761, %sub3A_1763, %div3A_1742 : i32
      %mul3A_1765 = arith.constant 4 : i32
      %mul3A_1766 = arith.muli %select_n3A_1764, %mul3A_1765 : i32
      %add3A_1767 = arith.addi %mul3A_20, %mul3A_1766 : i32
      %dma_start3A_1768 = arith.constant 0 : i32
      %dma_start3A_1769 = arith.constant 0 : i32
      %dma_start3A_1770 = arith.constant 0 : i32
      %dma_start3A_1771 = arith.constant 0 : i32
      %dma_start3A_1772 = tpu.memref_slice %arg8[%arg1, %scan3A_438, %dma_start3A_1769, %dma_start3A_1770, %dma_start3A_1771] : memref<16x8x4x32x128xf16, #tpu.memory_space<vmem_shared>> -> memref<1x1x4x32x128xf16, #tpu.memory_space<vmem_shared>>
      %dma_start3A_1773 = tpu.memref_squeeze %dma_start3A_1772 : memref<1x1x4x32x128xf16, #tpu.memory_space<vmem_shared>> -> memref<4x32x128xf16, #tpu.memory_space<vmem_shared>>
      %dma_start3A_1774 = arith.constant 0 : i32
      %dma_start3A_1775 = arith.constant 0 : i32
      %dma_start3A_1776 = tpu.memref_slice %arg3[%dma_start3A_1768, %select_n3A, %add3A_1767, %dma_start3A_1774, %dma_start3A_1775] : memref<1x8x2048x32x128xf16, #tpu.memory_space<hbm>> -> memref<1x1x4x32x128xf16, #tpu.memory_space<hbm>>
      %dma_start3A_1777 = tpu.memref_squeeze %dma_start3A_1776 : memref<1x1x4x32x128xf16, #tpu.memory_space<hbm>> -> memref<4x32x128xf16, #tpu.memory_space<hbm>>
      tpu.enqueue_dma source(%dma_start3A_1777 : memref<4x32x128xf16, #tpu.memory_space<hbm>>) target(%dma_start3A_1773 : memref<4x32x128xf16, #tpu.memory_space<vmem_shared>>) target_semaphore(%arg10 : memref<!tpu.dma_semaphore, #tpu.memory_space<semaphore_mem>>)
      %sub3A_1778 = arith.constant 1 : i32
      %sub3A_1779 = arith.subi %add3A_1695, %sub3A_1778 : i32
      %jit3A_1780 = arith.constant 2 : i32
      %div3A_1781 = arith.divsi %sub3A_1779, %jit3A_1780 : i32
      %sign3A_1782 = arith.constant 0 : i32
      %sign3A_1783 = arith.cmpi sgt, %sub3A_1779, %sign3A_1782 : i32
      %sign3A_1784 = arith.extui %sign3A_1783 : i1 to i32
      %sign3A_1785 = arith.constant 0 : i32
      %sign3A_1786 = arith.cmpi slt, %sub3A_1779, %sign3A_1785 : i32
      %sign3A_1787 = arith.extui %sign3A_1786 : i1 to i32
      %sign3A_1788 = arith.subi %sign3A_1784, %sign3A_1787 : i32
      %sign3A_1789 = arith.constant 0 : i32
      %sign3A_1790 = arith.cmpi sgt, %jit3A_1780, %sign3A_1789 : i32
      %sign3A_1791 = arith.extui %sign3A_1790 : i1 to i32
      %sign3A_1792 = arith.constant 0 : i32
      %sign3A_1793 = arith.cmpi slt, %jit3A_1780, %sign3A_1792 : i32
      %sign3A_1794 = arith.extui %sign3A_1793 : i1 to i32
      %sign3A_1795 = arith.subi %sign3A_1791, %sign3A_1794 : i32
      %ne3A_1796 = arith.cmpi ne, %sign3A_1788, %sign3A_1795 : i32
      %rem3A_1797 = arith.remsi %sub3A_1779, %jit3A_1780 : i32
      %ne3A_1798 = arith.constant 0 : i32
      %ne3A_1799 = arith.cmpi ne, %rem3A_1797, %ne3A_1798 : i32
      %and3A_1800 = arith.andi %ne3A_1796, %ne3A_1799 : i1
      %sub3A_1801 = arith.constant 1 : i32
      %sub3A_1802 = arith.subi %div3A_1781, %sub3A_1801 : i32
      %select_n3A_1803 = arith.select %and3A_1800, %sub3A_1802, %div3A_1781 : i32
      %mul3A_1804 = arith.constant 4 : i32
      %mul3A_1805 = arith.muli %select_n3A_1803, %mul3A_1804 : i32
      %add3A_1806 = arith.addi %mul3A_20, %mul3A_1805 : i32
      %dma_wait3A_1807 = arith.constant 0 : i32
      %dma_wait3A_1808 = arith.constant 0 : i32
      %dma_wait3A_1809 = arith.constant 0 : i32
      %dma_wait3A_1810 = arith.constant 0 : i32
      %dma_wait3A_1811 = tpu.memref_slice %arg8[%arg1, %scan3A_437, %dma_wait3A_1808, %dma_wait3A_1809, %dma_wait3A_1810] : memref<16x8x4x32x128xf16, #tpu.memory_space<vmem_shared>> -> memref<1x1x4x32x128xf16, #tpu.memory_space<vmem_shared>>
      %dma_wait3A_1812 = tpu.memref_squeeze %dma_wait3A_1811 : memref<1x1x4x32x128xf16, #tpu.memory_space<vmem_shared>> -> memref<4x32x128xf16, #tpu.memory_space<vmem_shared>>
      %dma_wait3A_1813 = arith.constant 0 : i32
      %dma_wait3A_1814 = arith.constant 0 : i32
      %dma_wait3A_1815 = tpu.memref_slice %arg3[%dma_wait3A_1807, %select_n3A, %add3A_1806, %dma_wait3A_1813, %dma_wait3A_1814] : memref<1x8x2048x32x128xf16, #tpu.memory_space<hbm>> -> memref<1x1x4x32x128xf16, #tpu.memory_space<hbm>>
      %dma_wait3A_1816 = tpu.memref_squeeze %dma_wait3A_1815 : memref<1x1x4x32x128xf16, #tpu.memory_space<hbm>> -> memref<4x32x128xf16, #tpu.memory_space<hbm>>
      tpu.wait_dma2 semaphore(%arg14 : memref<!tpu.dma_semaphore, #tpu.memory_space<semaphore_mem>>) src(%dma_wait3A_1816 : memref<4x32x128xf16, #tpu.memory_space<hbm>>) dst(%dma_wait3A_1812 : memref<4x32x128xf16, #tpu.memory_space<vmem_shared>>)
      %sub3A_1817 = arith.constant 1 : i32
      %sub3A_1818 = arith.subi %add3A_1695, %sub3A_1817 : i32
      %jit3A_1819 = arith.constant 2 : i32
      %div3A_1820 = arith.divsi %sub3A_1818, %jit3A_1819 : i32
      %sign3A_1821 = arith.constant 0 : i32
      %sign3A_1822 = arith.cmpi sgt, %sub3A_1818, %sign3A_1821 : i32
      %sign3A_1823 = arith.extui %sign3A_1822 : i1 to i32
      %sign3A_1824 = arith.constant 0 : i32
      %sign3A_1825 = arith.cmpi slt, %sub3A_1818, %sign3A_1824 : i32
      %sign3A_1826 = arith.extui %sign3A_1825 : i1 to i32
      %sign3A_1827 = arith.subi %sign3A_1823, %sign3A_1826 : i32
      %sign3A_1828 = arith.constant 0 : i32
      %sign3A_1829 = arith.cmpi sgt, %jit3A_1819, %sign3A_1828 : i32
      %sign3A_1830 = arith.extui %sign3A_1829 : i1 to i32
      %sign3A_1831 = arith.constant 0 : i32
      %sign3A_1832 = arith.cmpi slt, %jit3A_1819, %sign3A_1831 : i32
      %sign3A_1833 = arith.extui %sign3A_1832 : i1 to i32
      %sign3A_1834 = arith.subi %sign3A_1830, %sign3A_1833 : i32
      %ne3A_1835 = arith.cmpi ne, %sign3A_1827, %sign3A_1834 : i32
      %rem3A_1836 = arith.remsi %sub3A_1818, %jit3A_1819 : i32
      %ne3A_1837 = arith.constant 0 : i32
      %ne3A_1838 = arith.cmpi ne, %rem3A_1836, %ne3A_1837 : i32
      %and3A_1839 = arith.andi %ne3A_1835, %ne3A_1838 : i1
      %sub3A_1840 = arith.constant 1 : i32
      %sub3A_1841 = arith.subi %div3A_1820, %sub3A_1840 : i32
      %select_n3A_1842 = arith.select %and3A_1839, %sub3A_1841, %div3A_1820 : i32
      %mul3A_1843 = arith.constant 4 : i32
      %mul3A_1844 = arith.muli %select_n3A_1842, %mul3A_1843 : i32
      %add3A_1845 = arith.addi %mul3A_20, %mul3A_1844 : i32
      %dma_start3A_1846 = arith.constant 0 : i32
      %dma_start3A_1847 = arith.constant 0 : i32
      %dma_start3A_1848 = arith.constant 0 : i32
      %dma_start3A_1849 = tpu.memref_slice %arg7[%dma_start3A_1846, %select_n3A, %add3A_1845, %dma_start3A_1847, %dma_start3A_1848] : memref<1x8x2064x32x128xf16, #tpu.memory_space<hbm>> -> memref<1x1x4x32x128xf16, #tpu.memory_space<hbm>>
      %dma_start3A_1850 = tpu.memref_squeeze %dma_start3A_1849 : memref<1x1x4x32x128xf16, #tpu.memory_space<hbm>> -> memref<4x32x128xf16, #tpu.memory_space<hbm>>
      %dma_start3A_1851 = arith.constant 0 : i32
      %dma_start3A_1852 = arith.constant 0 : i32
      %dma_start3A_1853 = arith.constant 0 : i32
      %dma_start3A_1854 = tpu.memref_slice %arg8[%arg1, %scan3A_437, %dma_start3A_1851, %dma_start3A_1852, %dma_start3A_1853] : memref<16x8x4x32x128xf16, #tpu.memory_space<vmem_shared>> -> memref<1x1x4x32x128xf16, #tpu.memory_space<vmem_shared>>
      %dma_start3A_1855 = tpu.memref_squeeze %dma_start3A_1854 : memref<1x1x4x32x128xf16, #tpu.memory_space<vmem_shared>> -> memref<4x32x128xf16, #tpu.memory_space<vmem_shared>>
      tpu.enqueue_dma source(%dma_start3A_1855 : memref<4x32x128xf16, #tpu.memory_space<vmem_shared>>) target(%dma_start3A_1850 : memref<4x32x128xf16, #tpu.memory_space<hbm>>) target_semaphore(%arg22 : memref<!tpu.dma_semaphore, #tpu.memory_space<semaphore_mem>>)
      %add3A_1856 = arith.constant 6 : i32
      %add3A_1857 = arith.addi %add3A_883, %add3A_1856 : i32
      %sub3A_1858 = arith.constant 4 : i32
      %sub3A_1859 = arith.subi %add3A_1857, %sub3A_1858 : i32
      %sub3A_1860 = arith.constant 0 : i32
      %sub3A_1861 = arith.subi %sub3A_1859, %sub3A_1860 : i32
      %jit3A_1862 = arith.constant 2 : i32
      %div3A_1863 = arith.divsi %sub3A_1861, %jit3A_1862 : i32
      %sign3A_1864 = arith.constant 0 : i32
      %sign3A_1865 = arith.cmpi sgt, %sub3A_1861, %sign3A_1864 : i32
      %sign3A_1866 = arith.extui %sign3A_1865 : i1 to i32
      %sign3A_1867 = arith.constant 0 : i32
      %sign3A_1868 = arith.cmpi slt, %sub3A_1861, %sign3A_1867 : i32
      %sign3A_1869 = arith.extui %sign3A_1868 : i1 to i32
      %sign3A_1870 = arith.subi %sign3A_1866, %sign3A_1869 : i32
      %sign3A_1871 = arith.constant 0 : i32
      %sign3A_1872 = arith.cmpi sgt, %jit3A_1862, %sign3A_1871 : i32
      %sign3A_1873 = arith.extui %sign3A_1872 : i1 to i32
      %sign3A_1874 = arith.constant 0 : i32
      %sign3A_1875 = arith.cmpi slt, %jit3A_1862, %sign3A_1874 : i32
      %sign3A_1876 = arith.extui %sign3A_1875 : i1 to i32
      %sign3A_1877 = arith.subi %sign3A_1873, %sign3A_1876 : i32
      %ne3A_1878 = arith.cmpi ne, %sign3A_1870, %sign3A_1877 : i32
      %rem3A_1879 = arith.remsi %sub3A_1861, %jit3A_1862 : i32
      %ne3A_1880 = arith.constant 0 : i32
      %ne3A_1881 = arith.cmpi ne, %rem3A_1879, %ne3A_1880 : i32
      %and3A_1882 = arith.andi %ne3A_1878, %ne3A_1881 : i1
      %sub3A_1883 = arith.constant 1 : i32
      %sub3A_1884 = arith.subi %div3A_1863, %sub3A_1883 : i32
      %select_n3A_1885 = arith.select %and3A_1882, %sub3A_1884, %div3A_1863 : i32
      %mul3A_1886 = arith.constant 4 : i32
      %mul3A_1887 = arith.muli %select_n3A_1885, %mul3A_1886 : i32
      %add3A_1888 = arith.addi %mul3A_20, %mul3A_1887 : i32
      %dma_wait3A_1889 = arith.constant 0 : i32
      %dma_wait3A_1890 = arith.constant 0 : i32
      %dma_wait3A_1891 = arith.constant 0 : i32
      %dma_wait3A_1892 = tpu.memref_slice %arg6[%dma_wait3A_1889, %select_n3A, %add3A_1888, %dma_wait3A_1890, %dma_wait3A_1891] : memref<1x8x2064x32x128xf16, #tpu.memory_space<hbm>> -> memref<1x1x4x32x128xf16, #tpu.memory_space<hbm>>
      %dma_wait3A_1893 = tpu.memref_squeeze %dma_wait3A_1892 : memref<1x1x4x32x128xf16, #tpu.memory_space<hbm>> -> memref<4x32x128xf16, #tpu.memory_space<hbm>>
      %dma_wait3A_1894 = arith.constant 0 : i32
      %dma_wait3A_1895 = arith.constant 0 : i32
      %dma_wait3A_1896 = arith.constant 0 : i32
      %dma_wait3A_1897 = tpu.memref_slice %arg8[%arg1, %scan3A_440, %dma_wait3A_1894, %dma_wait3A_1895, %dma_wait3A_1896] : memref<16x8x4x32x128xf16, #tpu.memory_space<vmem_shared>> -> memref<1x1x4x32x128xf16, #tpu.memory_space<vmem_shared>>
      %dma_wait3A_1898 = tpu.memref_squeeze %dma_wait3A_1897 : memref<1x1x4x32x128xf16, #tpu.memory_space<vmem_shared>> -> memref<4x32x128xf16, #tpu.memory_space<vmem_shared>>
      tpu.wait_dma2 semaphore(%arg19 : memref<!tpu.dma_semaphore, #tpu.memory_space<semaphore_mem>>) src(%dma_wait3A_1898 : memref<4x32x128xf16, #tpu.memory_space<vmem_shared>>) dst(%dma_wait3A_1893 : memref<4x32x128xf16, #tpu.memory_space<hbm>>)
      %add3A_1899 = arith.constant 4 : i32
      %add3A_1900 = arith.addi %add3A_1857, %add3A_1899 : i32
      %sub3A_1901 = arith.constant 0 : i32
      %sub3A_1902 = arith.subi %add3A_1900, %sub3A_1901 : i32
      %jit3A_1903 = arith.constant 2 : i32
      %div3A_1904 = arith.divsi %sub3A_1902, %jit3A_1903 : i32
      %sign3A_1905 = arith.constant 0 : i32
      %sign3A_1906 = arith.cmpi sgt, %sub3A_1902, %sign3A_1905 : i32
      %sign3A_1907 = arith.extui %sign3A_1906 : i1 to i32
      %sign3A_1908 = arith.constant 0 : i32
      %sign3A_1909 = arith.cmpi slt, %sub3A_1902, %sign3A_1908 : i32
      %sign3A_1910 = arith.extui %sign3A_1909 : i1 to i32
      %sign3A_1911 = arith.subi %sign3A_1907, %sign3A_1910 : i32
      %sign3A_1912 = arith.constant 0 : i32
      %sign3A_1913 = arith.cmpi sgt, %jit3A_1903, %sign3A_1912 : i32
      %sign3A_1914 = arith.extui %sign3A_1913 : i1 to i32
      %sign3A_1915 = arith.constant 0 : i32
      %sign3A_1916 = arith.cmpi slt, %jit3A_1903, %sign3A_1915 : i32
      %sign3A_1917 = arith.extui %sign3A_1916 : i1 to i32
      %sign3A_1918 = arith.subi %sign3A_1914, %sign3A_1917 : i32
      %ne3A_1919 = arith.cmpi ne, %sign3A_1911, %sign3A_1918 : i32
      %rem3A_1920 = arith.remsi %sub3A_1902, %jit3A_1903 : i32
      %ne3A_1921 = arith.constant 0 : i32
      %ne3A_1922 = arith.cmpi ne, %rem3A_1920, %ne3A_1921 : i32
      %and3A_1923 = arith.andi %ne3A_1919, %ne3A_1922 : i1
      %sub3A_1924 = arith.constant 1 : i32
      %sub3A_1925 = arith.subi %div3A_1904, %sub3A_1924 : i32
      %select_n3A_1926 = arith.select %and3A_1923, %sub3A_1925, %div3A_1904 : i32
      %mul3A_1927 = arith.constant 4 : i32
      %mul3A_1928 = arith.muli %select_n3A_1926, %mul3A_1927 : i32
      %add3A_1929 = arith.addi %mul3A_20, %mul3A_1928 : i32
      %dma_start3A_1930 = arith.constant 0 : i32
      %dma_start3A_1931 = arith.constant 0 : i32
      %dma_start3A_1932 = arith.constant 0 : i32
      %dma_start3A_1933 = arith.constant 0 : i32
      %dma_start3A_1934 = tpu.memref_slice %arg8[%arg1, %scan3A_440, %dma_start3A_1931, %dma_start3A_1932, %dma_start3A_1933] : memref<16x8x4x32x128xf16, #tpu.memory_space<vmem_shared>> -> memref<1x1x4x32x128xf16, #tpu.memory_space<vmem_shared>>
      %dma_start3A_1935 = tpu.memref_squeeze %dma_start3A_1934 : memref<1x1x4x32x128xf16, #tpu.memory_space<vmem_shared>> -> memref<4x32x128xf16, #tpu.memory_space<vmem_shared>>
      %dma_start3A_1936 = arith.constant 0 : i32
      %dma_start3A_1937 = arith.constant 0 : i32
      %dma_start3A_1938 = tpu.memref_slice %arg2[%dma_start3A_1930, %select_n3A, %add3A_1929, %dma_start3A_1936, %dma_start3A_1937] : memref<1x8x2048x32x128xf16, #tpu.memory_space<hbm>> -> memref<1x1x4x32x128xf16, #tpu.memory_space<hbm>>
      %dma_start3A_1939 = tpu.memref_squeeze %dma_start3A_1938 : memref<1x1x4x32x128xf16, #tpu.memory_space<hbm>> -> memref<4x32x128xf16, #tpu.memory_space<hbm>>
      tpu.enqueue_dma source(%dma_start3A_1939 : memref<4x32x128xf16, #tpu.memory_space<hbm>>) target(%dma_start3A_1935 : memref<4x32x128xf16, #tpu.memory_space<vmem_shared>>) target_semaphore(%arg11 : memref<!tpu.dma_semaphore, #tpu.memory_space<semaphore_mem>>)
      %sub3A_1940 = arith.constant 0 : i32
      %sub3A_1941 = arith.subi %add3A_1857, %sub3A_1940 : i32
      %jit3A_1942 = arith.constant 2 : i32
      %div3A_1943 = arith.divsi %sub3A_1941, %jit3A_1942 : i32
      %sign3A_1944 = arith.constant 0 : i32
      %sign3A_1945 = arith.cmpi sgt, %sub3A_1941, %sign3A_1944 : i32
      %sign3A_1946 = arith.extui %sign3A_1945 : i1 to i32
      %sign3A_1947 = arith.constant 0 : i32
      %sign3A_1948 = arith.cmpi slt, %sub3A_1941, %sign3A_1947 : i32
      %sign3A_1949 = arith.extui %sign3A_1948 : i1 to i32
      %sign3A_1950 = arith.subi %sign3A_1946, %sign3A_1949 : i32
      %sign3A_1951 = arith.constant 0 : i32
      %sign3A_1952 = arith.cmpi sgt, %jit3A_1942, %sign3A_1951 : i32
      %sign3A_1953 = arith.extui %sign3A_1952 : i1 to i32
      %sign3A_1954 = arith.constant 0 : i32
      %sign3A_1955 = arith.cmpi slt, %jit3A_1942, %sign3A_1954 : i32
      %sign3A_1956 = arith.extui %sign3A_1955 : i1 to i32
      %sign3A_1957 = arith.subi %sign3A_1953, %sign3A_1956 : i32
      %ne3A_1958 = arith.cmpi ne, %sign3A_1950, %sign3A_1957 : i32
      %rem3A_1959 = arith.remsi %sub3A_1941, %jit3A_1942 : i32
      %ne3A_1960 = arith.constant 0 : i32
      %ne3A_1961 = arith.cmpi ne, %rem3A_1959, %ne3A_1960 : i32
      %and3A_1962 = arith.andi %ne3A_1958, %ne3A_1961 : i1
      %sub3A_1963 = arith.constant 1 : i32
      %sub3A_1964 = arith.subi %div3A_1943, %sub3A_1963 : i32
      %select_n3A_1965 = arith.select %and3A_1962, %sub3A_1964, %div3A_1943 : i32
      %mul3A_1966 = arith.constant 4 : i32
      %mul3A_1967 = arith.muli %select_n3A_1965, %mul3A_1966 : i32
      %add3A_1968 = arith.addi %mul3A_20, %mul3A_1967 : i32
      %dma_wait3A_1969 = arith.constant 0 : i32
      %dma_wait3A_1970 = arith.constant 0 : i32
      %dma_wait3A_1971 = arith.constant 0 : i32
      %dma_wait3A_1972 = arith.constant 0 : i32
      %dma_wait3A_1973 = tpu.memref_slice %arg8[%arg1, %scan3A_439, %dma_wait3A_1970, %dma_wait3A_1971, %dma_wait3A_1972] : memref<16x8x4x32x128xf16, #tpu.memory_space<vmem_shared>> -> memref<1x1x4x32x128xf16, #tpu.memory_space<vmem_shared>>
      %dma_wait3A_1974 = tpu.memref_squeeze %dma_wait3A_1973 : memref<1x1x4x32x128xf16, #tpu.memory_space<vmem_shared>> -> memref<4x32x128xf16, #tpu.memory_space<vmem_shared>>
      %dma_wait3A_1975 = arith.constant 0 : i32
      %dma_wait3A_1976 = arith.constant 0 : i32
      %dma_wait3A_1977 = tpu.memref_slice %arg2[%dma_wait3A_1969, %select_n3A, %add3A_1968, %dma_wait3A_1975, %dma_wait3A_1976] : memref<1x8x2048x32x128xf16, #tpu.memory_space<hbm>> -> memref<1x1x4x32x128xf16, #tpu.memory_space<hbm>>
      %dma_wait3A_1978 = tpu.memref_squeeze %dma_wait3A_1977 : memref<1x1x4x32x128xf16, #tpu.memory_space<hbm>> -> memref<4x32x128xf16, #tpu.memory_space<hbm>>
      tpu.wait_dma2 semaphore(%arg15 : memref<!tpu.dma_semaphore, #tpu.memory_space<semaphore_mem>>) src(%dma_wait3A_1978 : memref<4x32x128xf16, #tpu.memory_space<hbm>>) dst(%dma_wait3A_1974 : memref<4x32x128xf16, #tpu.memory_space<vmem_shared>>)
      %sub3A_1979 = arith.constant 0 : i32
      %sub3A_1980 = arith.subi %add3A_1857, %sub3A_1979 : i32
      %jit3A_1981 = arith.constant 2 : i32
      %div3A_1982 = arith.divsi %sub3A_1980, %jit3A_1981 : i32
      %sign3A_1983 = arith.constant 0 : i32
      %sign3A_1984 = arith.cmpi sgt, %sub3A_1980, %sign3A_1983 : i32
      %sign3A_1985 = arith.extui %sign3A_1984 : i1 to i32
      %sign3A_1986 = arith.constant 0 : i32
      %sign3A_1987 = arith.cmpi slt, %sub3A_1980, %sign3A_1986 : i32
      %sign3A_1988 = arith.extui %sign3A_1987 : i1 to i32
      %sign3A_1989 = arith.subi %sign3A_1985, %sign3A_1988 : i32
      %sign3A_1990 = arith.constant 0 : i32
      %sign3A_1991 = arith.cmpi sgt, %jit3A_1981, %sign3A_1990 : i32
      %sign3A_1992 = arith.extui %sign3A_1991 : i1 to i32
      %sign3A_1993 = arith.constant 0 : i32
      %sign3A_1994 = arith.cmpi slt, %jit3A_1981, %sign3A_1993 : i32
      %sign3A_1995 = arith.extui %sign3A_1994 : i1 to i32
      %sign3A_1996 = arith.subi %sign3A_1992, %sign3A_1995 : i32
      %ne3A_1997 = arith.cmpi ne, %sign3A_1989, %sign3A_1996 : i32
      %rem3A_1998 = arith.remsi %sub3A_1980, %jit3A_1981 : i32
      %ne3A_1999 = arith.constant 0 : i32
      %ne3A_2000 = arith.cmpi ne, %rem3A_1998, %ne3A_1999 : i32
      %and3A_2001 = arith.andi %ne3A_1997, %ne3A_2000 : i1
      %sub3A_2002 = arith.constant 1 : i32
      %sub3A_2003 = arith.subi %div3A_1982, %sub3A_2002 : i32
      %select_n3A_2004 = arith.select %and3A_2001, %sub3A_2003, %div3A_1982 : i32
      %mul3A_2005 = arith.constant 4 : i32
      %mul3A_2006 = arith.muli %select_n3A_2004, %mul3A_2005 : i32
      %add3A_2007 = arith.addi %mul3A_20, %mul3A_2006 : i32
      %dma_start3A_2008 = arith.constant 0 : i32
      %dma_start3A_2009 = arith.constant 0 : i32
      %dma_start3A_2010 = arith.constant 0 : i32
      %dma_start3A_2011 = tpu.memref_slice %arg6[%dma_start3A_2008, %select_n3A, %add3A_2007, %dma_start3A_2009, %dma_start3A_2010] : memref<1x8x2064x32x128xf16, #tpu.memory_space<hbm>> -> memref<1x1x4x32x128xf16, #tpu.memory_space<hbm>>
      %dma_start3A_2012 = tpu.memref_squeeze %dma_start3A_2011 : memref<1x1x4x32x128xf16, #tpu.memory_space<hbm>> -> memref<4x32x128xf16, #tpu.memory_space<hbm>>
      %dma_start3A_2013 = arith.constant 0 : i32
      %dma_start3A_2014 = arith.constant 0 : i32
      %dma_start3A_2015 = arith.constant 0 : i32
      %dma_start3A_2016 = tpu.memref_slice %arg8[%arg1, %scan3A_439, %dma_start3A_2013, %dma_start3A_2014, %dma_start3A_2015] : memref<16x8x4x32x128xf16, #tpu.memory_space<vmem_shared>> -> memref<1x1x4x32x128xf16, #tpu.memory_space<vmem_shared>>
      %dma_start3A_2017 = tpu.memref_squeeze %dma_start3A_2016 : memref<1x1x4x32x128xf16, #tpu.memory_space<vmem_shared>> -> memref<4x32x128xf16, #tpu.memory_space<vmem_shared>>
      tpu.enqueue_dma source(%dma_start3A_2017 : memref<4x32x128xf16, #tpu.memory_space<vmem_shared>>) target(%dma_start3A_2012 : memref<4x32x128xf16, #tpu.memory_space<hbm>>) target_semaphore(%arg23 : memref<!tpu.dma_semaphore, #tpu.memory_space<semaphore_mem>>)
      %add3A_2018 = arith.constant 7 : i32
      %add3A_2019 = arith.addi %add3A_883, %add3A_2018 : i32
      %sub3A_2020 = arith.constant 4 : i32
      %sub3A_2021 = arith.subi %add3A_2019, %sub3A_2020 : i32
      %sub3A_2022 = arith.constant 1 : i32
      %sub3A_2023 = arith.subi %sub3A_2021, %sub3A_2022 : i32
      %jit3A_2024 = arith.constant 2 : i32
      %div3A_2025 = arith.divsi %sub3A_2023, %jit3A_2024 : i32
      %sign3A_2026 = arith.constant 0 : i32
      %sign3A_2027 = arith.cmpi sgt, %sub3A_2023, %sign3A_2026 : i32
      %sign3A_2028 = arith.extui %sign3A_2027 : i1 to i32
      %sign3A_2029 = arith.constant 0 : i32
      %sign3A_2030 = arith.cmpi slt, %sub3A_2023, %sign3A_2029 : i32
      %sign3A_2031 = arith.extui %sign3A_2030 : i1 to i32
      %sign3A_2032 = arith.subi %sign3A_2028, %sign3A_2031 : i32
      %sign3A_2033 = arith.constant 0 : i32
      %sign3A_2034 = arith.cmpi sgt, %jit3A_2024, %sign3A_2033 : i32
      %sign3A_2035 = arith.extui %sign3A_2034 : i1 to i32
      %sign3A_2036 = arith.constant 0 : i32
      %sign3A_2037 = arith.cmpi slt, %jit3A_2024, %sign3A_2036 : i32
      %sign3A_2038 = arith.extui %sign3A_2037 : i1 to i32
      %sign3A_2039 = arith.subi %sign3A_2035, %sign3A_2038 : i32
      %ne3A_2040 = arith.cmpi ne, %sign3A_2032, %sign3A_2039 : i32
      %rem3A_2041 = arith.remsi %sub3A_2023, %jit3A_2024 : i32
      %ne3A_2042 = arith.constant 0 : i32
      %ne3A_2043 = arith.cmpi ne, %rem3A_2041, %ne3A_2042 : i32
      %and3A_2044 = arith.andi %ne3A_2040, %ne3A_2043 : i1
      %sub3A_2045 = arith.constant 1 : i32
      %sub3A_2046 = arith.subi %div3A_2025, %sub3A_2045 : i32
      %select_n3A_2047 = arith.select %and3A_2044, %sub3A_2046, %div3A_2025 : i32
      %mul3A_2048 = arith.constant 4 : i32
      %mul3A_2049 = arith.muli %select_n3A_2047, %mul3A_2048 : i32
      %add3A_2050 = arith.addi %mul3A_20, %mul3A_2049 : i32
      %dma_wait3A_2051 = arith.constant 0 : i32
      %dma_wait3A_2052 = arith.constant 0 : i32
      %dma_wait3A_2053 = arith.constant 0 : i32
      %dma_wait3A_2054 = tpu.memref_slice %arg7[%dma_wait3A_2051, %select_n3A, %add3A_2050, %dma_wait3A_2052, %dma_wait3A_2053] : memref<1x8x2064x32x128xf16, #tpu.memory_space<hbm>> -> memref<1x1x4x32x128xf16, #tpu.memory_space<hbm>>
      %dma_wait3A_2055 = tpu.memref_squeeze %dma_wait3A_2054 : memref<1x1x4x32x128xf16, #tpu.memory_space<hbm>> -> memref<4x32x128xf16, #tpu.memory_space<hbm>>
      %dma_wait3A_2056 = arith.constant 0 : i32
      %dma_wait3A_2057 = arith.constant 0 : i32
      %dma_wait3A_2058 = arith.constant 0 : i32
      %dma_wait3A_2059 = tpu.memref_slice %arg8[%arg1, %scan3A_442, %dma_wait3A_2056, %dma_wait3A_2057, %dma_wait3A_2058] : memref<16x8x4x32x128xf16, #tpu.memory_space<vmem_shared>> -> memref<1x1x4x32x128xf16, #tpu.memory_space<vmem_shared>>
      %dma_wait3A_2060 = tpu.memref_squeeze %dma_wait3A_2059 : memref<1x1x4x32x128xf16, #tpu.memory_space<vmem_shared>> -> memref<4x32x128xf16, #tpu.memory_space<vmem_shared>>
      tpu.wait_dma2 semaphore(%arg20 : memref<!tpu.dma_semaphore, #tpu.memory_space<semaphore_mem>>) src(%dma_wait3A_2060 : memref<4x32x128xf16, #tpu.memory_space<vmem_shared>>) dst(%dma_wait3A_2055 : memref<4x32x128xf16, #tpu.memory_space<hbm>>)
      %add3A_2061 = arith.constant 4 : i32
      %add3A_2062 = arith.addi %add3A_2019, %add3A_2061 : i32
      %sub3A_2063 = arith.constant 1 : i32
      %sub3A_2064 = arith.subi %add3A_2062, %sub3A_2063 : i32
      %jit3A_2065 = arith.constant 2 : i32
      %div3A_2066 = arith.divsi %sub3A_2064, %jit3A_2065 : i32
      %sign3A_2067 = arith.constant 0 : i32
      %sign3A_2068 = arith.cmpi sgt, %sub3A_2064, %sign3A_2067 : i32
      %sign3A_2069 = arith.extui %sign3A_2068 : i1 to i32
      %sign3A_2070 = arith.constant 0 : i32
      %sign3A_2071 = arith.cmpi slt, %sub3A_2064, %sign3A_2070 : i32
      %sign3A_2072 = arith.extui %sign3A_2071 : i1 to i32
      %sign3A_2073 = arith.subi %sign3A_2069, %sign3A_2072 : i32
      %sign3A_2074 = arith.constant 0 : i32
      %sign3A_2075 = arith.cmpi sgt, %jit3A_2065, %sign3A_2074 : i32
      %sign3A_2076 = arith.extui %sign3A_2075 : i1 to i32
      %sign3A_2077 = arith.constant 0 : i32
      %sign3A_2078 = arith.cmpi slt, %jit3A_2065, %sign3A_2077 : i32
      %sign3A_2079 = arith.extui %sign3A_2078 : i1 to i32
      %sign3A_2080 = arith.subi %sign3A_2076, %sign3A_2079 : i32
      %ne3A_2081 = arith.cmpi ne, %sign3A_2073, %sign3A_2080 : i32
      %rem3A_2082 = arith.remsi %sub3A_2064, %jit3A_2065 : i32
      %ne3A_2083 = arith.constant 0 : i32
      %ne3A_2084 = arith.cmpi ne, %rem3A_2082, %ne3A_2083 : i32
      %and3A_2085 = arith.andi %ne3A_2081, %ne3A_2084 : i1
      %sub3A_2086 = arith.constant 1 : i32
      %sub3A_2087 = arith.subi %div3A_2066, %sub3A_2086 : i32
      %select_n3A_2088 = arith.select %and3A_2085, %sub3A_2087, %div3A_2066 : i32
      %mul3A_2089 = arith.constant 4 : i32
      %mul3A_2090 = arith.muli %select_n3A_2088, %mul3A_2089 : i32
      %add3A_2091 = arith.addi %mul3A_20, %mul3A_2090 : i32
      %dma_start3A_2092 = arith.constant 0 : i32
      %dma_start3A_2093 = arith.constant 0 : i32
      %dma_start3A_2094 = arith.constant 0 : i32
      %dma_start3A_2095 = arith.constant 0 : i32
      %dma_start3A_2096 = tpu.memref_slice %arg8[%arg1, %scan3A_442, %dma_start3A_2093, %dma_start3A_2094, %dma_start3A_2095] : memref<16x8x4x32x128xf16, #tpu.memory_space<vmem_shared>> -> memref<1x1x4x32x128xf16, #tpu.memory_space<vmem_shared>>
      %dma_start3A_2097 = tpu.memref_squeeze %dma_start3A_2096 : memref<1x1x4x32x128xf16, #tpu.memory_space<vmem_shared>> -> memref<4x32x128xf16, #tpu.memory_space<vmem_shared>>
      %dma_start3A_2098 = arith.constant 0 : i32
      %dma_start3A_2099 = arith.constant 0 : i32
      %dma_start3A_2100 = tpu.memref_slice %arg3[%dma_start3A_2092, %select_n3A, %add3A_2091, %dma_start3A_2098, %dma_start3A_2099] : memref<1x8x2048x32x128xf16, #tpu.memory_space<hbm>> -> memref<1x1x4x32x128xf16, #tpu.memory_space<hbm>>
      %dma_start3A_2101 = tpu.memref_squeeze %dma_start3A_2100 : memref<1x1x4x32x128xf16, #tpu.memory_space<hbm>> -> memref<4x32x128xf16, #tpu.memory_space<hbm>>
      tpu.enqueue_dma source(%dma_start3A_2101 : memref<4x32x128xf16, #tpu.memory_space<hbm>>) target(%dma_start3A_2097 : memref<4x32x128xf16, #tpu.memory_space<vmem_shared>>) target_semaphore(%arg12 : memref<!tpu.dma_semaphore, #tpu.memory_space<semaphore_mem>>)
      %sub3A_2102 = arith.constant 1 : i32
      %sub3A_2103 = arith.subi %add3A_2019, %sub3A_2102 : i32
      %jit3A_2104 = arith.constant 2 : i32
      %div3A_2105 = arith.divsi %sub3A_2103, %jit3A_2104 : i32
      %sign3A_2106 = arith.constant 0 : i32
      %sign3A_2107 = arith.cmpi sgt, %sub3A_2103, %sign3A_2106 : i32
      %sign3A_2108 = arith.extui %sign3A_2107 : i1 to i32
      %sign3A_2109 = arith.constant 0 : i32
      %sign3A_2110 = arith.cmpi slt, %sub3A_2103, %sign3A_2109 : i32
      %sign3A_2111 = arith.extui %sign3A_2110 : i1 to i32
      %sign3A_2112 = arith.subi %sign3A_2108, %sign3A_2111 : i32
      %sign3A_2113 = arith.constant 0 : i32
      %sign3A_2114 = arith.cmpi sgt, %jit3A_2104, %sign3A_2113 : i32
      %sign3A_2115 = arith.extui %sign3A_2114 : i1 to i32
      %sign3A_2116 = arith.constant 0 : i32
      %sign3A_2117 = arith.cmpi slt, %jit3A_2104, %sign3A_2116 : i32
      %sign3A_2118 = arith.extui %sign3A_2117 : i1 to i32
      %sign3A_2119 = arith.subi %sign3A_2115, %sign3A_2118 : i32
      %ne3A_2120 = arith.cmpi ne, %sign3A_2112, %sign3A_2119 : i32
      %rem3A_2121 = arith.remsi %sub3A_2103, %jit3A_2104 : i32
      %ne3A_2122 = arith.constant 0 : i32
      %ne3A_2123 = arith.cmpi ne, %rem3A_2121, %ne3A_2122 : i32
      %and3A_2124 = arith.andi %ne3A_2120, %ne3A_2123 : i1
      %sub3A_2125 = arith.constant 1 : i32
      %sub3A_2126 = arith.subi %div3A_2105, %sub3A_2125 : i32
      %select_n3A_2127 = arith.select %and3A_2124, %sub3A_2126, %div3A_2105 : i32
      %mul3A_2128 = arith.constant 4 : i32
      %mul3A_2129 = arith.muli %select_n3A_2127, %mul3A_2128 : i32
      %add3A_2130 = arith.addi %mul3A_20, %mul3A_2129 : i32
      %dma_wait3A_2131 = arith.constant 0 : i32
      %dma_wait3A_2132 = arith.constant 0 : i32
      %dma_wait3A_2133 = arith.constant 0 : i32
      %dma_wait3A_2134 = arith.constant 0 : i32
      %dma_wait3A_2135 = tpu.memref_slice %arg8[%arg1, %scan3A_441, %dma_wait3A_2132, %dma_wait3A_2133, %dma_wait3A_2134] : memref<16x8x4x32x128xf16, #tpu.memory_space<vmem_shared>> -> memref<1x1x4x32x128xf16, #tpu.memory_space<vmem_shared>>
      %dma_wait3A_2136 = tpu.memref_squeeze %dma_wait3A_2135 : memref<1x1x4x32x128xf16, #tpu.memory_space<vmem_shared>> -> memref<4x32x128xf16, #tpu.memory_space<vmem_shared>>
      %dma_wait3A_2137 = arith.constant 0 : i32
      %dma_wait3A_2138 = arith.constant 0 : i32
      %dma_wait3A_2139 = tpu.memref_slice %arg3[%dma_wait3A_2131, %select_n3A, %add3A_2130, %dma_wait3A_2137, %dma_wait3A_2138] : memref<1x8x2048x32x128xf16, #tpu.memory_space<hbm>> -> memref<1x1x4x32x128xf16, #tpu.memory_space<hbm>>
      %dma_wait3A_2140 = tpu.memref_squeeze %dma_wait3A_2139 : memref<1x1x4x32x128xf16, #tpu.memory_space<hbm>> -> memref<4x32x128xf16, #tpu.memory_space<hbm>>
      tpu.wait_dma2 semaphore(%arg16 : memref<!tpu.dma_semaphore, #tpu.memory_space<semaphore_mem>>) src(%dma_wait3A_2140 : memref<4x32x128xf16, #tpu.memory_space<hbm>>) dst(%dma_wait3A_2136 : memref<4x32x128xf16, #tpu.memory_space<vmem_shared>>)
      %sub3A_2141 = arith.constant 1 : i32
      %sub3A_2142 = arith.subi %add3A_2019, %sub3A_2141 : i32
      %jit3A_2143 = arith.constant 2 : i32
      %div3A_2144 = arith.divsi %sub3A_2142, %jit3A_2143 : i32
      %sign3A_2145 = arith.constant 0 : i32
      %sign3A_2146 = arith.cmpi sgt, %sub3A_2142, %sign3A_2145 : i32
      %sign3A_2147 = arith.extui %sign3A_2146 : i1 to i32
      %sign3A_2148 = arith.constant 0 : i32
      %sign3A_2149 = arith.cmpi slt, %sub3A_2142, %sign3A_2148 : i32
      %sign3A_2150 = arith.extui %sign3A_2149 : i1 to i32
      %sign3A_2151 = arith.subi %sign3A_2147, %sign3A_2150 : i32
      %sign3A_2152 = arith.constant 0 : i32
      %sign3A_2153 = arith.cmpi sgt, %jit3A_2143, %sign3A_2152 : i32
      %sign3A_2154 = arith.extui %sign3A_2153 : i1 to i32
      %sign3A_2155 = arith.constant 0 : i32
      %sign3A_2156 = arith.cmpi slt, %jit3A_2143, %sign3A_2155 : i32
      %sign3A_2157 = arith.extui %sign3A_2156 : i1 to i32
      %sign3A_2158 = arith.subi %sign3A_2154, %sign3A_2157 : i32
      %ne3A_2159 = arith.cmpi ne, %sign3A_2151, %sign3A_2158 : i32
      %rem3A_2160 = arith.remsi %sub3A_2142, %jit3A_2143 : i32
      %ne3A_2161 = arith.constant 0 : i32
      %ne3A_2162 = arith.cmpi ne, %rem3A_2160, %ne3A_2161 : i32
      %and3A_2163 = arith.andi %ne3A_2159, %ne3A_2162 : i1
      %sub3A_2164 = arith.constant 1 : i32
      %sub3A_2165 = arith.subi %div3A_2144, %sub3A_2164 : i32
      %select_n3A_2166 = arith.select %and3A_2163, %sub3A_2165, %div3A_2144 : i32
      %mul3A_2167 = arith.constant 4 : i32
      %mul3A_2168 = arith.muli %select_n3A_2166, %mul3A_2167 : i32
      %add3A_2169 = arith.addi %mul3A_20, %mul3A_2168 : i32
      %dma_start3A_2170 = arith.constant 0 : i32
      %dma_start3A_2171 = arith.constant 0 : i32
      %dma_start3A_2172 = arith.constant 0 : i32
      %dma_start3A_2173 = tpu.memref_slice %arg7[%dma_start3A_2170, %select_n3A, %add3A_2169, %dma_start3A_2171, %dma_start3A_2172] : memref<1x8x2064x32x128xf16, #tpu.memory_space<hbm>> -> memref<1x1x4x32x128xf16, #tpu.memory_space<hbm>>
      %dma_start3A_2174 = tpu.memref_squeeze %dma_start3A_2173 : memref<1x1x4x32x128xf16, #tpu.memory_space<hbm>> -> memref<4x32x128xf16, #tpu.memory_space<hbm>>
      %dma_start3A_2175 = arith.constant 0 : i32
      %dma_start3A_2176 = arith.constant 0 : i32
      %dma_start3A_2177 = arith.constant 0 : i32
      %dma_start3A_2178 = tpu.memref_slice %arg8[%arg1, %scan3A_441, %dma_start3A_2175, %dma_start3A_2176, %dma_start3A_2177] : memref<16x8x4x32x128xf16, #tpu.memory_space<vmem_shared>> -> memref<1x1x4x32x128xf16, #tpu.memory_space<vmem_shared>>
      %dma_start3A_2179 = tpu.memref_squeeze %dma_start3A_2178 : memref<1x1x4x32x128xf16, #tpu.memory_space<vmem_shared>> -> memref<4x32x128xf16, #tpu.memory_space<vmem_shared>>
      tpu.enqueue_dma source(%dma_start3A_2179 : memref<4x32x128xf16, #tpu.memory_space<vmem_shared>>) target(%dma_start3A_2174 : memref<4x32x128xf16, #tpu.memory_space<hbm>>) target_semaphore(%arg24 : memref<!tpu.dma_semaphore, #tpu.memory_space<semaphore_mem>>)
    }
    %scan3A_447 = arith.constant 30 : i32
    %add3A_448 = arith.constant 488 : i32
    %add3A_449 = arith.addi %mul3A_20, %add3A_448 : i32
    %dma_wait3A_450 = arith.constant 4 : i32
    %dma_wait3A_451 = arith.constant 0 : i32
    %dma_wait3A_452 = arith.constant 0 : i32
    %dma_wait3A_453 = arith.constant 0 : i32
    %dma_wait3A_454 = tpu.memref_slice %arg6[%dma_wait3A_451, %select_n3A, %add3A_449, %dma_wait3A_452, %dma_wait3A_453] : memref<1x8x2064x32x128xf16, #tpu.memory_space<hbm>> -> memref<1x1x4x32x128xf16, #tpu.memory_space<hbm>>
    %dma_wait3A_455 = tpu.memref_squeeze %dma_wait3A_454 : memref<1x1x4x32x128xf16, #tpu.memory_space<hbm>> -> memref<4x32x128xf16, #tpu.memory_space<hbm>>
    %dma_wait3A_456 = arith.constant 0 : i32
    %dma_wait3A_457 = arith.constant 0 : i32
    %dma_wait3A_458 = arith.constant 0 : i32
    %dma_wait3A_459 = tpu.memref_slice %arg8[%arg1, %dma_wait3A_450, %dma_wait3A_456, %dma_wait3A_457, %dma_wait3A_458] : memref<16x8x4x32x128xf16, #tpu.memory_space<vmem_shared>> -> memref<1x1x4x32x128xf16, #tpu.memory_space<vmem_shared>>
    %dma_wait3A_460 = tpu.memref_squeeze %dma_wait3A_459 : memref<1x1x4x32x128xf16, #tpu.memory_space<vmem_shared>> -> memref<4x32x128xf16, #tpu.memory_space<vmem_shared>>
    tpu.wait_dma2 semaphore(%arg21 : memref<!tpu.dma_semaphore, #tpu.memory_space<semaphore_mem>>) src(%dma_wait3A_460 : memref<4x32x128xf16, #tpu.memory_space<vmem_shared>>) dst(%dma_wait3A_455 : memref<4x32x128xf16, #tpu.memory_space<hbm>>)
    %add3A_461 = arith.constant 504 : i32
    %add3A_462 = arith.addi %mul3A_20, %add3A_461 : i32
    %dma_start3A_463 = arith.constant 0 : i32
    %dma_start3A_464 = arith.constant 4 : i32
    %dma_start3A_465 = arith.constant 0 : i32
    %dma_start3A_466 = arith.constant 0 : i32
    %dma_start3A_467 = arith.constant 0 : i32
    %dma_start3A_468 = tpu.memref_slice %arg8[%arg1, %dma_start3A_464, %dma_start3A_465, %dma_start3A_466, %dma_start3A_467] : memref<16x8x4x32x128xf16, #tpu.memory_space<vmem_shared>> -> memref<1x1x4x32x128xf16, #tpu.memory_space<vmem_shared>>
    %dma_start3A_469 = tpu.memref_squeeze %dma_start3A_468 : memref<1x1x4x32x128xf16, #tpu.memory_space<vmem_shared>> -> memref<4x32x128xf16, #tpu.memory_space<vmem_shared>>
    %dma_start3A_470 = arith.constant 0 : i32
    %dma_start3A_471 = arith.constant 0 : i32
    %dma_start3A_472 = tpu.memref_slice %arg2[%dma_start3A_463, %select_n3A, %add3A_462, %dma_start3A_470, %dma_start3A_471] : memref<1x8x2048x32x128xf16, #tpu.memory_space<hbm>> -> memref<1x1x4x32x128xf16, #tpu.memory_space<hbm>>
    %dma_start3A_473 = tpu.memref_squeeze %dma_start3A_472 : memref<1x1x4x32x128xf16, #tpu.memory_space<hbm>> -> memref<4x32x128xf16, #tpu.memory_space<hbm>>
    tpu.enqueue_dma source(%dma_start3A_473 : memref<4x32x128xf16, #tpu.memory_space<hbm>>) target(%dma_start3A_469 : memref<4x32x128xf16, #tpu.memory_space<vmem_shared>>) target_semaphore(%arg13 : memref<!tpu.dma_semaphore, #tpu.memory_space<semaphore_mem>>)
    %add3A_474 = arith.constant 496 : i32
    %add3A_475 = arith.addi %mul3A_20, %add3A_474 : i32
    %dma_wait3A_476 = arith.constant 0 : i32
    %dma_wait3A_477 = arith.constant 0 : i32
    %dma_wait3A_478 = arith.constant 0 : i32
    %dma_wait3A_479 = arith.constant 0 : i32
    %dma_wait3A_480 = arith.constant 0 : i32
    %dma_wait3A_481 = tpu.memref_slice %arg8[%arg1, %dma_wait3A_477, %dma_wait3A_478, %dma_wait3A_479, %dma_wait3A_480] : memref<16x8x4x32x128xf16, #tpu.memory_space<vmem_shared>> -> memref<1x1x4x32x128xf16, #tpu.memory_space<vmem_shared>>
    %dma_wait3A_482 = tpu.memref_squeeze %dma_wait3A_481 : memref<1x1x4x32x128xf16, #tpu.memory_space<vmem_shared>> -> memref<4x32x128xf16, #tpu.memory_space<vmem_shared>>
    %dma_wait3A_483 = arith.constant 0 : i32
    %dma_wait3A_484 = arith.constant 0 : i32
    %dma_wait3A_485 = tpu.memref_slice %arg2[%dma_wait3A_476, %select_n3A, %add3A_475, %dma_wait3A_483, %dma_wait3A_484] : memref<1x8x2048x32x128xf16, #tpu.memory_space<hbm>> -> memref<1x1x4x32x128xf16, #tpu.memory_space<hbm>>
    %dma_wait3A_486 = tpu.memref_squeeze %dma_wait3A_485 : memref<1x1x4x32x128xf16, #tpu.memory_space<hbm>> -> memref<4x32x128xf16, #tpu.memory_space<hbm>>
    tpu.wait_dma2 semaphore(%arg9 : memref<!tpu.dma_semaphore, #tpu.memory_space<semaphore_mem>>) src(%dma_wait3A_486 : memref<4x32x128xf16, #tpu.memory_space<hbm>>) dst(%dma_wait3A_482 : memref<4x32x128xf16, #tpu.memory_space<vmem_shared>>)
    %add3A_487 = arith.constant 496 : i32
    %add3A_488 = arith.addi %mul3A_20, %add3A_487 : i32
    %dma_start3A_489 = arith.constant 0 : i32
    %dma_start3A_490 = arith.constant 0 : i32
    %dma_start3A_491 = arith.constant 0 : i32
    %dma_start3A_492 = arith.constant 0 : i32
    %dma_start3A_493 = tpu.memref_slice %arg6[%dma_start3A_490, %select_n3A, %add3A_488, %dma_start3A_491, %dma_start3A_492] : memref<1x8x2064x32x128xf16, #tpu.memory_space<hbm>> -> memref<1x1x4x32x128xf16, #tpu.memory_space<hbm>>
    %dma_start3A_494 = tpu.memref_squeeze %dma_start3A_493 : memref<1x1x4x32x128xf16, #tpu.memory_space<hbm>> -> memref<4x32x128xf16, #tpu.memory_space<hbm>>
    %dma_start3A_495 = arith.constant 0 : i32
    %dma_start3A_496 = arith.constant 0 : i32
    %dma_start3A_497 = arith.constant 0 : i32
    %dma_start3A_498 = tpu.memref_slice %arg8[%arg1, %dma_start3A_489, %dma_start3A_495, %dma_start3A_496, %dma_start3A_497] : memref<16x8x4x32x128xf16, #tpu.memory_space<vmem_shared>> -> memref<1x1x4x32x128xf16, #tpu.memory_space<vmem_shared>>
    %dma_start3A_499 = tpu.memref_squeeze %dma_start3A_498 : memref<1x1x4x32x128xf16, #tpu.memory_space<vmem_shared>> -> memref<4x32x128xf16, #tpu.memory_space<vmem_shared>>
    tpu.enqueue_dma source(%dma_start3A_499 : memref<4x32x128xf16, #tpu.memory_space<vmem_shared>>) target(%dma_start3A_494 : memref<4x32x128xf16, #tpu.memory_space<hbm>>) target_semaphore(%arg17 : memref<!tpu.dma_semaphore, #tpu.memory_space<semaphore_mem>>)
    %add3A_500 = arith.constant 488 : i32
    %add3A_501 = arith.addi %mul3A_20, %add3A_500 : i32
    %dma_wait3A_502 = arith.constant 5 : i32
    %dma_wait3A_503 = arith.constant 0 : i32
    %dma_wait3A_504 = arith.constant 0 : i32
    %dma_wait3A_505 = arith.constant 0 : i32
    %dma_wait3A_506 = tpu.memref_slice %arg7[%dma_wait3A_503, %select_n3A, %add3A_501, %dma_wait3A_504, %dma_wait3A_505] : memref<1x8x2064x32x128xf16, #tpu.memory_space<hbm>> -> memref<1x1x4x32x128xf16, #tpu.memory_space<hbm>>
    %dma_wait3A_507 = tpu.memref_squeeze %dma_wait3A_506 : memref<1x1x4x32x128xf16, #tpu.memory_space<hbm>> -> memref<4x32x128xf16, #tpu.memory_space<hbm>>
    %dma_wait3A_508 = arith.constant 0 : i32
    %dma_wait3A_509 = arith.constant 0 : i32
    %dma_wait3A_510 = arith.constant 0 : i32
    %dma_wait3A_511 = tpu.memref_slice %arg8[%arg1, %dma_wait3A_502, %dma_wait3A_508, %dma_wait3A_509, %dma_wait3A_510] : memref<16x8x4x32x128xf16, #tpu.memory_space<vmem_shared>> -> memref<1x1x4x32x128xf16, #tpu.memory_space<vmem_shared>>
    %dma_wait3A_512 = tpu.memref_squeeze %dma_wait3A_511 : memref<1x1x4x32x128xf16, #tpu.memory_space<vmem_shared>> -> memref<4x32x128xf16, #tpu.memory_space<vmem_shared>>
    tpu.wait_dma2 semaphore(%arg22 : memref<!tpu.dma_semaphore, #tpu.memory_space<semaphore_mem>>) src(%dma_wait3A_512 : memref<4x32x128xf16, #tpu.memory_space<vmem_shared>>) dst(%dma_wait3A_507 : memref<4x32x128xf16, #tpu.memory_space<hbm>>)
    %add3A_513 = arith.constant 504 : i32
    %add3A_514 = arith.addi %mul3A_20, %add3A_513 : i32
    %dma_start3A_515 = arith.constant 0 : i32
    %dma_start3A_516 = arith.constant 5 : i32
    %dma_start3A_517 = arith.constant 0 : i32
    %dma_start3A_518 = arith.constant 0 : i32
    %dma_start3A_519 = arith.constant 0 : i32
    %dma_start3A_520 = tpu.memref_slice %arg8[%arg1, %dma_start3A_516, %dma_start3A_517, %dma_start3A_518, %dma_start3A_519] : memref<16x8x4x32x128xf16, #tpu.memory_space<vmem_shared>> -> memref<1x1x4x32x128xf16, #tpu.memory_space<vmem_shared>>
    %dma_start3A_521 = tpu.memref_squeeze %dma_start3A_520 : memref<1x1x4x32x128xf16, #tpu.memory_space<vmem_shared>> -> memref<4x32x128xf16, #tpu.memory_space<vmem_shared>>
    %dma_start3A_522 = arith.constant 0 : i32
    %dma_start3A_523 = arith.constant 0 : i32
    %dma_start3A_524 = tpu.memref_slice %arg3[%dma_start3A_515, %select_n3A, %add3A_514, %dma_start3A_522, %dma_start3A_523] : memref<1x8x2048x32x128xf16, #tpu.memory_space<hbm>> -> memref<1x1x4x32x128xf16, #tpu.memory_space<hbm>>
    %dma_start3A_525 = tpu.memref_squeeze %dma_start3A_524 : memref<1x1x4x32x128xf16, #tpu.memory_space<hbm>> -> memref<4x32x128xf16, #tpu.memory_space<hbm>>
    tpu.enqueue_dma source(%dma_start3A_525 : memref<4x32x128xf16, #tpu.memory_space<hbm>>) target(%dma_start3A_521 : memref<4x32x128xf16, #tpu.memory_space<vmem_shared>>) target_semaphore(%arg14 : memref<!tpu.dma_semaphore, #tpu.memory_space<semaphore_mem>>)
    %add3A_526 = arith.constant 496 : i32
    %add3A_527 = arith.addi %mul3A_20, %add3A_526 : i32
    %dma_wait3A_528 = arith.constant 0 : i32
    %dma_wait3A_529 = arith.constant 1 : i32
    %dma_wait3A_530 = arith.constant 0 : i32
    %dma_wait3A_531 = arith.constant 0 : i32
    %dma_wait3A_532 = arith.constant 0 : i32
    %dma_wait3A_533 = tpu.memref_slice %arg8[%arg1, %dma_wait3A_529, %dma_wait3A_530, %dma_wait3A_531, %dma_wait3A_532] : memref<16x8x4x32x128xf16, #tpu.memory_space<vmem_shared>> -> memref<1x1x4x32x128xf16, #tpu.memory_space<vmem_shared>>
    %dma_wait3A_534 = tpu.memref_squeeze %dma_wait3A_533 : memref<1x1x4x32x128xf16, #tpu.memory_space<vmem_shared>> -> memref<4x32x128xf16, #tpu.memory_space<vmem_shared>>
    %dma_wait3A_535 = arith.constant 0 : i32
    %dma_wait3A_536 = arith.constant 0 : i32
    %dma_wait3A_537 = tpu.memref_slice %arg3[%dma_wait3A_528, %select_n3A, %add3A_527, %dma_wait3A_535, %dma_wait3A_536] : memref<1x8x2048x32x128xf16, #tpu.memory_space<hbm>> -> memref<1x1x4x32x128xf16, #tpu.memory_space<hbm>>
    %dma_wait3A_538 = tpu.memref_squeeze %dma_wait3A_537 : memref<1x1x4x32x128xf16, #tpu.memory_space<hbm>> -> memref<4x32x128xf16, #tpu.memory_space<hbm>>
    tpu.wait_dma2 semaphore(%arg10 : memref<!tpu.dma_semaphore, #tpu.memory_space<semaphore_mem>>) src(%dma_wait3A_538 : memref<4x32x128xf16, #tpu.memory_space<hbm>>) dst(%dma_wait3A_534 : memref<4x32x128xf16, #tpu.memory_space<vmem_shared>>)
    %add3A_539 = arith.constant 496 : i32
    %add3A_540 = arith.addi %mul3A_20, %add3A_539 : i32
    %dma_start3A_541 = arith.constant 1 : i32
    %dma_start3A_542 = arith.constant 0 : i32
    %dma_start3A_543 = arith.constant 0 : i32
    %dma_start3A_544 = arith.constant 0 : i32
    %dma_start3A_545 = tpu.memref_slice %arg7[%dma_start3A_542, %select_n3A, %add3A_540, %dma_start3A_543, %dma_start3A_544] : memref<1x8x2064x32x128xf16, #tpu.memory_space<hbm>> -> memref<1x1x4x32x128xf16, #tpu.memory_space<hbm>>
    %dma_start3A_546 = tpu.memref_squeeze %dma_start3A_545 : memref<1x1x4x32x128xf16, #tpu.memory_space<hbm>> -> memref<4x32x128xf16, #tpu.memory_space<hbm>>
    %dma_start3A_547 = arith.constant 0 : i32
    %dma_start3A_548 = arith.constant 0 : i32
    %dma_start3A_549 = arith.constant 0 : i32
    %dma_start3A_550 = tpu.memref_slice %arg8[%arg1, %dma_start3A_541, %dma_start3A_547, %dma_start3A_548, %dma_start3A_549] : memref<16x8x4x32x128xf16, #tpu.memory_space<vmem_shared>> -> memref<1x1x4x32x128xf16, #tpu.memory_space<vmem_shared>>
    %dma_start3A_551 = tpu.memref_squeeze %dma_start3A_550 : memref<1x1x4x32x128xf16, #tpu.memory_space<vmem_shared>> -> memref<4x32x128xf16, #tpu.memory_space<vmem_shared>>
    tpu.enqueue_dma source(%dma_start3A_551 : memref<4x32x128xf16, #tpu.memory_space<vmem_shared>>) target(%dma_start3A_546 : memref<4x32x128xf16, #tpu.memory_space<hbm>>) target_semaphore(%arg18 : memref<!tpu.dma_semaphore, #tpu.memory_space<semaphore_mem>>)
    %add3A_552 = arith.constant 492 : i32
    %add3A_553 = arith.addi %mul3A_20, %add3A_552 : i32
    %dma_wait3A_554 = arith.constant 6 : i32
    %dma_wait3A_555 = arith.constant 0 : i32
    %dma_wait3A_556 = arith.constant 0 : i32
    %dma_wait3A_557 = arith.constant 0 : i32
    %dma_wait3A_558 = tpu.memref_slice %arg6[%dma_wait3A_555, %select_n3A, %add3A_553, %dma_wait3A_556, %dma_wait3A_557] : memref<1x8x2064x32x128xf16, #tpu.memory_space<hbm>> -> memref<1x1x4x32x128xf16, #tpu.memory_space<hbm>>
    %dma_wait3A_559 = tpu.memref_squeeze %dma_wait3A_558 : memref<1x1x4x32x128xf16, #tpu.memory_space<hbm>> -> memref<4x32x128xf16, #tpu.memory_space<hbm>>
    %dma_wait3A_560 = arith.constant 0 : i32
    %dma_wait3A_561 = arith.constant 0 : i32
    %dma_wait3A_562 = arith.constant 0 : i32
    %dma_wait3A_563 = tpu.memref_slice %arg8[%arg1, %dma_wait3A_554, %dma_wait3A_560, %dma_wait3A_561, %dma_wait3A_562] : memref<16x8x4x32x128xf16, #tpu.memory_space<vmem_shared>> -> memref<1x1x4x32x128xf16, #tpu.memory_space<vmem_shared>>
    %dma_wait3A_564 = tpu.memref_squeeze %dma_wait3A_563 : memref<1x1x4x32x128xf16, #tpu.memory_space<vmem_shared>> -> memref<4x32x128xf16, #tpu.memory_space<vmem_shared>>
    tpu.wait_dma2 semaphore(%arg23 : memref<!tpu.dma_semaphore, #tpu.memory_space<semaphore_mem>>) src(%dma_wait3A_564 : memref<4x32x128xf16, #tpu.memory_space<vmem_shared>>) dst(%dma_wait3A_559 : memref<4x32x128xf16, #tpu.memory_space<hbm>>)
    %add3A_565 = arith.constant 508 : i32
    %add3A_566 = arith.addi %mul3A_20, %add3A_565 : i32
    %dma_start3A_567 = arith.constant 0 : i32
    %dma_start3A_568 = arith.constant 6 : i32
    %dma_start3A_569 = arith.constant 0 : i32
    %dma_start3A_570 = arith.constant 0 : i32
    %dma_start3A_571 = arith.constant 0 : i32
    %dma_start3A_572 = tpu.memref_slice %arg8[%arg1, %dma_start3A_568, %dma_start3A_569, %dma_start3A_570, %dma_start3A_571] : memref<16x8x4x32x128xf16, #tpu.memory_space<vmem_shared>> -> memref<1x1x4x32x128xf16, #tpu.memory_space<vmem_shared>>
    %dma_start3A_573 = tpu.memref_squeeze %dma_start3A_572 : memref<1x1x4x32x128xf16, #tpu.memory_space<vmem_shared>> -> memref<4x32x128xf16, #tpu.memory_space<vmem_shared>>
    %dma_start3A_574 = arith.constant 0 : i32
    %dma_start3A_575 = arith.constant 0 : i32
    %dma_start3A_576 = tpu.memref_slice %arg2[%dma_start3A_567, %select_n3A, %add3A_566, %dma_start3A_574, %dma_start3A_575] : memref<1x8x2048x32x128xf16, #tpu.memory_space<hbm>> -> memref<1x1x4x32x128xf16, #tpu.memory_space<hbm>>
    %dma_start3A_577 = tpu.memref_squeeze %dma_start3A_576 : memref<1x1x4x32x128xf16, #tpu.memory_space<hbm>> -> memref<4x32x128xf16, #tpu.memory_space<hbm>>
    tpu.enqueue_dma source(%dma_start3A_577 : memref<4x32x128xf16, #tpu.memory_space<hbm>>) target(%dma_start3A_573 : memref<4x32x128xf16, #tpu.memory_space<vmem_shared>>) target_semaphore(%arg15 : memref<!tpu.dma_semaphore, #tpu.memory_space<semaphore_mem>>)
    %add3A_578 = arith.constant 500 : i32
    %add3A_579 = arith.addi %mul3A_20, %add3A_578 : i32
    %dma_wait3A_580 = arith.constant 0 : i32
    %dma_wait3A_581 = arith.constant 2 : i32
    %dma_wait3A_582 = arith.constant 0 : i32
    %dma_wait3A_583 = arith.constant 0 : i32
    %dma_wait3A_584 = arith.constant 0 : i32
    %dma_wait3A_585 = tpu.memref_slice %arg8[%arg1, %dma_wait3A_581, %dma_wait3A_582, %dma_wait3A_583, %dma_wait3A_584] : memref<16x8x4x32x128xf16, #tpu.memory_space<vmem_shared>> -> memref<1x1x4x32x128xf16, #tpu.memory_space<vmem_shared>>
    %dma_wait3A_586 = tpu.memref_squeeze %dma_wait3A_585 : memref<1x1x4x32x128xf16, #tpu.memory_space<vmem_shared>> -> memref<4x32x128xf16, #tpu.memory_space<vmem_shared>>
    %dma_wait3A_587 = arith.constant 0 : i32
    %dma_wait3A_588 = arith.constant 0 : i32
    %dma_wait3A_589 = tpu.memref_slice %arg2[%dma_wait3A_580, %select_n3A, %add3A_579, %dma_wait3A_587, %dma_wait3A_588] : memref<1x8x2048x32x128xf16, #tpu.memory_space<hbm>> -> memref<1x1x4x32x128xf16, #tpu.memory_space<hbm>>
    %dma_wait3A_590 = tpu.memref_squeeze %dma_wait3A_589 : memref<1x1x4x32x128xf16, #tpu.memory_space<hbm>> -> memref<4x32x128xf16, #tpu.memory_space<hbm>>
    tpu.wait_dma2 semaphore(%arg11 : memref<!tpu.dma_semaphore, #tpu.memory_space<semaphore_mem>>) src(%dma_wait3A_590 : memref<4x32x128xf16, #tpu.memory_space<hbm>>) dst(%dma_wait3A_586 : memref<4x32x128xf16, #tpu.memory_space<vmem_shared>>)
    %add3A_591 = arith.constant 500 : i32
    %add3A_592 = arith.addi %mul3A_20, %add3A_591 : i32
    %dma_start3A_593 = arith.constant 2 : i32
    %dma_start3A_594 = arith.constant 0 : i32
    %dma_start3A_595 = arith.constant 0 : i32
    %dma_start3A_596 = arith.constant 0 : i32
    %dma_start3A_597 = tpu.memref_slice %arg6[%dma_start3A_594, %select_n3A, %add3A_592, %dma_start3A_595, %dma_start3A_596] : memref<1x8x2064x32x128xf16, #tpu.memory_space<hbm>> -> memref<1x1x4x32x128xf16, #tpu.memory_space<hbm>>
    %dma_start3A_598 = tpu.memref_squeeze %dma_start3A_597 : memref<1x1x4x32x128xf16, #tpu.memory_space<hbm>> -> memref<4x32x128xf16, #tpu.memory_space<hbm>>
    %dma_start3A_599 = arith.constant 0 : i32
    %dma_start3A_600 = arith.constant 0 : i32
    %dma_start3A_601 = arith.constant 0 : i32
    %dma_start3A_602 = tpu.memref_slice %arg8[%arg1, %dma_start3A_593, %dma_start3A_599, %dma_start3A_600, %dma_start3A_601] : memref<16x8x4x32x128xf16, #tpu.memory_space<vmem_shared>> -> memref<1x1x4x32x128xf16, #tpu.memory_space<vmem_shared>>
    %dma_start3A_603 = tpu.memref_squeeze %dma_start3A_602 : memref<1x1x4x32x128xf16, #tpu.memory_space<vmem_shared>> -> memref<4x32x128xf16, #tpu.memory_space<vmem_shared>>
    tpu.enqueue_dma source(%dma_start3A_603 : memref<4x32x128xf16, #tpu.memory_space<vmem_shared>>) target(%dma_start3A_598 : memref<4x32x128xf16, #tpu.memory_space<hbm>>) target_semaphore(%arg19 : memref<!tpu.dma_semaphore, #tpu.memory_space<semaphore_mem>>)
    %add3A_604 = arith.constant 492 : i32
    %add3A_605 = arith.addi %mul3A_20, %add3A_604 : i32
    %dma_wait3A_606 = arith.constant 7 : i32
    %dma_wait3A_607 = arith.constant 0 : i32
    %dma_wait3A_608 = arith.constant 0 : i32
    %dma_wait3A_609 = arith.constant 0 : i32
    %dma_wait3A_610 = tpu.memref_slice %arg7[%dma_wait3A_607, %select_n3A, %add3A_605, %dma_wait3A_608, %dma_wait3A_609] : memref<1x8x2064x32x128xf16, #tpu.memory_space<hbm>> -> memref<1x1x4x32x128xf16, #tpu.memory_space<hbm>>
    %dma_wait3A_611 = tpu.memref_squeeze %dma_wait3A_610 : memref<1x1x4x32x128xf16, #tpu.memory_space<hbm>> -> memref<4x32x128xf16, #tpu.memory_space<hbm>>
    %dma_wait3A_612 = arith.constant 0 : i32
    %dma_wait3A_613 = arith.constant 0 : i32
    %dma_wait3A_614 = arith.constant 0 : i32
    %dma_wait3A_615 = tpu.memref_slice %arg8[%arg1, %dma_wait3A_606, %dma_wait3A_612, %dma_wait3A_613, %dma_wait3A_614] : memref<16x8x4x32x128xf16, #tpu.memory_space<vmem_shared>> -> memref<1x1x4x32x128xf16, #tpu.memory_space<vmem_shared>>
    %dma_wait3A_616 = tpu.memref_squeeze %dma_wait3A_615 : memref<1x1x4x32x128xf16, #tpu.memory_space<vmem_shared>> -> memref<4x32x128xf16, #tpu.memory_space<vmem_shared>>
    tpu.wait_dma2 semaphore(%arg24 : memref<!tpu.dma_semaphore, #tpu.memory_space<semaphore_mem>>) src(%dma_wait3A_616 : memref<4x32x128xf16, #tpu.memory_space<vmem_shared>>) dst(%dma_wait3A_611 : memref<4x32x128xf16, #tpu.memory_space<hbm>>)
    %add3A_617 = arith.constant 508 : i32
    %add3A_618 = arith.addi %mul3A_20, %add3A_617 : i32
    %dma_start3A_619 = arith.constant 0 : i32
    %dma_start3A_620 = arith.constant 7 : i32
    %dma_start3A_621 = arith.constant 0 : i32
    %dma_start3A_622 = arith.constant 0 : i32
    %dma_start3A_623 = arith.constant 0 : i32
    %dma_start3A_624 = tpu.memref_slice %arg8[%arg1, %dma_start3A_620, %dma_start3A_621, %dma_start3A_622, %dma_start3A_623] : memref<16x8x4x32x128xf16, #tpu.memory_space<vmem_shared>> -> memref<1x1x4x32x128xf16, #tpu.memory_space<vmem_shared>>
    %dma_start3A_625 = tpu.memref_squeeze %dma_start3A_624 : memref<1x1x4x32x128xf16, #tpu.memory_space<vmem_shared>> -> memref<4x32x128xf16, #tpu.memory_space<vmem_shared>>
    %dma_start3A_626 = arith.constant 0 : i32
    %dma_start3A_627 = arith.constant 0 : i32
    %dma_start3A_628 = tpu.memref_slice %arg3[%dma_start3A_619, %select_n3A, %add3A_618, %dma_start3A_626, %dma_start3A_627] : memref<1x8x2048x32x128xf16, #tpu.memory_space<hbm>> -> memref<1x1x4x32x128xf16, #tpu.memory_space<hbm>>
    %dma_start3A_629 = tpu.memref_squeeze %dma_start3A_628 : memref<1x1x4x32x128xf16, #tpu.memory_space<hbm>> -> memref<4x32x128xf16, #tpu.memory_space<hbm>>
    tpu.enqueue_dma source(%dma_start3A_629 : memref<4x32x128xf16, #tpu.memory_space<hbm>>) target(%dma_start3A_625 : memref<4x32x128xf16, #tpu.memory_space<vmem_shared>>) target_semaphore(%arg16 : memref<!tpu.dma_semaphore, #tpu.memory_space<semaphore_mem>>)
    %add3A_630 = arith.constant 500 : i32
    %add3A_631 = arith.addi %mul3A_20, %add3A_630 : i32
    %dma_wait3A_632 = arith.constant 0 : i32
    %dma_wait3A_633 = arith.constant 3 : i32
    %dma_wait3A_634 = arith.constant 0 : i32
    %dma_wait3A_635 = arith.constant 0 : i32
    %dma_wait3A_636 = arith.constant 0 : i32
    %dma_wait3A_637 = tpu.memref_slice %arg8[%arg1, %dma_wait3A_633, %dma_wait3A_634, %dma_wait3A_635, %dma_wait3A_636] : memref<16x8x4x32x128xf16, #tpu.memory_space<vmem_shared>> -> memref<1x1x4x32x128xf16, #tpu.memory_space<vmem_shared>>
    %dma_wait3A_638 = tpu.memref_squeeze %dma_wait3A_637 : memref<1x1x4x32x128xf16, #tpu.memory_space<vmem_shared>> -> memref<4x32x128xf16, #tpu.memory_space<vmem_shared>>
    %dma_wait3A_639 = arith.constant 0 : i32
    %dma_wait3A_640 = arith.constant 0 : i32
    %dma_wait3A_641 = tpu.memref_slice %arg3[%dma_wait3A_632, %select_n3A, %add3A_631, %dma_wait3A_639, %dma_wait3A_640] : memref<1x8x2048x32x128xf16, #tpu.memory_space<hbm>> -> memref<1x1x4x32x128xf16, #tpu.memory_space<hbm>>
    %dma_wait3A_642 = tpu.memref_squeeze %dma_wait3A_641 : memref<1x1x4x32x128xf16, #tpu.memory_space<hbm>> -> memref<4x32x128xf16, #tpu.memory_space<hbm>>
    tpu.wait_dma2 semaphore(%arg12 : memref<!tpu.dma_semaphore, #tpu.memory_space<semaphore_mem>>) src(%dma_wait3A_642 : memref<4x32x128xf16, #tpu.memory_space<hbm>>) dst(%dma_wait3A_638 : memref<4x32x128xf16, #tpu.memory_space<vmem_shared>>)
    %add3A_643 = arith.constant 500 : i32
    %add3A_644 = arith.addi %mul3A_20, %add3A_643 : i32
    %dma_start3A_645 = arith.constant 3 : i32
    %dma_start3A_646 = arith.constant 0 : i32
    %dma_start3A_647 = arith.constant 0 : i32
    %dma_start3A_648 = arith.constant 0 : i32
    %dma_start3A_649 = tpu.memref_slice %arg7[%dma_start3A_646, %select_n3A, %add3A_644, %dma_start3A_647, %dma_start3A_648] : memref<1x8x2064x32x128xf16, #tpu.memory_space<hbm>> -> memref<1x1x4x32x128xf16, #tpu.memory_space<hbm>>
    %dma_start3A_650 = tpu.memref_squeeze %dma_start3A_649 : memref<1x1x4x32x128xf16, #tpu.memory_space<hbm>> -> memref<4x32x128xf16, #tpu.memory_space<hbm>>
    %dma_start3A_651 = arith.constant 0 : i32
    %dma_start3A_652 = arith.constant 0 : i32
    %dma_start3A_653 = arith.constant 0 : i32
    %dma_start3A_654 = tpu.memref_slice %arg8[%arg1, %dma_start3A_645, %dma_start3A_651, %dma_start3A_652, %dma_start3A_653] : memref<16x8x4x32x128xf16, #tpu.memory_space<vmem_shared>> -> memref<1x1x4x32x128xf16, #tpu.memory_space<vmem_shared>>
    %dma_start3A_655 = tpu.memref_squeeze %dma_start3A_654 : memref<1x1x4x32x128xf16, #tpu.memory_space<vmem_shared>> -> memref<4x32x128xf16, #tpu.memory_space<vmem_shared>>
    tpu.enqueue_dma source(%dma_start3A_655 : memref<4x32x128xf16, #tpu.memory_space<vmem_shared>>) target(%dma_start3A_650 : memref<4x32x128xf16, #tpu.memory_space<hbm>>) target_semaphore(%arg20 : memref<!tpu.dma_semaphore, #tpu.memory_space<semaphore_mem>>)
    %add3A_656 = arith.constant 496 : i32
    %add3A_657 = arith.addi %mul3A_20, %add3A_656 : i32
    %dma_wait3A_658 = arith.constant 0 : i32
    %dma_wait3A_659 = arith.constant 0 : i32
    %dma_wait3A_660 = arith.constant 0 : i32
    %dma_wait3A_661 = arith.constant 0 : i32
    %dma_wait3A_662 = tpu.memref_slice %arg6[%dma_wait3A_659, %select_n3A, %add3A_657, %dma_wait3A_660, %dma_wait3A_661] : memref<1x8x2064x32x128xf16, #tpu.memory_space<hbm>> -> memref<1x1x4x32x128xf16, #tpu.memory_space<hbm>>
    %dma_wait3A_663 = tpu.memref_squeeze %dma_wait3A_662 : memref<1x1x4x32x128xf16, #tpu.memory_space<hbm>> -> memref<4x32x128xf16, #tpu.memory_space<hbm>>
    %dma_wait3A_664 = arith.constant 0 : i32
    %dma_wait3A_665 = arith.constant 0 : i32
    %dma_wait3A_666 = arith.constant 0 : i32
    %dma_wait3A_667 = tpu.memref_slice %arg8[%arg1, %dma_wait3A_658, %dma_wait3A_664, %dma_wait3A_665, %dma_wait3A_666] : memref<16x8x4x32x128xf16, #tpu.memory_space<vmem_shared>> -> memref<1x1x4x32x128xf16, #tpu.memory_space<vmem_shared>>
    %dma_wait3A_668 = tpu.memref_squeeze %dma_wait3A_667 : memref<1x1x4x32x128xf16, #tpu.memory_space<vmem_shared>> -> memref<4x32x128xf16, #tpu.memory_space<vmem_shared>>
    tpu.wait_dma2 semaphore(%arg17 : memref<!tpu.dma_semaphore, #tpu.memory_space<semaphore_mem>>) src(%dma_wait3A_668 : memref<4x32x128xf16, #tpu.memory_space<vmem_shared>>) dst(%dma_wait3A_663 : memref<4x32x128xf16, #tpu.memory_space<hbm>>)
    %add3A_669 = arith.constant 504 : i32
    %add3A_670 = arith.addi %mul3A_20, %add3A_669 : i32
    %dma_wait3A_671 = arith.constant 0 : i32
    %dma_wait3A_672 = arith.constant 4 : i32
    %dma_wait3A_673 = arith.constant 0 : i32
    %dma_wait3A_674 = arith.constant 0 : i32
    %dma_wait3A_675 = arith.constant 0 : i32
    %dma_wait3A_676 = tpu.memref_slice %arg8[%arg1, %dma_wait3A_672, %dma_wait3A_673, %dma_wait3A_674, %dma_wait3A_675] : memref<16x8x4x32x128xf16, #tpu.memory_space<vmem_shared>> -> memref<1x1x4x32x128xf16, #tpu.memory_space<vmem_shared>>
    %dma_wait3A_677 = tpu.memref_squeeze %dma_wait3A_676 : memref<1x1x4x32x128xf16, #tpu.memory_space<vmem_shared>> -> memref<4x32x128xf16, #tpu.memory_space<vmem_shared>>
    %dma_wait3A_678 = arith.constant 0 : i32
    %dma_wait3A_679 = arith.constant 0 : i32
    %dma_wait3A_680 = tpu.memref_slice %arg2[%dma_wait3A_671, %select_n3A, %add3A_670, %dma_wait3A_678, %dma_wait3A_679] : memref<1x8x2048x32x128xf16, #tpu.memory_space<hbm>> -> memref<1x1x4x32x128xf16, #tpu.memory_space<hbm>>
    %dma_wait3A_681 = tpu.memref_squeeze %dma_wait3A_680 : memref<1x1x4x32x128xf16, #tpu.memory_space<hbm>> -> memref<4x32x128xf16, #tpu.memory_space<hbm>>
    tpu.wait_dma2 semaphore(%arg13 : memref<!tpu.dma_semaphore, #tpu.memory_space<semaphore_mem>>) src(%dma_wait3A_681 : memref<4x32x128xf16, #tpu.memory_space<hbm>>) dst(%dma_wait3A_677 : memref<4x32x128xf16, #tpu.memory_space<vmem_shared>>)
    %add3A_682 = arith.constant 504 : i32
    %add3A_683 = arith.addi %mul3A_20, %add3A_682 : i32
    %dma_start3A_684 = arith.constant 4 : i32
    %dma_start3A_685 = arith.constant 0 : i32
    %dma_start3A_686 = arith.constant 0 : i32
    %dma_start3A_687 = arith.constant 0 : i32
    %dma_start3A_688 = tpu.memref_slice %arg6[%dma_start3A_685, %select_n3A, %add3A_683, %dma_start3A_686, %dma_start3A_687] : memref<1x8x2064x32x128xf16, #tpu.memory_space<hbm>> -> memref<1x1x4x32x128xf16, #tpu.memory_space<hbm>>
    %dma_start3A_689 = tpu.memref_squeeze %dma_start3A_688 : memref<1x1x4x32x128xf16, #tpu.memory_space<hbm>> -> memref<4x32x128xf16, #tpu.memory_space<hbm>>
    %dma_start3A_690 = arith.constant 0 : i32
    %dma_start3A_691 = arith.constant 0 : i32
    %dma_start3A_692 = arith.constant 0 : i32
    %dma_start3A_693 = tpu.memref_slice %arg8[%arg1, %dma_start3A_684, %dma_start3A_690, %dma_start3A_691, %dma_start3A_692] : memref<16x8x4x32x128xf16, #tpu.memory_space<vmem_shared>> -> memref<1x1x4x32x128xf16, #tpu.memory_space<vmem_shared>>
    %dma_start3A_694 = tpu.memref_squeeze %dma_start3A_693 : memref<1x1x4x32x128xf16, #tpu.memory_space<vmem_shared>> -> memref<4x32x128xf16, #tpu.memory_space<vmem_shared>>
    tpu.enqueue_dma source(%dma_start3A_694 : memref<4x32x128xf16, #tpu.memory_space<vmem_shared>>) target(%dma_start3A_689 : memref<4x32x128xf16, #tpu.memory_space<hbm>>) target_semaphore(%arg21 : memref<!tpu.dma_semaphore, #tpu.memory_space<semaphore_mem>>)
    %add3A_695 = arith.constant 496 : i32
    %add3A_696 = arith.addi %mul3A_20, %add3A_695 : i32
    %dma_wait3A_697 = arith.constant 1 : i32
    %dma_wait3A_698 = arith.constant 0 : i32
    %dma_wait3A_699 = arith.constant 0 : i32
    %dma_wait3A_700 = arith.constant 0 : i32
    %dma_wait3A_701 = tpu.memref_slice %arg7[%dma_wait3A_698, %select_n3A, %add3A_696, %dma_wait3A_699, %dma_wait3A_700] : memref<1x8x2064x32x128xf16, #tpu.memory_space<hbm>> -> memref<1x1x4x32x128xf16, #tpu.memory_space<hbm>>
    %dma_wait3A_702 = tpu.memref_squeeze %dma_wait3A_701 : memref<1x1x4x32x128xf16, #tpu.memory_space<hbm>> -> memref<4x32x128xf16, #tpu.memory_space<hbm>>
    %dma_wait3A_703 = arith.constant 0 : i32
    %dma_wait3A_704 = arith.constant 0 : i32
    %dma_wait3A_705 = arith.constant 0 : i32
    %dma_wait3A_706 = tpu.memref_slice %arg8[%arg1, %dma_wait3A_697, %dma_wait3A_703, %dma_wait3A_704, %dma_wait3A_705] : memref<16x8x4x32x128xf16, #tpu.memory_space<vmem_shared>> -> memref<1x1x4x32x128xf16, #tpu.memory_space<vmem_shared>>
    %dma_wait3A_707 = tpu.memref_squeeze %dma_wait3A_706 : memref<1x1x4x32x128xf16, #tpu.memory_space<vmem_shared>> -> memref<4x32x128xf16, #tpu.memory_space<vmem_shared>>
    tpu.wait_dma2 semaphore(%arg18 : memref<!tpu.dma_semaphore, #tpu.memory_space<semaphore_mem>>) src(%dma_wait3A_707 : memref<4x32x128xf16, #tpu.memory_space<vmem_shared>>) dst(%dma_wait3A_702 : memref<4x32x128xf16, #tpu.memory_space<hbm>>)
    %add3A_708 = arith.constant 504 : i32
    %add3A_709 = arith.addi %mul3A_20, %add3A_708 : i32
    %dma_wait3A_710 = arith.constant 0 : i32
    %dma_wait3A_711 = arith.constant 5 : i32
    %dma_wait3A_712 = arith.constant 0 : i32
    %dma_wait3A_713 = arith.constant 0 : i32
    %dma_wait3A_714 = arith.constant 0 : i32
    %dma_wait3A_715 = tpu.memref_slice %arg8[%arg1, %dma_wait3A_711, %dma_wait3A_712, %dma_wait3A_713, %dma_wait3A_714] : memref<16x8x4x32x128xf16, #tpu.memory_space<vmem_shared>> -> memref<1x1x4x32x128xf16, #tpu.memory_space<vmem_shared>>
    %dma_wait3A_716 = tpu.memref_squeeze %dma_wait3A_715 : memref<1x1x4x32x128xf16, #tpu.memory_space<vmem_shared>> -> memref<4x32x128xf16, #tpu.memory_space<vmem_shared>>
    %dma_wait3A_717 = arith.constant 0 : i32
    %dma_wait3A_718 = arith.constant 0 : i32
    %dma_wait3A_719 = tpu.memref_slice %arg3[%dma_wait3A_710, %select_n3A, %add3A_709, %dma_wait3A_717, %dma_wait3A_718] : memref<1x8x2048x32x128xf16, #tpu.memory_space<hbm>> -> memref<1x1x4x32x128xf16, #tpu.memory_space<hbm>>
    %dma_wait3A_720 = tpu.memref_squeeze %dma_wait3A_719 : memref<1x1x4x32x128xf16, #tpu.memory_space<hbm>> -> memref<4x32x128xf16, #tpu.memory_space<hbm>>
    tpu.wait_dma2 semaphore(%arg14 : memref<!tpu.dma_semaphore, #tpu.memory_space<semaphore_mem>>) src(%dma_wait3A_720 : memref<4x32x128xf16, #tpu.memory_space<hbm>>) dst(%dma_wait3A_716 : memref<4x32x128xf16, #tpu.memory_space<vmem_shared>>)
    %add3A_721 = arith.constant 504 : i32
    %add3A_722 = arith.addi %mul3A_20, %add3A_721 : i32
    %dma_start3A_723 = arith.constant 5 : i32
    %dma_start3A_724 = arith.constant 0 : i32
    %dma_start3A_725 = arith.constant 0 : i32
    %dma_start3A_726 = arith.constant 0 : i32
    %dma_start3A_727 = tpu.memref_slice %arg7[%dma_start3A_724, %select_n3A, %add3A_722, %dma_start3A_725, %dma_start3A_726] : memref<1x8x2064x32x128xf16, #tpu.memory_space<hbm>> -> memref<1x1x4x32x128xf16, #tpu.memory_space<hbm>>
    %dma_start3A_728 = tpu.memref_squeeze %dma_start3A_727 : memref<1x1x4x32x128xf16, #tpu.memory_space<hbm>> -> memref<4x32x128xf16, #tpu.memory_space<hbm>>
    %dma_start3A_729 = arith.constant 0 : i32
    %dma_start3A_730 = arith.constant 0 : i32
    %dma_start3A_731 = arith.constant 0 : i32
    %dma_start3A_732 = tpu.memref_slice %arg8[%arg1, %dma_start3A_723, %dma_start3A_729, %dma_start3A_730, %dma_start3A_731] : memref<16x8x4x32x128xf16, #tpu.memory_space<vmem_shared>> -> memref<1x1x4x32x128xf16, #tpu.memory_space<vmem_shared>>
    %dma_start3A_733 = tpu.memref_squeeze %dma_start3A_732 : memref<1x1x4x32x128xf16, #tpu.memory_space<vmem_shared>> -> memref<4x32x128xf16, #tpu.memory_space<vmem_shared>>
    tpu.enqueue_dma source(%dma_start3A_733 : memref<4x32x128xf16, #tpu.memory_space<vmem_shared>>) target(%dma_start3A_728 : memref<4x32x128xf16, #tpu.memory_space<hbm>>) target_semaphore(%arg22 : memref<!tpu.dma_semaphore, #tpu.memory_space<semaphore_mem>>)
    %add3A_734 = arith.constant 500 : i32
    %add3A_735 = arith.addi %mul3A_20, %add3A_734 : i32
    %dma_wait3A_736 = arith.constant 2 : i32
    %dma_wait3A_737 = arith.constant 0 : i32
    %dma_wait3A_738 = arith.constant 0 : i32
    %dma_wait3A_739 = arith.constant 0 : i32
    %dma_wait3A_740 = tpu.memref_slice %arg6[%dma_wait3A_737, %select_n3A, %add3A_735, %dma_wait3A_738, %dma_wait3A_739] : memref<1x8x2064x32x128xf16, #tpu.memory_space<hbm>> -> memref<1x1x4x32x128xf16, #tpu.memory_space<hbm>>
    %dma_wait3A_741 = tpu.memref_squeeze %dma_wait3A_740 : memref<1x1x4x32x128xf16, #tpu.memory_space<hbm>> -> memref<4x32x128xf16, #tpu.memory_space<hbm>>
    %dma_wait3A_742 = arith.constant 0 : i32
    %dma_wait3A_743 = arith.constant 0 : i32
    %dma_wait3A_744 = arith.constant 0 : i32
    %dma_wait3A_745 = tpu.memref_slice %arg8[%arg1, %dma_wait3A_736, %dma_wait3A_742, %dma_wait3A_743, %dma_wait3A_744] : memref<16x8x4x32x128xf16, #tpu.memory_space<vmem_shared>> -> memref<1x1x4x32x128xf16, #tpu.memory_space<vmem_shared>>
    %dma_wait3A_746 = tpu.memref_squeeze %dma_wait3A_745 : memref<1x1x4x32x128xf16, #tpu.memory_space<vmem_shared>> -> memref<4x32x128xf16, #tpu.memory_space<vmem_shared>>
    tpu.wait_dma2 semaphore(%arg19 : memref<!tpu.dma_semaphore, #tpu.memory_space<semaphore_mem>>) src(%dma_wait3A_746 : memref<4x32x128xf16, #tpu.memory_space<vmem_shared>>) dst(%dma_wait3A_741 : memref<4x32x128xf16, #tpu.memory_space<hbm>>)
    %add3A_747 = arith.constant 508 : i32
    %add3A_748 = arith.addi %mul3A_20, %add3A_747 : i32
    %dma_wait3A_749 = arith.constant 0 : i32
    %dma_wait3A_750 = arith.constant 6 : i32
    %dma_wait3A_751 = arith.constant 0 : i32
    %dma_wait3A_752 = arith.constant 0 : i32
    %dma_wait3A_753 = arith.constant 0 : i32
    %dma_wait3A_754 = tpu.memref_slice %arg8[%arg1, %dma_wait3A_750, %dma_wait3A_751, %dma_wait3A_752, %dma_wait3A_753] : memref<16x8x4x32x128xf16, #tpu.memory_space<vmem_shared>> -> memref<1x1x4x32x128xf16, #tpu.memory_space<vmem_shared>>
    %dma_wait3A_755 = tpu.memref_squeeze %dma_wait3A_754 : memref<1x1x4x32x128xf16, #tpu.memory_space<vmem_shared>> -> memref<4x32x128xf16, #tpu.memory_space<vmem_shared>>
    %dma_wait3A_756 = arith.constant 0 : i32
    %dma_wait3A_757 = arith.constant 0 : i32
    %dma_wait3A_758 = tpu.memref_slice %arg2[%dma_wait3A_749, %select_n3A, %add3A_748, %dma_wait3A_756, %dma_wait3A_757] : memref<1x8x2048x32x128xf16, #tpu.memory_space<hbm>> -> memref<1x1x4x32x128xf16, #tpu.memory_space<hbm>>
    %dma_wait3A_759 = tpu.memref_squeeze %dma_wait3A_758 : memref<1x1x4x32x128xf16, #tpu.memory_space<hbm>> -> memref<4x32x128xf16, #tpu.memory_space<hbm>>
    tpu.wait_dma2 semaphore(%arg15 : memref<!tpu.dma_semaphore, #tpu.memory_space<semaphore_mem>>) src(%dma_wait3A_759 : memref<4x32x128xf16, #tpu.memory_space<hbm>>) dst(%dma_wait3A_755 : memref<4x32x128xf16, #tpu.memory_space<vmem_shared>>)
    %add3A_760 = arith.constant 508 : i32
    %add3A_761 = arith.addi %mul3A_20, %add3A_760 : i32
    %dma_start3A_762 = arith.constant 6 : i32
    %dma_start3A_763 = arith.constant 0 : i32
    %dma_start3A_764 = arith.constant 0 : i32
    %dma_start3A_765 = arith.constant 0 : i32
    %dma_start3A_766 = tpu.memref_slice %arg6[%dma_start3A_763, %select_n3A, %add3A_761, %dma_start3A_764, %dma_start3A_765] : memref<1x8x2064x32x128xf16, #tpu.memory_space<hbm>> -> memref<1x1x4x32x128xf16, #tpu.memory_space<hbm>>
    %dma_start3A_767 = tpu.memref_squeeze %dma_start3A_766 : memref<1x1x4x32x128xf16, #tpu.memory_space<hbm>> -> memref<4x32x128xf16, #tpu.memory_space<hbm>>
    %dma_start3A_768 = arith.constant 0 : i32
    %dma_start3A_769 = arith.constant 0 : i32
    %dma_start3A_770 = arith.constant 0 : i32
    %dma_start3A_771 = tpu.memref_slice %arg8[%arg1, %dma_start3A_762, %dma_start3A_768, %dma_start3A_769, %dma_start3A_770] : memref<16x8x4x32x128xf16, #tpu.memory_space<vmem_shared>> -> memref<1x1x4x32x128xf16, #tpu.memory_space<vmem_shared>>
    %dma_start3A_772 = tpu.memref_squeeze %dma_start3A_771 : memref<1x1x4x32x128xf16, #tpu.memory_space<vmem_shared>> -> memref<4x32x128xf16, #tpu.memory_space<vmem_shared>>
    tpu.enqueue_dma source(%dma_start3A_772 : memref<4x32x128xf16, #tpu.memory_space<vmem_shared>>) target(%dma_start3A_767 : memref<4x32x128xf16, #tpu.memory_space<hbm>>) target_semaphore(%arg23 : memref<!tpu.dma_semaphore, #tpu.memory_space<semaphore_mem>>)
    %add3A_773 = arith.constant 500 : i32
    %add3A_774 = arith.addi %mul3A_20, %add3A_773 : i32
    %dma_wait3A_775 = arith.constant 3 : i32
    %dma_wait3A_776 = arith.constant 0 : i32
    %dma_wait3A_777 = arith.constant 0 : i32
    %dma_wait3A_778 = arith.constant 0 : i32
    %dma_wait3A_779 = tpu.memref_slice %arg7[%dma_wait3A_776, %select_n3A, %add3A_774, %dma_wait3A_777, %dma_wait3A_778] : memref<1x8x2064x32x128xf16, #tpu.memory_space<hbm>> -> memref<1x1x4x32x128xf16, #tpu.memory_space<hbm>>
    %dma_wait3A_780 = tpu.memref_squeeze %dma_wait3A_779 : memref<1x1x4x32x128xf16, #tpu.memory_space<hbm>> -> memref<4x32x128xf16, #tpu.memory_space<hbm>>
    %dma_wait3A_781 = arith.constant 0 : i32
    %dma_wait3A_782 = arith.constant 0 : i32
    %dma_wait3A_783 = arith.constant 0 : i32
    %dma_wait3A_784 = tpu.memref_slice %arg8[%arg1, %dma_wait3A_775, %dma_wait3A_781, %dma_wait3A_782, %dma_wait3A_783] : memref<16x8x4x32x128xf16, #tpu.memory_space<vmem_shared>> -> memref<1x1x4x32x128xf16, #tpu.memory_space<vmem_shared>>
    %dma_wait3A_785 = tpu.memref_squeeze %dma_wait3A_784 : memref<1x1x4x32x128xf16, #tpu.memory_space<vmem_shared>> -> memref<4x32x128xf16, #tpu.memory_space<vmem_shared>>
    tpu.wait_dma2 semaphore(%arg20 : memref<!tpu.dma_semaphore, #tpu.memory_space<semaphore_mem>>) src(%dma_wait3A_785 : memref<4x32x128xf16, #tpu.memory_space<vmem_shared>>) dst(%dma_wait3A_780 : memref<4x32x128xf16, #tpu.memory_space<hbm>>)
    %add3A_786 = arith.constant 508 : i32
    %add3A_787 = arith.addi %mul3A_20, %add3A_786 : i32
    %dma_wait3A_788 = arith.constant 0 : i32
    %dma_wait3A_789 = arith.constant 7 : i32
    %dma_wait3A_790 = arith.constant 0 : i32
    %dma_wait3A_791 = arith.constant 0 : i32
    %dma_wait3A_792 = arith.constant 0 : i32
    %dma_wait3A_793 = tpu.memref_slice %arg8[%arg1, %dma_wait3A_789, %dma_wait3A_790, %dma_wait3A_791, %dma_wait3A_792] : memref<16x8x4x32x128xf16, #tpu.memory_space<vmem_shared>> -> memref<1x1x4x32x128xf16, #tpu.memory_space<vmem_shared>>
    %dma_wait3A_794 = tpu.memref_squeeze %dma_wait3A_793 : memref<1x1x4x32x128xf16, #tpu.memory_space<vmem_shared>> -> memref<4x32x128xf16, #tpu.memory_space<vmem_shared>>
    %dma_wait3A_795 = arith.constant 0 : i32
    %dma_wait3A_796 = arith.constant 0 : i32
    %dma_wait3A_797 = tpu.memref_slice %arg3[%dma_wait3A_788, %select_n3A, %add3A_787, %dma_wait3A_795, %dma_wait3A_796] : memref<1x8x2048x32x128xf16, #tpu.memory_space<hbm>> -> memref<1x1x4x32x128xf16, #tpu.memory_space<hbm>>
    %dma_wait3A_798 = tpu.memref_squeeze %dma_wait3A_797 : memref<1x1x4x32x128xf16, #tpu.memory_space<hbm>> -> memref<4x32x128xf16, #tpu.memory_space<hbm>>
    tpu.wait_dma2 semaphore(%arg16 : memref<!tpu.dma_semaphore, #tpu.memory_space<semaphore_mem>>) src(%dma_wait3A_798 : memref<4x32x128xf16, #tpu.memory_space<hbm>>) dst(%dma_wait3A_794 : memref<4x32x128xf16, #tpu.memory_space<vmem_shared>>)
    %add3A_799 = arith.constant 508 : i32
    %add3A_800 = arith.addi %mul3A_20, %add3A_799 : i32
    %dma_start3A_801 = arith.constant 7 : i32
    %dma_start3A_802 = arith.constant 0 : i32
    %dma_start3A_803 = arith.constant 0 : i32
    %dma_start3A_804 = arith.constant 0 : i32
    %dma_start3A_805 = tpu.memref_slice %arg7[%dma_start3A_802, %select_n3A, %add3A_800, %dma_start3A_803, %dma_start3A_804] : memref<1x8x2064x32x128xf16, #tpu.memory_space<hbm>> -> memref<1x1x4x32x128xf16, #tpu.memory_space<hbm>>
    %dma_start3A_806 = tpu.memref_squeeze %dma_start3A_805 : memref<1x1x4x32x128xf16, #tpu.memory_space<hbm>> -> memref<4x32x128xf16, #tpu.memory_space<hbm>>
    %dma_start3A_807 = arith.constant 0 : i32
    %dma_start3A_808 = arith.constant 0 : i32
    %dma_start3A_809 = arith.constant 0 : i32
    %dma_start3A_810 = tpu.memref_slice %arg8[%arg1, %dma_start3A_801, %dma_start3A_807, %dma_start3A_808, %dma_start3A_809] : memref<16x8x4x32x128xf16, #tpu.memory_space<vmem_shared>> -> memref<1x1x4x32x128xf16, #tpu.memory_space<vmem_shared>>
    %dma_start3A_811 = tpu.memref_squeeze %dma_start3A_810 : memref<1x1x4x32x128xf16, #tpu.memory_space<vmem_shared>> -> memref<4x32x128xf16, #tpu.memory_space<vmem_shared>>
    tpu.enqueue_dma source(%dma_start3A_811 : memref<4x32x128xf16, #tpu.memory_space<vmem_shared>>) target(%dma_start3A_806 : memref<4x32x128xf16, #tpu.memory_space<hbm>>) target_semaphore(%arg24 : memref<!tpu.dma_semaphore, #tpu.memory_space<semaphore_mem>>)
    %add3A_812 = arith.constant 504 : i32
    %add3A_813 = arith.addi %mul3A_20, %add3A_812 : i32
    %dma_wait3A_814 = arith.constant 4 : i32
    %dma_wait3A_815 = arith.constant 0 : i32
    %dma_wait3A_816 = arith.constant 0 : i32
    %dma_wait3A_817 = arith.constant 0 : i32
    %dma_wait3A_818 = tpu.memref_slice %arg6[%dma_wait3A_815, %select_n3A, %add3A_813, %dma_wait3A_816, %dma_wait3A_817] : memref<1x8x2064x32x128xf16, #tpu.memory_space<hbm>> -> memref<1x1x4x32x128xf16, #tpu.memory_space<hbm>>
    %dma_wait3A_819 = tpu.memref_squeeze %dma_wait3A_818 : memref<1x1x4x32x128xf16, #tpu.memory_space<hbm>> -> memref<4x32x128xf16, #tpu.memory_space<hbm>>
    %dma_wait3A_820 = arith.constant 0 : i32
    %dma_wait3A_821 = arith.constant 0 : i32
    %dma_wait3A_822 = arith.constant 0 : i32
    %dma_wait3A_823 = tpu.memref_slice %arg8[%arg1, %dma_wait3A_814, %dma_wait3A_820, %dma_wait3A_821, %dma_wait3A_822] : memref<16x8x4x32x128xf16, #tpu.memory_space<vmem_shared>> -> memref<1x1x4x32x128xf16, #tpu.memory_space<vmem_shared>>
    %dma_wait3A_824 = tpu.memref_squeeze %dma_wait3A_823 : memref<1x1x4x32x128xf16, #tpu.memory_space<vmem_shared>> -> memref<4x32x128xf16, #tpu.memory_space<vmem_shared>>
    tpu.wait_dma2 semaphore(%arg21 : memref<!tpu.dma_semaphore, #tpu.memory_space<semaphore_mem>>) src(%dma_wait3A_824 : memref<4x32x128xf16, #tpu.memory_space<vmem_shared>>) dst(%dma_wait3A_819 : memref<4x32x128xf16, #tpu.memory_space<hbm>>)
    %add3A_825 = arith.constant 504 : i32
    %add3A_826 = arith.addi %mul3A_20, %add3A_825 : i32
    %dma_wait3A_827 = arith.constant 5 : i32
    %dma_wait3A_828 = arith.constant 0 : i32
    %dma_wait3A_829 = arith.constant 0 : i32
    %dma_wait3A_830 = arith.constant 0 : i32
    %dma_wait3A_831 = tpu.memref_slice %arg7[%dma_wait3A_828, %select_n3A, %add3A_826, %dma_wait3A_829, %dma_wait3A_830] : memref<1x8x2064x32x128xf16, #tpu.memory_space<hbm>> -> memref<1x1x4x32x128xf16, #tpu.memory_space<hbm>>
    %dma_wait3A_832 = tpu.memref_squeeze %dma_wait3A_831 : memref<1x1x4x32x128xf16, #tpu.memory_space<hbm>> -> memref<4x32x128xf16, #tpu.memory_space<hbm>>
    %dma_wait3A_833 = arith.constant 0 : i32
    %dma_wait3A_834 = arith.constant 0 : i32
    %dma_wait3A_835 = arith.constant 0 : i32
    %dma_wait3A_836 = tpu.memref_slice %arg8[%arg1, %dma_wait3A_827, %dma_wait3A_833, %dma_wait3A_834, %dma_wait3A_835] : memref<16x8x4x32x128xf16, #tpu.memory_space<vmem_shared>> -> memref<1x1x4x32x128xf16, #tpu.memory_space<vmem_shared>>
    %dma_wait3A_837 = tpu.memref_squeeze %dma_wait3A_836 : memref<1x1x4x32x128xf16, #tpu.memory_space<vmem_shared>> -> memref<4x32x128xf16, #tpu.memory_space<vmem_shared>>
    tpu.wait_dma2 semaphore(%arg22 : memref<!tpu.dma_semaphore, #tpu.memory_space<semaphore_mem>>) src(%dma_wait3A_837 : memref<4x32x128xf16, #tpu.memory_space<vmem_shared>>) dst(%dma_wait3A_832 : memref<4x32x128xf16, #tpu.memory_space<hbm>>)
    %add3A_838 = arith.constant 508 : i32
    %add3A_839 = arith.addi %mul3A_20, %add3A_838 : i32
    %dma_wait3A_840 = arith.constant 6 : i32
    %dma_wait3A_841 = arith.constant 0 : i32
    %dma_wait3A_842 = arith.constant 0 : i32
    %dma_wait3A_843 = arith.constant 0 : i32
    %dma_wait3A_844 = tpu.memref_slice %arg6[%dma_wait3A_841, %select_n3A, %add3A_839, %dma_wait3A_842, %dma_wait3A_843] : memref<1x8x2064x32x128xf16, #tpu.memory_space<hbm>> -> memref<1x1x4x32x128xf16, #tpu.memory_space<hbm>>
    %dma_wait3A_845 = tpu.memref_squeeze %dma_wait3A_844 : memref<1x1x4x32x128xf16, #tpu.memory_space<hbm>> -> memref<4x32x128xf16, #tpu.memory_space<hbm>>
    %dma_wait3A_846 = arith.constant 0 : i32
    %dma_wait3A_847 = arith.constant 0 : i32
    %dma_wait3A_848 = arith.constant 0 : i32
    %dma_wait3A_849 = tpu.memref_slice %arg8[%arg1, %dma_wait3A_840, %dma_wait3A_846, %dma_wait3A_847, %dma_wait3A_848] : memref<16x8x4x32x128xf16, #tpu.memory_space<vmem_shared>> -> memref<1x1x4x32x128xf16, #tpu.memory_space<vmem_shared>>
    %dma_wait3A_850 = tpu.memref_squeeze %dma_wait3A_849 : memref<1x1x4x32x128xf16, #tpu.memory_space<vmem_shared>> -> memref<4x32x128xf16, #tpu.memory_space<vmem_shared>>
    tpu.wait_dma2 semaphore(%arg23 : memref<!tpu.dma_semaphore, #tpu.memory_space<semaphore_mem>>) src(%dma_wait3A_850 : memref<4x32x128xf16, #tpu.memory_space<vmem_shared>>) dst(%dma_wait3A_845 : memref<4x32x128xf16, #tpu.memory_space<hbm>>)
    %add3A_851 = arith.constant 508 : i32
    %add3A_852 = arith.addi %mul3A_20, %add3A_851 : i32
    %dma_wait3A_853 = arith.constant 7 : i32
    %dma_wait3A_854 = arith.constant 0 : i32
    %dma_wait3A_855 = arith.constant 0 : i32
    %dma_wait3A_856 = arith.constant 0 : i32
    %dma_wait3A_857 = tpu.memref_slice %arg7[%dma_wait3A_854, %select_n3A, %add3A_852, %dma_wait3A_855, %dma_wait3A_856] : memref<1x8x2064x32x128xf16, #tpu.memory_space<hbm>> -> memref<1x1x4x32x128xf16, #tpu.memory_space<hbm>>
    %dma_wait3A_858 = tpu.memref_squeeze %dma_wait3A_857 : memref<1x1x4x32x128xf16, #tpu.memory_space<hbm>> -> memref<4x32x128xf16, #tpu.memory_space<hbm>>
    %dma_wait3A_859 = arith.constant 0 : i32
    %dma_wait3A_860 = arith.constant 0 : i32
    %dma_wait3A_861 = arith.constant 0 : i32
    %dma_wait3A_862 = tpu.memref_slice %arg8[%arg1, %dma_wait3A_853, %dma_wait3A_859, %dma_wait3A_860, %dma_wait3A_861] : memref<16x8x4x32x128xf16, #tpu.memory_space<vmem_shared>> -> memref<1x1x4x32x128xf16, #tpu.memory_space<vmem_shared>>
    %dma_wait3A_863 = tpu.memref_squeeze %dma_wait3A_862 : memref<1x1x4x32x128xf16, #tpu.memory_space<vmem_shared>> -> memref<4x32x128xf16, #tpu.memory_space<vmem_shared>>
    tpu.wait_dma2 semaphore(%arg24 : memref<!tpu.dma_semaphore, #tpu.memory_space<semaphore_mem>>) src(%dma_wait3A_863 : memref<4x32x128xf16, #tpu.memory_space<vmem_shared>>) dst(%dma_wait3A_858 : memref<4x32x128xf16, #tpu.memory_space<hbm>>)
    %eq3A = arith.constant 0 : i32
    %eq3A_864 = arith.cmpi eq, %rem3A_18, %eq3A : i32
    %convert_element_type3A = arith.extui %eq3A_864 : i1 to i32
    %cond3A = arith.constant 0 : i32
    %cond3A_865 = arith.constant 1 : i32
    %cond3A_866 = arith.constant 2 : i32
    %cond3A_867 = arith.constant 3 : i32
    %cond3A_868 = arith.constant 0 : i32
    %cond3A_869 = arith.cmpi ne, %convert_element_type3A, %cond3A_868 : i32
    scf.if %cond3A_869 {
      %dma_start3A_879 = arith.constant 0 : i32
      %dma_start3A_880 = arith.constant 0 : i32
      %dma_start3A_881 = arith.constant 0 : i32
      %dma_start3A_882 = arith.constant 0 : i32
      %dma_start3A_883 = tpu.memref_slice %arg8[%arg1, %cond3A, %dma_start3A_880, %dma_start3A_881, %dma_start3A_882] : memref<16x8x4x32x128xf16, #tpu.memory_space<vmem_shared>> -> memref<1x1x4x32x128xf16, #tpu.memory_space<vmem_shared>>
      %dma_start3A_884 = tpu.memref_squeeze %dma_start3A_883 : memref<1x1x4x32x128xf16, #tpu.memory_space<vmem_shared>> -> memref<4x32x128xf16, #tpu.memory_space<vmem_shared>>
      %dma_start3A_885 = arith.constant 0 : i32
      %dma_start3A_886 = arith.constant 0 : i32
      %dma_start3A_887 = arith.constant 0 : i32
      %dma_start3A_888 = tpu.memref_slice %arg4[%dma_start3A_879, %select_n3A, %dma_start3A_885, %dma_start3A_886, %dma_start3A_887] : memref<1x8x16x32x128xf16, #tpu.memory_space<hbm>> -> memref<1x1x4x32x128xf16, #tpu.memory_space<hbm>>
      %dma_start3A_889 = tpu.memref_squeeze %dma_start3A_888 : memref<1x1x4x32x128xf16, #tpu.memory_space<hbm>> -> memref<4x32x128xf16, #tpu.memory_space<hbm>>
      tpu.enqueue_dma source(%dma_start3A_889 : memref<4x32x128xf16, #tpu.memory_space<hbm>>) target(%dma_start3A_884 : memref<4x32x128xf16, #tpu.memory_space<vmem_shared>>) target_semaphore(%arg9 : memref<!tpu.dma_semaphore, #tpu.memory_space<semaphore_mem>>)
      %dma_start3A_890 = arith.constant 0 : i32
      %dma_start3A_891 = arith.constant 0 : i32
      %dma_start3A_892 = arith.constant 0 : i32
      %dma_start3A_893 = arith.constant 0 : i32
      %dma_start3A_894 = tpu.memref_slice %arg8[%arg1, %cond3A_865, %dma_start3A_891, %dma_start3A_892, %dma_start3A_893] : memref<16x8x4x32x128xf16, #tpu.memory_space<vmem_shared>> -> memref<1x1x4x32x128xf16, #tpu.memory_space<vmem_shared>>
      %dma_start3A_895 = tpu.memref_squeeze %dma_start3A_894 : memref<1x1x4x32x128xf16, #tpu.memory_space<vmem_shared>> -> memref<4x32x128xf16, #tpu.memory_space<vmem_shared>>
      %dma_start3A_896 = arith.constant 4 : i32
      %dma_start3A_897 = arith.constant 0 : i32
      %dma_start3A_898 = arith.constant 0 : i32
      %dma_start3A_899 = tpu.memref_slice %arg4[%dma_start3A_890, %select_n3A, %dma_start3A_896, %dma_start3A_897, %dma_start3A_898] : memref<1x8x16x32x128xf16, #tpu.memory_space<hbm>> -> memref<1x1x4x32x128xf16, #tpu.memory_space<hbm>>
      %dma_start3A_900 = tpu.memref_squeeze %dma_start3A_899 : memref<1x1x4x32x128xf16, #tpu.memory_space<hbm>> -> memref<4x32x128xf16, #tpu.memory_space<hbm>>
      tpu.enqueue_dma source(%dma_start3A_900 : memref<4x32x128xf16, #tpu.memory_space<hbm>>) target(%dma_start3A_895 : memref<4x32x128xf16, #tpu.memory_space<vmem_shared>>) target_semaphore(%arg10 : memref<!tpu.dma_semaphore, #tpu.memory_space<semaphore_mem>>)
      %dma_start3A_901 = arith.constant 0 : i32
      %dma_start3A_902 = arith.constant 0 : i32
      %dma_start3A_903 = arith.constant 0 : i32
      %dma_start3A_904 = arith.constant 0 : i32
      %dma_start3A_905 = tpu.memref_slice %arg8[%arg1, %cond3A_866, %dma_start3A_902, %dma_start3A_903, %dma_start3A_904] : memref<16x8x4x32x128xf16, #tpu.memory_space<vmem_shared>> -> memref<1x1x4x32x128xf16, #tpu.memory_space<vmem_shared>>
      %dma_start3A_906 = tpu.memref_squeeze %dma_start3A_905 : memref<1x1x4x32x128xf16, #tpu.memory_space<vmem_shared>> -> memref<4x32x128xf16, #tpu.memory_space<vmem_shared>>
      %dma_start3A_907 = arith.constant 8 : i32
      %dma_start3A_908 = arith.constant 0 : i32
      %dma_start3A_909 = arith.constant 0 : i32
      %dma_start3A_910 = tpu.memref_slice %arg4[%dma_start3A_901, %select_n3A, %dma_start3A_907, %dma_start3A_908, %dma_start3A_909] : memref<1x8x16x32x128xf16, #tpu.memory_space<hbm>> -> memref<1x1x4x32x128xf16, #tpu.memory_space<hbm>>
      %dma_start3A_911 = tpu.memref_squeeze %dma_start3A_910 : memref<1x1x4x32x128xf16, #tpu.memory_space<hbm>> -> memref<4x32x128xf16, #tpu.memory_space<hbm>>
      tpu.enqueue_dma source(%dma_start3A_911 : memref<4x32x128xf16, #tpu.memory_space<hbm>>) target(%dma_start3A_906 : memref<4x32x128xf16, #tpu.memory_space<vmem_shared>>) target_semaphore(%arg11 : memref<!tpu.dma_semaphore, #tpu.memory_space<semaphore_mem>>)
      %dma_start3A_912 = arith.constant 0 : i32
      %dma_start3A_913 = arith.constant 0 : i32
      %dma_start3A_914 = arith.constant 0 : i32
      %dma_start3A_915 = arith.constant 0 : i32
      %dma_start3A_916 = tpu.memref_slice %arg8[%arg1, %cond3A_867, %dma_start3A_913, %dma_start3A_914, %dma_start3A_915] : memref<16x8x4x32x128xf16, #tpu.memory_space<vmem_shared>> -> memref<1x1x4x32x128xf16, #tpu.memory_space<vmem_shared>>
      %dma_start3A_917 = tpu.memref_squeeze %dma_start3A_916 : memref<1x1x4x32x128xf16, #tpu.memory_space<vmem_shared>> -> memref<4x32x128xf16, #tpu.memory_space<vmem_shared>>
      %dma_start3A_918 = arith.constant 12 : i32
      %dma_start3A_919 = arith.constant 0 : i32
      %dma_start3A_920 = arith.constant 0 : i32
      %dma_start3A_921 = tpu.memref_slice %arg4[%dma_start3A_912, %select_n3A, %dma_start3A_918, %dma_start3A_919, %dma_start3A_920] : memref<1x8x16x32x128xf16, #tpu.memory_space<hbm>> -> memref<1x1x4x32x128xf16, #tpu.memory_space<hbm>>
      %dma_start3A_922 = tpu.memref_squeeze %dma_start3A_921 : memref<1x1x4x32x128xf16, #tpu.memory_space<hbm>> -> memref<4x32x128xf16, #tpu.memory_space<hbm>>
      tpu.enqueue_dma source(%dma_start3A_922 : memref<4x32x128xf16, #tpu.memory_space<hbm>>) target(%dma_start3A_917 : memref<4x32x128xf16, #tpu.memory_space<vmem_shared>>) target_semaphore(%arg12 : memref<!tpu.dma_semaphore, #tpu.memory_space<semaphore_mem>>)
      %dma_wait3A_923 = arith.constant 0 : i32
      %dma_wait3A_924 = arith.constant 0 : i32
      %dma_wait3A_925 = arith.constant 0 : i32
      %dma_wait3A_926 = arith.constant 0 : i32
      %dma_wait3A_927 = tpu.memref_slice %arg8[%arg1, %cond3A, %dma_wait3A_924, %dma_wait3A_925, %dma_wait3A_926] : memref<16x8x4x32x128xf16, #tpu.memory_space<vmem_shared>> -> memref<1x1x4x32x128xf16, #tpu.memory_space<vmem_shared>>
      %dma_wait3A_928 = tpu.memref_squeeze %dma_wait3A_927 : memref<1x1x4x32x128xf16, #tpu.memory_space<vmem_shared>> -> memref<4x32x128xf16, #tpu.memory_space<vmem_shared>>
      %dma_wait3A_929 = arith.constant 0 : i32
      %dma_wait3A_930 = arith.constant 0 : i32
      %dma_wait3A_931 = arith.constant 0 : i32
      %dma_wait3A_932 = tpu.memref_slice %arg4[%dma_wait3A_923, %select_n3A, %dma_wait3A_929, %dma_wait3A_930, %dma_wait3A_931] : memref<1x8x16x32x128xf16, #tpu.memory_space<hbm>> -> memref<1x1x4x32x128xf16, #tpu.memory_space<hbm>>
      %dma_wait3A_933 = tpu.memref_squeeze %dma_wait3A_932 : memref<1x1x4x32x128xf16, #tpu.memory_space<hbm>> -> memref<4x32x128xf16, #tpu.memory_space<hbm>>
      tpu.wait_dma2 semaphore(%arg9 : memref<!tpu.dma_semaphore, #tpu.memory_space<semaphore_mem>>) src(%dma_wait3A_933 : memref<4x32x128xf16, #tpu.memory_space<hbm>>) dst(%dma_wait3A_928 : memref<4x32x128xf16, #tpu.memory_space<vmem_shared>>)
      %dma_start3A_934 = arith.constant 0 : i32
      %dma_start3A_935 = arith.constant 2048 : i32
      %dma_start3A_936 = arith.constant 0 : i32
      %dma_start3A_937 = arith.constant 0 : i32
      %dma_start3A_938 = tpu.memref_slice %arg6[%dma_start3A_934, %select_n3A, %dma_start3A_935, %dma_start3A_936, %dma_start3A_937] : memref<1x8x2064x32x128xf16, #tpu.memory_space<hbm>> -> memref<1x1x4x32x128xf16, #tpu.memory_space<hbm>>
      %dma_start3A_939 = tpu.memref_squeeze %dma_start3A_938 : memref<1x1x4x32x128xf16, #tpu.memory_space<hbm>> -> memref<4x32x128xf16, #tpu.memory_space<hbm>>
      %dma_start3A_940 = arith.constant 0 : i32
      %dma_start3A_941 = arith.constant 0 : i32
      %dma_start3A_942 = arith.constant 0 : i32
      %dma_start3A_943 = tpu.memref_slice %arg8[%arg1, %cond3A, %dma_start3A_940, %dma_start3A_941, %dma_start3A_942] : memref<16x8x4x32x128xf16, #tpu.memory_space<vmem_shared>> -> memref<1x1x4x32x128xf16, #tpu.memory_space<vmem_shared>>
      %dma_start3A_944 = tpu.memref_squeeze %dma_start3A_943 : memref<1x1x4x32x128xf16, #tpu.memory_space<vmem_shared>> -> memref<4x32x128xf16, #tpu.memory_space<vmem_shared>>
      tpu.enqueue_dma source(%dma_start3A_944 : memref<4x32x128xf16, #tpu.memory_space<vmem_shared>>) target(%dma_start3A_939 : memref<4x32x128xf16, #tpu.memory_space<hbm>>) target_semaphore(%arg17 : memref<!tpu.dma_semaphore, #tpu.memory_space<semaphore_mem>>)
      %dma_wait3A_945 = arith.constant 0 : i32
      %dma_wait3A_946 = arith.constant 0 : i32
      %dma_wait3A_947 = arith.constant 0 : i32
      %dma_wait3A_948 = arith.constant 0 : i32
      %dma_wait3A_949 = tpu.memref_slice %arg8[%arg1, %cond3A_865, %dma_wait3A_946, %dma_wait3A_947, %dma_wait3A_948] : memref<16x8x4x32x128xf16, #tpu.memory_space<vmem_shared>> -> memref<1x1x4x32x128xf16, #tpu.memory_space<vmem_shared>>
      %dma_wait3A_950 = tpu.memref_squeeze %dma_wait3A_949 : memref<1x1x4x32x128xf16, #tpu.memory_space<vmem_shared>> -> memref<4x32x128xf16, #tpu.memory_space<vmem_shared>>
      %dma_wait3A_951 = arith.constant 4 : i32
      %dma_wait3A_952 = arith.constant 0 : i32
      %dma_wait3A_953 = arith.constant 0 : i32
      %dma_wait3A_954 = tpu.memref_slice %arg4[%dma_wait3A_945, %select_n3A, %dma_wait3A_951, %dma_wait3A_952, %dma_wait3A_953] : memref<1x8x16x32x128xf16, #tpu.memory_space<hbm>> -> memref<1x1x4x32x128xf16, #tpu.memory_space<hbm>>
      %dma_wait3A_955 = tpu.memref_squeeze %dma_wait3A_954 : memref<1x1x4x32x128xf16, #tpu.memory_space<hbm>> -> memref<4x32x128xf16, #tpu.memory_space<hbm>>
      tpu.wait_dma2 semaphore(%arg10 : memref<!tpu.dma_semaphore, #tpu.memory_space<semaphore_mem>>) src(%dma_wait3A_955 : memref<4x32x128xf16, #tpu.memory_space<hbm>>) dst(%dma_wait3A_950 : memref<4x32x128xf16, #tpu.memory_space<vmem_shared>>)
      %dma_start3A_956 = arith.constant 0 : i32
      %dma_start3A_957 = arith.constant 2052 : i32
      %dma_start3A_958 = arith.constant 0 : i32
      %dma_start3A_959 = arith.constant 0 : i32
      %dma_start3A_960 = tpu.memref_slice %arg6[%dma_start3A_956, %select_n3A, %dma_start3A_957, %dma_start3A_958, %dma_start3A_959] : memref<1x8x2064x32x128xf16, #tpu.memory_space<hbm>> -> memref<1x1x4x32x128xf16, #tpu.memory_space<hbm>>
      %dma_start3A_961 = tpu.memref_squeeze %dma_start3A_960 : memref<1x1x4x32x128xf16, #tpu.memory_space<hbm>> -> memref<4x32x128xf16, #tpu.memory_space<hbm>>
      %dma_start3A_962 = arith.constant 0 : i32
      %dma_start3A_963 = arith.constant 0 : i32
      %dma_start3A_964 = arith.constant 0 : i32
      %dma_start3A_965 = tpu.memref_slice %arg8[%arg1, %cond3A_865, %dma_start3A_962, %dma_start3A_963, %dma_start3A_964] : memref<16x8x4x32x128xf16, #tpu.memory_space<vmem_shared>> -> memref<1x1x4x32x128xf16, #tpu.memory_space<vmem_shared>>
      %dma_start3A_966 = tpu.memref_squeeze %dma_start3A_965 : memref<1x1x4x32x128xf16, #tpu.memory_space<vmem_shared>> -> memref<4x32x128xf16, #tpu.memory_space<vmem_shared>>
      tpu.enqueue_dma source(%dma_start3A_966 : memref<4x32x128xf16, #tpu.memory_space<vmem_shared>>) target(%dma_start3A_961 : memref<4x32x128xf16, #tpu.memory_space<hbm>>) target_semaphore(%arg18 : memref<!tpu.dma_semaphore, #tpu.memory_space<semaphore_mem>>)
      %dma_wait3A_967 = arith.constant 0 : i32
      %dma_wait3A_968 = arith.constant 0 : i32
      %dma_wait3A_969 = arith.constant 0 : i32
      %dma_wait3A_970 = arith.constant 0 : i32
      %dma_wait3A_971 = tpu.memref_slice %arg8[%arg1, %cond3A_866, %dma_wait3A_968, %dma_wait3A_969, %dma_wait3A_970] : memref<16x8x4x32x128xf16, #tpu.memory_space<vmem_shared>> -> memref<1x1x4x32x128xf16, #tpu.memory_space<vmem_shared>>
      %dma_wait3A_972 = tpu.memref_squeeze %dma_wait3A_971 : memref<1x1x4x32x128xf16, #tpu.memory_space<vmem_shared>> -> memref<4x32x128xf16, #tpu.memory_space<vmem_shared>>
      %dma_wait3A_973 = arith.constant 8 : i32
      %dma_wait3A_974 = arith.constant 0 : i32
      %dma_wait3A_975 = arith.constant 0 : i32
      %dma_wait3A_976 = tpu.memref_slice %arg4[%dma_wait3A_967, %select_n3A, %dma_wait3A_973, %dma_wait3A_974, %dma_wait3A_975] : memref<1x8x16x32x128xf16, #tpu.memory_space<hbm>> -> memref<1x1x4x32x128xf16, #tpu.memory_space<hbm>>
      %dma_wait3A_977 = tpu.memref_squeeze %dma_wait3A_976 : memref<1x1x4x32x128xf16, #tpu.memory_space<hbm>> -> memref<4x32x128xf16, #tpu.memory_space<hbm>>
      tpu.wait_dma2 semaphore(%arg11 : memref<!tpu.dma_semaphore, #tpu.memory_space<semaphore_mem>>) src(%dma_wait3A_977 : memref<4x32x128xf16, #tpu.memory_space<hbm>>) dst(%dma_wait3A_972 : memref<4x32x128xf16, #tpu.memory_space<vmem_shared>>)
      %dma_start3A_978 = arith.constant 0 : i32
      %dma_start3A_979 = arith.constant 2056 : i32
      %dma_start3A_980 = arith.constant 0 : i32
      %dma_start3A_981 = arith.constant 0 : i32
      %dma_start3A_982 = tpu.memref_slice %arg6[%dma_start3A_978, %select_n3A, %dma_start3A_979, %dma_start3A_980, %dma_start3A_981] : memref<1x8x2064x32x128xf16, #tpu.memory_space<hbm>> -> memref<1x1x4x32x128xf16, #tpu.memory_space<hbm>>
      %dma_start3A_983 = tpu.memref_squeeze %dma_start3A_982 : memref<1x1x4x32x128xf16, #tpu.memory_space<hbm>> -> memref<4x32x128xf16, #tpu.memory_space<hbm>>
      %dma_start3A_984 = arith.constant 0 : i32
      %dma_start3A_985 = arith.constant 0 : i32
      %dma_start3A_986 = arith.constant 0 : i32
      %dma_start3A_987 = tpu.memref_slice %arg8[%arg1, %cond3A_866, %dma_start3A_984, %dma_start3A_985, %dma_start3A_986] : memref<16x8x4x32x128xf16, #tpu.memory_space<vmem_shared>> -> memref<1x1x4x32x128xf16, #tpu.memory_space<vmem_shared>>
      %dma_start3A_988 = tpu.memref_squeeze %dma_start3A_987 : memref<1x1x4x32x128xf16, #tpu.memory_space<vmem_shared>> -> memref<4x32x128xf16, #tpu.memory_space<vmem_shared>>
      tpu.enqueue_dma source(%dma_start3A_988 : memref<4x32x128xf16, #tpu.memory_space<vmem_shared>>) target(%dma_start3A_983 : memref<4x32x128xf16, #tpu.memory_space<hbm>>) target_semaphore(%arg19 : memref<!tpu.dma_semaphore, #tpu.memory_space<semaphore_mem>>)
      %dma_wait3A_989 = arith.constant 0 : i32
      %dma_wait3A_990 = arith.constant 0 : i32
      %dma_wait3A_991 = arith.constant 0 : i32
      %dma_wait3A_992 = arith.constant 0 : i32
      %dma_wait3A_993 = tpu.memref_slice %arg8[%arg1, %cond3A_867, %dma_wait3A_990, %dma_wait3A_991, %dma_wait3A_992] : memref<16x8x4x32x128xf16, #tpu.memory_space<vmem_shared>> -> memref<1x1x4x32x128xf16, #tpu.memory_space<vmem_shared>>
      %dma_wait3A_994 = tpu.memref_squeeze %dma_wait3A_993 : memref<1x1x4x32x128xf16, #tpu.memory_space<vmem_shared>> -> memref<4x32x128xf16, #tpu.memory_space<vmem_shared>>
      %dma_wait3A_995 = arith.constant 12 : i32
      %dma_wait3A_996 = arith.constant 0 : i32
      %dma_wait3A_997 = arith.constant 0 : i32
      %dma_wait3A_998 = tpu.memref_slice %arg4[%dma_wait3A_989, %select_n3A, %dma_wait3A_995, %dma_wait3A_996, %dma_wait3A_997] : memref<1x8x16x32x128xf16, #tpu.memory_space<hbm>> -> memref<1x1x4x32x128xf16, #tpu.memory_space<hbm>>
      %dma_wait3A_999 = tpu.memref_squeeze %dma_wait3A_998 : memref<1x1x4x32x128xf16, #tpu.memory_space<hbm>> -> memref<4x32x128xf16, #tpu.memory_space<hbm>>
      tpu.wait_dma2 semaphore(%arg12 : memref<!tpu.dma_semaphore, #tpu.memory_space<semaphore_mem>>) src(%dma_wait3A_999 : memref<4x32x128xf16, #tpu.memory_space<hbm>>) dst(%dma_wait3A_994 : memref<4x32x128xf16, #tpu.memory_space<vmem_shared>>)
      %dma_start3A_1000 = arith.constant 0 : i32
      %dma_start3A_1001 = arith.constant 2060 : i32
      %dma_start3A_1002 = arith.constant 0 : i32
      %dma_start3A_1003 = arith.constant 0 : i32
      %dma_start3A_1004 = tpu.memref_slice %arg6[%dma_start3A_1000, %select_n3A, %dma_start3A_1001, %dma_start3A_1002, %dma_start3A_1003] : memref<1x8x2064x32x128xf16, #tpu.memory_space<hbm>> -> memref<1x1x4x32x128xf16, #tpu.memory_space<hbm>>
      %dma_start3A_1005 = tpu.memref_squeeze %dma_start3A_1004 : memref<1x1x4x32x128xf16, #tpu.memory_space<hbm>> -> memref<4x32x128xf16, #tpu.memory_space<hbm>>
      %dma_start3A_1006 = arith.constant 0 : i32
      %dma_start3A_1007 = arith.constant 0 : i32
      %dma_start3A_1008 = arith.constant 0 : i32
      %dma_start3A_1009 = tpu.memref_slice %arg8[%arg1, %cond3A_867, %dma_start3A_1006, %dma_start3A_1007, %dma_start3A_1008] : memref<16x8x4x32x128xf16, #tpu.memory_space<vmem_shared>> -> memref<1x1x4x32x128xf16, #tpu.memory_space<vmem_shared>>
      %dma_start3A_1010 = tpu.memref_squeeze %dma_start3A_1009 : memref<1x1x4x32x128xf16, #tpu.memory_space<vmem_shared>> -> memref<4x32x128xf16, #tpu.memory_space<vmem_shared>>
      tpu.enqueue_dma source(%dma_start3A_1010 : memref<4x32x128xf16, #tpu.memory_space<vmem_shared>>) target(%dma_start3A_1005 : memref<4x32x128xf16, #tpu.memory_space<hbm>>) target_semaphore(%arg20 : memref<!tpu.dma_semaphore, #tpu.memory_space<semaphore_mem>>)
      %dma_wait3A_1011 = arith.constant 0 : i32
      %dma_wait3A_1012 = arith.constant 2048 : i32
      %dma_wait3A_1013 = arith.constant 0 : i32
      %dma_wait3A_1014 = arith.constant 0 : i32
      %dma_wait3A_1015 = tpu.memref_slice %arg6[%dma_wait3A_1011, %select_n3A, %dma_wait3A_1012, %dma_wait3A_1013, %dma_wait3A_1014] : memref<1x8x2064x32x128xf16, #tpu.memory_space<hbm>> -> memref<1x1x4x32x128xf16, #tpu.memory_space<hbm>>
      %dma_wait3A_1016 = tpu.memref_squeeze %dma_wait3A_1015 : memref<1x1x4x32x128xf16, #tpu.memory_space<hbm>> -> memref<4x32x128xf16, #tpu.memory_space<hbm>>
      %dma_wait3A_1017 = arith.constant 0 : i32
      %dma_wait3A_1018 = arith.constant 0 : i32
      %dma_wait3A_1019 = arith.constant 0 : i32
      %dma_wait3A_1020 = tpu.memref_slice %arg8[%arg1, %cond3A, %dma_wait3A_1017, %dma_wait3A_1018, %dma_wait3A_1019] : memref<16x8x4x32x128xf16, #tpu.memory_space<vmem_shared>> -> memref<1x1x4x32x128xf16, #tpu.memory_space<vmem_shared>>
      %dma_wait3A_1021 = tpu.memref_squeeze %dma_wait3A_1020 : memref<1x1x4x32x128xf16, #tpu.memory_space<vmem_shared>> -> memref<4x32x128xf16, #tpu.memory_space<vmem_shared>>
      tpu.wait_dma2 semaphore(%arg17 : memref<!tpu.dma_semaphore, #tpu.memory_space<semaphore_mem>>) src(%dma_wait3A_1021 : memref<4x32x128xf16, #tpu.memory_space<vmem_shared>>) dst(%dma_wait3A_1016 : memref<4x32x128xf16, #tpu.memory_space<hbm>>)
      %dma_wait3A_1022 = arith.constant 0 : i32
      %dma_wait3A_1023 = arith.constant 2052 : i32
      %dma_wait3A_1024 = arith.constant 0 : i32
      %dma_wait3A_1025 = arith.constant 0 : i32
      %dma_wait3A_1026 = tpu.memref_slice %arg6[%dma_wait3A_1022, %select_n3A, %dma_wait3A_1023, %dma_wait3A_1024, %dma_wait3A_1025] : memref<1x8x2064x32x128xf16, #tpu.memory_space<hbm>> -> memref<1x1x4x32x128xf16, #tpu.memory_space<hbm>>
      %dma_wait3A_1027 = tpu.memref_squeeze %dma_wait3A_1026 : memref<1x1x4x32x128xf16, #tpu.memory_space<hbm>> -> memref<4x32x128xf16, #tpu.memory_space<hbm>>
      %dma_wait3A_1028 = arith.constant 0 : i32
      %dma_wait3A_1029 = arith.constant 0 : i32
      %dma_wait3A_1030 = arith.constant 0 : i32
      %dma_wait3A_1031 = tpu.memref_slice %arg8[%arg1, %cond3A_865, %dma_wait3A_1028, %dma_wait3A_1029, %dma_wait3A_1030] : memref<16x8x4x32x128xf16, #tpu.memory_space<vmem_shared>> -> memref<1x1x4x32x128xf16, #tpu.memory_space<vmem_shared>>
      %dma_wait3A_1032 = tpu.memref_squeeze %dma_wait3A_1031 : memref<1x1x4x32x128xf16, #tpu.memory_space<vmem_shared>> -> memref<4x32x128xf16, #tpu.memory_space<vmem_shared>>
      tpu.wait_dma2 semaphore(%arg18 : memref<!tpu.dma_semaphore, #tpu.memory_space<semaphore_mem>>) src(%dma_wait3A_1032 : memref<4x32x128xf16, #tpu.memory_space<vmem_shared>>) dst(%dma_wait3A_1027 : memref<4x32x128xf16, #tpu.memory_space<hbm>>)
      %dma_wait3A_1033 = arith.constant 0 : i32
      %dma_wait3A_1034 = arith.constant 2056 : i32
      %dma_wait3A_1035 = arith.constant 0 : i32
      %dma_wait3A_1036 = arith.constant 0 : i32
      %dma_wait3A_1037 = tpu.memref_slice %arg6[%dma_wait3A_1033, %select_n3A, %dma_wait3A_1034, %dma_wait3A_1035, %dma_wait3A_1036] : memref<1x8x2064x32x128xf16, #tpu.memory_space<hbm>> -> memref<1x1x4x32x128xf16, #tpu.memory_space<hbm>>
      %dma_wait3A_1038 = tpu.memref_squeeze %dma_wait3A_1037 : memref<1x1x4x32x128xf16, #tpu.memory_space<hbm>> -> memref<4x32x128xf16, #tpu.memory_space<hbm>>
      %dma_wait3A_1039 = arith.constant 0 : i32
      %dma_wait3A_1040 = arith.constant 0 : i32
      %dma_wait3A_1041 = arith.constant 0 : i32
      %dma_wait3A_1042 = tpu.memref_slice %arg8[%arg1, %cond3A_866, %dma_wait3A_1039, %dma_wait3A_1040, %dma_wait3A_1041] : memref<16x8x4x32x128xf16, #tpu.memory_space<vmem_shared>> -> memref<1x1x4x32x128xf16, #tpu.memory_space<vmem_shared>>
      %dma_wait3A_1043 = tpu.memref_squeeze %dma_wait3A_1042 : memref<1x1x4x32x128xf16, #tpu.memory_space<vmem_shared>> -> memref<4x32x128xf16, #tpu.memory_space<vmem_shared>>
      tpu.wait_dma2 semaphore(%arg19 : memref<!tpu.dma_semaphore, #tpu.memory_space<semaphore_mem>>) src(%dma_wait3A_1043 : memref<4x32x128xf16, #tpu.memory_space<vmem_shared>>) dst(%dma_wait3A_1038 : memref<4x32x128xf16, #tpu.memory_space<hbm>>)
      %dma_wait3A_1044 = arith.constant 0 : i32
      %dma_wait3A_1045 = arith.constant 2060 : i32
      %dma_wait3A_1046 = arith.constant 0 : i32
      %dma_wait3A_1047 = arith.constant 0 : i32
      %dma_wait3A_1048 = tpu.memref_slice %arg6[%dma_wait3A_1044, %select_n3A, %dma_wait3A_1045, %dma_wait3A_1046, %dma_wait3A_1047] : memref<1x8x2064x32x128xf16, #tpu.memory_space<hbm>> -> memref<1x1x4x32x128xf16, #tpu.memory_space<hbm>>
      %dma_wait3A_1049 = tpu.memref_squeeze %dma_wait3A_1048 : memref<1x1x4x32x128xf16, #tpu.memory_space<hbm>> -> memref<4x32x128xf16, #tpu.memory_space<hbm>>
      %dma_wait3A_1050 = arith.constant 0 : i32
      %dma_wait3A_1051 = arith.constant 0 : i32
      %dma_wait3A_1052 = arith.constant 0 : i32
      %dma_wait3A_1053 = tpu.memref_slice %arg8[%arg1, %cond3A_867, %dma_wait3A_1050, %dma_wait3A_1051, %dma_wait3A_1052] : memref<16x8x4x32x128xf16, #tpu.memory_space<vmem_shared>> -> memref<1x1x4x32x128xf16, #tpu.memory_space<vmem_shared>>
      %dma_wait3A_1054 = tpu.memref_squeeze %dma_wait3A_1053 : memref<1x1x4x32x128xf16, #tpu.memory_space<vmem_shared>> -> memref<4x32x128xf16, #tpu.memory_space<vmem_shared>>
      tpu.wait_dma2 semaphore(%arg20 : memref<!tpu.dma_semaphore, #tpu.memory_space<semaphore_mem>>) src(%dma_wait3A_1054 : memref<4x32x128xf16, #tpu.memory_space<vmem_shared>>) dst(%dma_wait3A_1049 : memref<4x32x128xf16, #tpu.memory_space<hbm>>)
    } else {
    }
    %eq3A_870 = arith.constant 1 : i32
    %eq3A_871 = arith.cmpi eq, %rem3A_18, %eq3A_870 : i32
    %convert_element_type3A_872 = arith.extui %eq3A_871 : i1 to i32
    %cond3A_873 = arith.constant 0 : i32
    %cond3A_874 = arith.constant 1 : i32
    %cond3A_875 = arith.constant 2 : i32
    %cond3A_876 = arith.constant 3 : i32
    %cond3A_877 = arith.constant 0 : i32
    %cond3A_878 = arith.cmpi ne, %convert_element_type3A_872, %cond3A_877 : i32
    scf.if %cond3A_878 {
      %dma_start3A_879 = arith.constant 0 : i32
      %dma_start3A_880 = arith.constant 0 : i32
      %dma_start3A_881 = arith.constant 0 : i32
      %dma_start3A_882 = arith.constant 0 : i32
      %dma_start3A_883 = tpu.memref_slice %arg8[%arg1, %cond3A_873, %dma_start3A_880, %dma_start3A_881, %dma_start3A_882] : memref<16x8x4x32x128xf16, #tpu.memory_space<vmem_shared>> -> memref<1x1x4x32x128xf16, #tpu.memory_space<vmem_shared>>
      %dma_start3A_884 = tpu.memref_squeeze %dma_start3A_883 : memref<1x1x4x32x128xf16, #tpu.memory_space<vmem_shared>> -> memref<4x32x128xf16, #tpu.memory_space<vmem_shared>>
      %dma_start3A_885 = arith.constant 0 : i32
      %dma_start3A_886 = arith.constant 0 : i32
      %dma_start3A_887 = arith.constant 0 : i32
      %dma_start3A_888 = tpu.memref_slice %arg5[%dma_start3A_879, %select_n3A, %dma_start3A_885, %dma_start3A_886, %dma_start3A_887] : memref<1x8x16x32x128xf16, #tpu.memory_space<hbm>> -> memref<1x1x4x32x128xf16, #tpu.memory_space<hbm>>
      %dma_start3A_889 = tpu.memref_squeeze %dma_start3A_888 : memref<1x1x4x32x128xf16, #tpu.memory_space<hbm>> -> memref<4x32x128xf16, #tpu.memory_space<hbm>>
      tpu.enqueue_dma source(%dma_start3A_889 : memref<4x32x128xf16, #tpu.memory_space<hbm>>) target(%dma_start3A_884 : memref<4x32x128xf16, #tpu.memory_space<vmem_shared>>) target_semaphore(%arg9 : memref<!tpu.dma_semaphore, #tpu.memory_space<semaphore_mem>>)
      %dma_start3A_890 = arith.constant 0 : i32
      %dma_start3A_891 = arith.constant 0 : i32
      %dma_start3A_892 = arith.constant 0 : i32
      %dma_start3A_893 = arith.constant 0 : i32
      %dma_start3A_894 = tpu.memref_slice %arg8[%arg1, %cond3A_874, %dma_start3A_891, %dma_start3A_892, %dma_start3A_893] : memref<16x8x4x32x128xf16, #tpu.memory_space<vmem_shared>> -> memref<1x1x4x32x128xf16, #tpu.memory_space<vmem_shared>>
      %dma_start3A_895 = tpu.memref_squeeze %dma_start3A_894 : memref<1x1x4x32x128xf16, #tpu.memory_space<vmem_shared>> -> memref<4x32x128xf16, #tpu.memory_space<vmem_shared>>
      %dma_start3A_896 = arith.constant 4 : i32
      %dma_start3A_897 = arith.constant 0 : i32
      %dma_start3A_898 = arith.constant 0 : i32
      %dma_start3A_899 = tpu.memref_slice %arg5[%dma_start3A_890, %select_n3A, %dma_start3A_896, %dma_start3A_897, %dma_start3A_898] : memref<1x8x16x32x128xf16, #tpu.memory_space<hbm>> -> memref<1x1x4x32x128xf16, #tpu.memory_space<hbm>>
      %dma_start3A_900 = tpu.memref_squeeze %dma_start3A_899 : memref<1x1x4x32x128xf16, #tpu.memory_space<hbm>> -> memref<4x32x128xf16, #tpu.memory_space<hbm>>
      tpu.enqueue_dma source(%dma_start3A_900 : memref<4x32x128xf16, #tpu.memory_space<hbm>>) target(%dma_start3A_895 : memref<4x32x128xf16, #tpu.memory_space<vmem_shared>>) target_semaphore(%arg10 : memref<!tpu.dma_semaphore, #tpu.memory_space<semaphore_mem>>)
      %dma_start3A_901 = arith.constant 0 : i32
      %dma_start3A_902 = arith.constant 0 : i32
      %dma_start3A_903 = arith.constant 0 : i32
      %dma_start3A_904 = arith.constant 0 : i32
      %dma_start3A_905 = tpu.memref_slice %arg8[%arg1, %cond3A_875, %dma_start3A_902, %dma_start3A_903, %dma_start3A_904] : memref<16x8x4x32x128xf16, #tpu.memory_space<vmem_shared>> -> memref<1x1x4x32x128xf16, #tpu.memory_space<vmem_shared>>
      %dma_start3A_906 = tpu.memref_squeeze %dma_start3A_905 : memref<1x1x4x32x128xf16, #tpu.memory_space<vmem_shared>> -> memref<4x32x128xf16, #tpu.memory_space<vmem_shared>>
      %dma_start3A_907 = arith.constant 8 : i32
      %dma_start3A_908 = arith.constant 0 : i32
      %dma_start3A_909 = arith.constant 0 : i32
      %dma_start3A_910 = tpu.memref_slice %arg5[%dma_start3A_901, %select_n3A, %dma_start3A_907, %dma_start3A_908, %dma_start3A_909] : memref<1x8x16x32x128xf16, #tpu.memory_space<hbm>> -> memref<1x1x4x32x128xf16, #tpu.memory_space<hbm>>
      %dma_start3A_911 = tpu.memref_squeeze %dma_start3A_910 : memref<1x1x4x32x128xf16, #tpu.memory_space<hbm>> -> memref<4x32x128xf16, #tpu.memory_space<hbm>>
      tpu.enqueue_dma source(%dma_start3A_911 : memref<4x32x128xf16, #tpu.memory_space<hbm>>) target(%dma_start3A_906 : memref<4x32x128xf16, #tpu.memory_space<vmem_shared>>) target_semaphore(%arg11 : memref<!tpu.dma_semaphore, #tpu.memory_space<semaphore_mem>>)
      %dma_start3A_912 = arith.constant 0 : i32
      %dma_start3A_913 = arith.constant 0 : i32
      %dma_start3A_914 = arith.constant 0 : i32
      %dma_start3A_915 = arith.constant 0 : i32
      %dma_start3A_916 = tpu.memref_slice %arg8[%arg1, %cond3A_876, %dma_start3A_913, %dma_start3A_914, %dma_start3A_915] : memref<16x8x4x32x128xf16, #tpu.memory_space<vmem_shared>> -> memref<1x1x4x32x128xf16, #tpu.memory_space<vmem_shared>>
      %dma_start3A_917 = tpu.memref_squeeze %dma_start3A_916 : memref<1x1x4x32x128xf16, #tpu.memory_space<vmem_shared>> -> memref<4x32x128xf16, #tpu.memory_space<vmem_shared>>
      %dma_start3A_918 = arith.constant 12 : i32
      %dma_start3A_919 = arith.constant 0 : i32
      %dma_start3A_920 = arith.constant 0 : i32
      %dma_start3A_921 = tpu.memref_slice %arg5[%dma_start3A_912, %select_n3A, %dma_start3A_918, %dma_start3A_919, %dma_start3A_920] : memref<1x8x16x32x128xf16, #tpu.memory_space<hbm>> -> memref<1x1x4x32x128xf16, #tpu.memory_space<hbm>>
      %dma_start3A_922 = tpu.memref_squeeze %dma_start3A_921 : memref<1x1x4x32x128xf16, #tpu.memory_space<hbm>> -> memref<4x32x128xf16, #tpu.memory_space<hbm>>
      tpu.enqueue_dma source(%dma_start3A_922 : memref<4x32x128xf16, #tpu.memory_space<hbm>>) target(%dma_start3A_917 : memref<4x32x128xf16, #tpu.memory_space<vmem_shared>>) target_semaphore(%arg12 : memref<!tpu.dma_semaphore, #tpu.memory_space<semaphore_mem>>)
      %dma_wait3A_923 = arith.constant 0 : i32
      %dma_wait3A_924 = arith.constant 0 : i32
      %dma_wait3A_925 = arith.constant 0 : i32
      %dma_wait3A_926 = arith.constant 0 : i32
      %dma_wait3A_927 = tpu.memref_slice %arg8[%arg1, %cond3A_873, %dma_wait3A_924, %dma_wait3A_925, %dma_wait3A_926] : memref<16x8x4x32x128xf16, #tpu.memory_space<vmem_shared>> -> memref<1x1x4x32x128xf16, #tpu.memory_space<vmem_shared>>
      %dma_wait3A_928 = tpu.memref_squeeze %dma_wait3A_927 : memref<1x1x4x32x128xf16, #tpu.memory_space<vmem_shared>> -> memref<4x32x128xf16, #tpu.memory_space<vmem_shared>>
      %dma_wait3A_929 = arith.constant 0 : i32
      %dma_wait3A_930 = arith.constant 0 : i32
      %dma_wait3A_931 = arith.constant 0 : i32
      %dma_wait3A_932 = tpu.memref_slice %arg5[%dma_wait3A_923, %select_n3A, %dma_wait3A_929, %dma_wait3A_930, %dma_wait3A_931] : memref<1x8x16x32x128xf16, #tpu.memory_space<hbm>> -> memref<1x1x4x32x128xf16, #tpu.memory_space<hbm>>
      %dma_wait3A_933 = tpu.memref_squeeze %dma_wait3A_932 : memref<1x1x4x32x128xf16, #tpu.memory_space<hbm>> -> memref<4x32x128xf16, #tpu.memory_space<hbm>>
      tpu.wait_dma2 semaphore(%arg9 : memref<!tpu.dma_semaphore, #tpu.memory_space<semaphore_mem>>) src(%dma_wait3A_933 : memref<4x32x128xf16, #tpu.memory_space<hbm>>) dst(%dma_wait3A_928 : memref<4x32x128xf16, #tpu.memory_space<vmem_shared>>)
      %dma_start3A_934 = arith.constant 0 : i32
      %dma_start3A_935 = arith.constant 2048 : i32
      %dma_start3A_936 = arith.constant 0 : i32
      %dma_start3A_937 = arith.constant 0 : i32
      %dma_start3A_938 = tpu.memref_slice %arg7[%dma_start3A_934, %select_n3A, %dma_start3A_935, %dma_start3A_936, %dma_start3A_937] : memref<1x8x2064x32x128xf16, #tpu.memory_space<hbm>> -> memref<1x1x4x32x128xf16, #tpu.memory_space<hbm>>
      %dma_start3A_939 = tpu.memref_squeeze %dma_start3A_938 : memref<1x1x4x32x128xf16, #tpu.memory_space<hbm>> -> memref<4x32x128xf16, #tpu.memory_space<hbm>>
      %dma_start3A_940 = arith.constant 0 : i32
      %dma_start3A_941 = arith.constant 0 : i32
      %dma_start3A_942 = arith.constant 0 : i32
      %dma_start3A_943 = tpu.memref_slice %arg8[%arg1, %cond3A_873, %dma_start3A_940, %dma_start3A_941, %dma_start3A_942] : memref<16x8x4x32x128xf16, #tpu.memory_space<vmem_shared>> -> memref<1x1x4x32x128xf16, #tpu.memory_space<vmem_shared>>
      %dma_start3A_944 = tpu.memref_squeeze %dma_start3A_943 : memref<1x1x4x32x128xf16, #tpu.memory_space<vmem_shared>> -> memref<4x32x128xf16, #tpu.memory_space<vmem_shared>>
      tpu.enqueue_dma source(%dma_start3A_944 : memref<4x32x128xf16, #tpu.memory_space<vmem_shared>>) target(%dma_start3A_939 : memref<4x32x128xf16, #tpu.memory_space<hbm>>) target_semaphore(%arg17 : memref<!tpu.dma_semaphore, #tpu.memory_space<semaphore_mem>>)
      %dma_wait3A_945 = arith.constant 0 : i32
      %dma_wait3A_946 = arith.constant 0 : i32
      %dma_wait3A_947 = arith.constant 0 : i32
      %dma_wait3A_948 = arith.constant 0 : i32
      %dma_wait3A_949 = tpu.memref_slice %arg8[%arg1, %cond3A_874, %dma_wait3A_946, %dma_wait3A_947, %dma_wait3A_948] : memref<16x8x4x32x128xf16, #tpu.memory_space<vmem_shared>> -> memref<1x1x4x32x128xf16, #tpu.memory_space<vmem_shared>>
      %dma_wait3A_950 = tpu.memref_squeeze %dma_wait3A_949 : memref<1x1x4x32x128xf16, #tpu.memory_space<vmem_shared>> -> memref<4x32x128xf16, #tpu.memory_space<vmem_shared>>
      %dma_wait3A_951 = arith.constant 4 : i32
      %dma_wait3A_952 = arith.constant 0 : i32
      %dma_wait3A_953 = arith.constant 0 : i32
      %dma_wait3A_954 = tpu.memref_slice %arg5[%dma_wait3A_945, %select_n3A, %dma_wait3A_951, %dma_wait3A_952, %dma_wait3A_953] : memref<1x8x16x32x128xf16, #tpu.memory_space<hbm>> -> memref<1x1x4x32x128xf16, #tpu.memory_space<hbm>>
      %dma_wait3A_955 = tpu.memref_squeeze %dma_wait3A_954 : memref<1x1x4x32x128xf16, #tpu.memory_space<hbm>> -> memref<4x32x128xf16, #tpu.memory_space<hbm>>
      tpu.wait_dma2 semaphore(%arg10 : memref<!tpu.dma_semaphore, #tpu.memory_space<semaphore_mem>>) src(%dma_wait3A_955 : memref<4x32x128xf16, #tpu.memory_space<hbm>>) dst(%dma_wait3A_950 : memref<4x32x128xf16, #tpu.memory_space<vmem_shared>>)
      %dma_start3A_956 = arith.constant 0 : i32
      %dma_start3A_957 = arith.constant 2052 : i32
      %dma_start3A_958 = arith.constant 0 : i32
      %dma_start3A_959 = arith.constant 0 : i32
      %dma_start3A_960 = tpu.memref_slice %arg7[%dma_start3A_956, %select_n3A, %dma_start3A_957, %dma_start3A_958, %dma_start3A_959] : memref<1x8x2064x32x128xf16, #tpu.memory_space<hbm>> -> memref<1x1x4x32x128xf16, #tpu.memory_space<hbm>>
      %dma_start3A_961 = tpu.memref_squeeze %dma_start3A_960 : memref<1x1x4x32x128xf16, #tpu.memory_space<hbm>> -> memref<4x32x128xf16, #tpu.memory_space<hbm>>
      %dma_start3A_962 = arith.constant 0 : i32
      %dma_start3A_963 = arith.constant 0 : i32
      %dma_start3A_964 = arith.constant 0 : i32
      %dma_start3A_965 = tpu.memref_slice %arg8[%arg1, %cond3A_874, %dma_start3A_962, %dma_start3A_963, %dma_start3A_964] : memref<16x8x4x32x128xf16, #tpu.memory_space<vmem_shared>> -> memref<1x1x4x32x128xf16, #tpu.memory_space<vmem_shared>>
      %dma_start3A_966 = tpu.memref_squeeze %dma_start3A_965 : memref<1x1x4x32x128xf16, #tpu.memory_space<vmem_shared>> -> memref<4x32x128xf16, #tpu.memory_space<vmem_shared>>
      tpu.enqueue_dma source(%dma_start3A_966 : memref<4x32x128xf16, #tpu.memory_space<vmem_shared>>) target(%dma_start3A_961 : memref<4x32x128xf16, #tpu.memory_space<hbm>>) target_semaphore(%arg18 : memref<!tpu.dma_semaphore, #tpu.memory_space<semaphore_mem>>)
      %dma_wait3A_967 = arith.constant 0 : i32
      %dma_wait3A_968 = arith.constant 0 : i32
      %dma_wait3A_969 = arith.constant 0 : i32
      %dma_wait3A_970 = arith.constant 0 : i32
      %dma_wait3A_971 = tpu.memref_slice %arg8[%arg1, %cond3A_875, %dma_wait3A_968, %dma_wait3A_969, %dma_wait3A_970] : memref<16x8x4x32x128xf16, #tpu.memory_space<vmem_shared>> -> memref<1x1x4x32x128xf16, #tpu.memory_space<vmem_shared>>
      %dma_wait3A_972 = tpu.memref_squeeze %dma_wait3A_971 : memref<1x1x4x32x128xf16, #tpu.memory_space<vmem_shared>> -> memref<4x32x128xf16, #tpu.memory_space<vmem_shared>>
      %dma_wait3A_973 = arith.constant 8 : i32
      %dma_wait3A_974 = arith.constant 0 : i32
      %dma_wait3A_975 = arith.constant 0 : i32
      %dma_wait3A_976 = tpu.memref_slice %arg5[%dma_wait3A_967, %select_n3A, %dma_wait3A_973, %dma_wait3A_974, %dma_wait3A_975] : memref<1x8x16x32x128xf16, #tpu.memory_space<hbm>> -> memref<1x1x4x32x128xf16, #tpu.memory_space<hbm>>
      %dma_wait3A_977 = tpu.memref_squeeze %dma_wait3A_976 : memref<1x1x4x32x128xf16, #tpu.memory_space<hbm>> -> memref<4x32x128xf16, #tpu.memory_space<hbm>>
      tpu.wait_dma2 semaphore(%arg11 : memref<!tpu.dma_semaphore, #tpu.memory_space<semaphore_mem>>) src(%dma_wait3A_977 : memref<4x32x128xf16, #tpu.memory_space<hbm>>) dst(%dma_wait3A_972 : memref<4x32x128xf16, #tpu.memory_space<vmem_shared>>)
      %dma_start3A_978 = arith.constant 0 : i32
      %dma_start3A_979 = arith.constant 2056 : i32
      %dma_start3A_980 = arith.constant 0 : i32
      %dma_start3A_981 = arith.constant 0 : i32
      %dma_start3A_982 = tpu.memref_slice %arg7[%dma_start3A_978, %select_n3A, %dma_start3A_979, %dma_start3A_980, %dma_start3A_981] : memref<1x8x2064x32x128xf16, #tpu.memory_space<hbm>> -> memref<1x1x4x32x128xf16, #tpu.memory_space<hbm>>
      %dma_start3A_983 = tpu.memref_squeeze %dma_start3A_982 : memref<1x1x4x32x128xf16, #tpu.memory_space<hbm>> -> memref<4x32x128xf16, #tpu.memory_space<hbm>>
      %dma_start3A_984 = arith.constant 0 : i32
      %dma_start3A_985 = arith.constant 0 : i32
      %dma_start3A_986 = arith.constant 0 : i32
      %dma_start3A_987 = tpu.memref_slice %arg8[%arg1, %cond3A_875, %dma_start3A_984, %dma_start3A_985, %dma_start3A_986] : memref<16x8x4x32x128xf16, #tpu.memory_space<vmem_shared>> -> memref<1x1x4x32x128xf16, #tpu.memory_space<vmem_shared>>
      %dma_start3A_988 = tpu.memref_squeeze %dma_start3A_987 : memref<1x1x4x32x128xf16, #tpu.memory_space<vmem_shared>> -> memref<4x32x128xf16, #tpu.memory_space<vmem_shared>>
      tpu.enqueue_dma source(%dma_start3A_988 : memref<4x32x128xf16, #tpu.memory_space<vmem_shared>>) target(%dma_start3A_983 : memref<4x32x128xf16, #tpu.memory_space<hbm>>) target_semaphore(%arg19 : memref<!tpu.dma_semaphore, #tpu.memory_space<semaphore_mem>>)
      %dma_wait3A_989 = arith.constant 0 : i32
      %dma_wait3A_990 = arith.constant 0 : i32
      %dma_wait3A_991 = arith.constant 0 : i32
      %dma_wait3A_992 = arith.constant 0 : i32
      %dma_wait3A_993 = tpu.memref_slice %arg8[%arg1, %cond3A_876, %dma_wait3A_990, %dma_wait3A_991, %dma_wait3A_992] : memref<16x8x4x32x128xf16, #tpu.memory_space<vmem_shared>> -> memref<1x1x4x32x128xf16, #tpu.memory_space<vmem_shared>>
      %dma_wait3A_994 = tpu.memref_squeeze %dma_wait3A_993 : memref<1x1x4x32x128xf16, #tpu.memory_space<vmem_shared>> -> memref<4x32x128xf16, #tpu.memory_space<vmem_shared>>
      %dma_wait3A_995 = arith.constant 12 : i32
      %dma_wait3A_996 = arith.constant 0 : i32
      %dma_wait3A_997 = arith.constant 0 : i32
      %dma_wait3A_998 = tpu.memref_slice %arg5[%dma_wait3A_989, %select_n3A, %dma_wait3A_995, %dma_wait3A_996, %dma_wait3A_997] : memref<1x8x16x32x128xf16, #tpu.memory_space<hbm>> -> memref<1x1x4x32x128xf16, #tpu.memory_space<hbm>>
      %dma_wait3A_999 = tpu.memref_squeeze %dma_wait3A_998 : memref<1x1x4x32x128xf16, #tpu.memory_space<hbm>> -> memref<4x32x128xf16, #tpu.memory_space<hbm>>
      tpu.wait_dma2 semaphore(%arg12 : memref<!tpu.dma_semaphore, #tpu.memory_space<semaphore_mem>>) src(%dma_wait3A_999 : memref<4x32x128xf16, #tpu.memory_space<hbm>>) dst(%dma_wait3A_994 : memref<4x32x128xf16, #tpu.memory_space<vmem_shared>>)
      %dma_start3A_1000 = arith.constant 0 : i32
      %dma_start3A_1001 = arith.constant 2060 : i32
      %dma_start3A_1002 = arith.constant 0 : i32
      %dma_start3A_1003 = arith.constant 0 : i32
      %dma_start3A_1004 = tpu.memref_slice %arg7[%dma_start3A_1000, %select_n3A, %dma_start3A_1001, %dma_start3A_1002, %dma_start3A_1003] : memref<1x8x2064x32x128xf16, #tpu.memory_space<hbm>> -> memref<1x1x4x32x128xf16, #tpu.memory_space<hbm>>
      %dma_start3A_1005 = tpu.memref_squeeze %dma_start3A_1004 : memref<1x1x4x32x128xf16, #tpu.memory_space<hbm>> -> memref<4x32x128xf16, #tpu.memory_space<hbm>>
      %dma_start3A_1006 = arith.constant 0 : i32
      %dma_start3A_1007 = arith.constant 0 : i32
      %dma_start3A_1008 = arith.constant 0 : i32
      %dma_start3A_1009 = tpu.memref_slice %arg8[%arg1, %cond3A_876, %dma_start3A_1006, %dma_start3A_1007, %dma_start3A_1008] : memref<16x8x4x32x128xf16, #tpu.memory_space<vmem_shared>> -> memref<1x1x4x32x128xf16, #tpu.memory_space<vmem_shared>>
      %dma_start3A_1010 = tpu.memref_squeeze %dma_start3A_1009 : memref<1x1x4x32x128xf16, #tpu.memory_space<vmem_shared>> -> memref<4x32x128xf16, #tpu.memory_space<vmem_shared>>
      tpu.enqueue_dma source(%dma_start3A_1010 : memref<4x32x128xf16, #tpu.memory_space<vmem_shared>>) target(%dma_start3A_1005 : memref<4x32x128xf16, #tpu.memory_space<hbm>>) target_semaphore(%arg20 : memref<!tpu.dma_semaphore, #tpu.memory_space<semaphore_mem>>)
      %dma_wait3A_1011 = arith.constant 0 : i32
      %dma_wait3A_1012 = arith.constant 2048 : i32
      %dma_wait3A_1013 = arith.constant 0 : i32
      %dma_wait3A_1014 = arith.constant 0 : i32
      %dma_wait3A_1015 = tpu.memref_slice %arg7[%dma_wait3A_1011, %select_n3A, %dma_wait3A_1012, %dma_wait3A_1013, %dma_wait3A_1014] : memref<1x8x2064x32x128xf16, #tpu.memory_space<hbm>> -> memref<1x1x4x32x128xf16, #tpu.memory_space<hbm>>
      %dma_wait3A_1016 = tpu.memref_squeeze %dma_wait3A_1015 : memref<1x1x4x32x128xf16, #tpu.memory_space<hbm>> -> memref<4x32x128xf16, #tpu.memory_space<hbm>>
      %dma_wait3A_1017 = arith.constant 0 : i32
      %dma_wait3A_1018 = arith.constant 0 : i32
      %dma_wait3A_1019 = arith.constant 0 : i32
      %dma_wait3A_1020 = tpu.memref_slice %arg8[%arg1, %cond3A_873, %dma_wait3A_1017, %dma_wait3A_1018, %dma_wait3A_1019] : memref<16x8x4x32x128xf16, #tpu.memory_space<vmem_shared>> -> memref<1x1x4x32x128xf16, #tpu.memory_space<vmem_shared>>
      %dma_wait3A_1021 = tpu.memref_squeeze %dma_wait3A_1020 : memref<1x1x4x32x128xf16, #tpu.memory_space<vmem_shared>> -> memref<4x32x128xf16, #tpu.memory_space<vmem_shared>>
      tpu.wait_dma2 semaphore(%arg17 : memref<!tpu.dma_semaphore, #tpu.memory_space<semaphore_mem>>) src(%dma_wait3A_1021 : memref<4x32x128xf16, #tpu.memory_space<vmem_shared>>) dst(%dma_wait3A_1016 : memref<4x32x128xf16, #tpu.memory_space<hbm>>)
      %dma_wait3A_1022 = arith.constant 0 : i32
      %dma_wait3A_1023 = arith.constant 2052 : i32
      %dma_wait3A_1024 = arith.constant 0 : i32
      %dma_wait3A_1025 = arith.constant 0 : i32
      %dma_wait3A_1026 = tpu.memref_slice %arg7[%dma_wait3A_1022, %select_n3A, %dma_wait3A_1023, %dma_wait3A_1024, %dma_wait3A_1025] : memref<1x8x2064x32x128xf16, #tpu.memory_space<hbm>> -> memref<1x1x4x32x128xf16, #tpu.memory_space<hbm>>
      %dma_wait3A_1027 = tpu.memref_squeeze %dma_wait3A_1026 : memref<1x1x4x32x128xf16, #tpu.memory_space<hbm>> -> memref<4x32x128xf16, #tpu.memory_space<hbm>>
      %dma_wait3A_1028 = arith.constant 0 : i32
      %dma_wait3A_1029 = arith.constant 0 : i32
      %dma_wait3A_1030 = arith.constant 0 : i32
      %dma_wait3A_1031 = tpu.memref_slice %arg8[%arg1, %cond3A_874, %dma_wait3A_1028, %dma_wait3A_1029, %dma_wait3A_1030] : memref<16x8x4x32x128xf16, #tpu.memory_space<vmem_shared>> -> memref<1x1x4x32x128xf16, #tpu.memory_space<vmem_shared>>
      %dma_wait3A_1032 = tpu.memref_squeeze %dma_wait3A_1031 : memref<1x1x4x32x128xf16, #tpu.memory_space<vmem_shared>> -> memref<4x32x128xf16, #tpu.memory_space<vmem_shared>>
      tpu.wait_dma2 semaphore(%arg18 : memref<!tpu.dma_semaphore, #tpu.memory_space<semaphore_mem>>) src(%dma_wait3A_1032 : memref<4x32x128xf16, #tpu.memory_space<vmem_shared>>) dst(%dma_wait3A_1027 : memref<4x32x128xf16, #tpu.memory_space<hbm>>)
      %dma_wait3A_1033 = arith.constant 0 : i32
      %dma_wait3A_1034 = arith.constant 2056 : i32
      %dma_wait3A_1035 = arith.constant 0 : i32
      %dma_wait3A_1036 = arith.constant 0 : i32
      %dma_wait3A_1037 = tpu.memref_slice %arg7[%dma_wait3A_1033, %select_n3A, %dma_wait3A_1034, %dma_wait3A_1035, %dma_wait3A_1036] : memref<1x8x2064x32x128xf16, #tpu.memory_space<hbm>> -> memref<1x1x4x32x128xf16, #tpu.memory_space<hbm>>
      %dma_wait3A_1038 = tpu.memref_squeeze %dma_wait3A_1037 : memref<1x1x4x32x128xf16, #tpu.memory_space<hbm>> -> memref<4x32x128xf16, #tpu.memory_space<hbm>>
      %dma_wait3A_1039 = arith.constant 0 : i32
      %dma_wait3A_1040 = arith.constant 0 : i32
      %dma_wait3A_1041 = arith.constant 0 : i32
      %dma_wait3A_1042 = tpu.memref_slice %arg8[%arg1, %cond3A_875, %dma_wait3A_1039, %dma_wait3A_1040, %dma_wait3A_1041] : memref<16x8x4x32x128xf16, #tpu.memory_space<vmem_shared>> -> memref<1x1x4x32x128xf16, #tpu.memory_space<vmem_shared>>
      %dma_wait3A_1043 = tpu.memref_squeeze %dma_wait3A_1042 : memref<1x1x4x32x128xf16, #tpu.memory_space<vmem_shared>> -> memref<4x32x128xf16, #tpu.memory_space<vmem_shared>>
      tpu.wait_dma2 semaphore(%arg19 : memref<!tpu.dma_semaphore, #tpu.memory_space<semaphore_mem>>) src(%dma_wait3A_1043 : memref<4x32x128xf16, #tpu.memory_space<vmem_shared>>) dst(%dma_wait3A_1038 : memref<4x32x128xf16, #tpu.memory_space<hbm>>)
      %dma_wait3A_1044 = arith.constant 0 : i32
      %dma_wait3A_1045 = arith.constant 2060 : i32
      %dma_wait3A_1046 = arith.constant 0 : i32
      %dma_wait3A_1047 = arith.constant 0 : i32
      %dma_wait3A_1048 = tpu.memref_slice %arg7[%dma_wait3A_1044, %select_n3A, %dma_wait3A_1045, %dma_wait3A_1046, %dma_wait3A_1047] : memref<1x8x2064x32x128xf16, #tpu.memory_space<hbm>> -> memref<1x1x4x32x128xf16, #tpu.memory_space<hbm>>
      %dma_wait3A_1049 = tpu.memref_squeeze %dma_wait3A_1048 : memref<1x1x4x32x128xf16, #tpu.memory_space<hbm>> -> memref<4x32x128xf16, #tpu.memory_space<hbm>>
      %dma_wait3A_1050 = arith.constant 0 : i32
      %dma_wait3A_1051 = arith.constant 0 : i32
      %dma_wait3A_1052 = arith.constant 0 : i32
      %dma_wait3A_1053 = tpu.memref_slice %arg8[%arg1, %cond3A_876, %dma_wait3A_1050, %dma_wait3A_1051, %dma_wait3A_1052] : memref<16x8x4x32x128xf16, #tpu.memory_space<vmem_shared>> -> memref<1x1x4x32x128xf16, #tpu.memory_space<vmem_shared>>
      %dma_wait3A_1054 = tpu.memref_squeeze %dma_wait3A_1053 : memref<1x1x4x32x128xf16, #tpu.memory_space<vmem_shared>> -> memref<4x32x128xf16, #tpu.memory_space<vmem_shared>>
      tpu.wait_dma2 semaphore(%arg20 : memref<!tpu.dma_semaphore, #tpu.memory_space<semaphore_mem>>) src(%dma_wait3A_1054 : memref<4x32x128xf16, #tpu.memory_space<vmem_shared>>) dst(%dma_wait3A_1049 : memref<4x32x128xf16, #tpu.memory_space<hbm>>)
    } else {
    }
    return
  }
}

</mosaic_0001>

<sc_bundles>
// kernel: kernel.3.cloned.1.call-start
scs
__scs_entry_jumppad:
0x0: {  	(pc) =	sbr.rel $0x88, $3  }
0x1: {  	(tag) =	ssettag $0x0;
	lr =	simm.s32 $0x1  }
0x2: {  	[smem:$0x3F9D] =	sst lr;
	_ =	strace $0xD0000000  }
0x3: {  	_ = 	snop  }
0x4: {  	_ = 	snop  }
0x5: {  	_ = 	snop  }
0x6: {  	_ = 	snop  }
0x7: {  	_ = 	snop  }
__scs_overlays_trampoline_lowered:
0x8: {  	[smem:$0x3FAC] =	sst s0  }
0x9: {  	[smem:$0x3FAD] =	sst s1  }
0xa: {  	[smem:$0x3FAE] =	sst s2  }
0xb: {  	[smem:$0x3FAF] =	sst s3  }
0xc: {  	[smem:$0x3FB0] =	sst s4  }
0xd: {  	[smem:$0x3FB1] =	sst s5  }
0xe: {  	[smem:$0x3FB2] =	sst s6  }
0xf: {  	[smem:$0x3FB3] =	sst s7  }
0x10: {  	[smem:$0x3FB4] =	sst s8  }
0x11: {  	[smem:$0x3FB5] =	sst s9;
	s0 =	simm.s32 @!p0 $0x0  }
0x12: {  	s1 =	sld [smem:$0x3F9B];
	s0 =	simm.s32 @p0 $0x1  }
0x13: {  	[smem:$0x3FB6] =	sst s0;
	s0 =	simm.s32 @!p1 $0x0  }
0x14: {  	s2 =	sld [smem:$0x3F9A];
	s0 =	simm.s32 @p1 $0x1  }
0x15: {  	[smem:$0x3FB7] =	sst s0;
	s0 =	simm.s32 @!p2 $0x0  }
0x16: {  	s3 =	sld [smem:$0x3FDB];
	s0 =	simm.s32 @p2 $0x1  }
0x17: {  	s4 =	simm.s32 $0x1BF5;
	[smem:$0x3FB9] =	sst s0  }
0x18: {  	s0 =	sld [smem:$0x3F9C];
	_ =	swait.ge [sflag:s4], $0x0  }
0x19: {  	s7 =	sld [smem:$0x3F9D]  }
0x1a: {  	s8 =	sadd.s32 $0xFFFFE003, lr  }
0x1b: {  	s9 =	sadd.s32 $0xFFFFFEF7, lr;
	s5 =	simm.s32 $0xFFFFFFFF;
	p2 =	slt.u32 s8, $0xFFFFF086  }
0x1c: {  	p1 =	slt.u32 s9, $0xF7A;
	s5 =	simm.s32 @!p2 $0x0  }
0x1d: {  	s5 =	simm.s32 @p1 $0x1;
	p0 =	seq.s32 s7, s2  }
0x1e: {  	s7 =	smul.u32 @!p0 $0xF7A, s2;
	p2 =	seq.s32 @!p0 s5, $0x0  }
0x1f: {  	s9 =	smul.u32 $0xF7A, s1;
	s8 =	simm.s32 @!p0 $0x1BF5;
	p2 =	por !p2, p0  }
0x20: {  	[sflag:s8] =	ssyncset.s32 @!p0 $0xFFFFF086;
	s6 =	sadd.s32 @!p0 s3, s7;
	s7 =	simm.s32 @!p0 $0x108  }
0x21: {  	s3 =	sadd.s32 s3, s9;
	s6 =	sadd.s32 @!p0 $0x88, s6;
	s7 =	simm.s32 @p2 $0x1082  }
0x22: {  	[simem:s7], [sflag:s8] =	dma.local @!p0 [hbm:s6], $0xF7A  }
0x23: {  	s9 =	sor.u32 $0xD0000000, s2;
	s6 =	simm.s32 $0x108;
	_ =	swait.ge @!p0 [sflag:s8], $0x0  }
0x24: {  	s3 =	sadd.s32 $0x88, s3;
	s6 =	simm.s32 @!p1 $0x1082;
	[sflag:s4] =	ssyncset.s32 $0xFFFFF086  }
0x25: {  	[simem:s6], [sflag:s4] =	dma.local [hbm:s3], $0xF7A  }
0x26: {  	[smem:$0x3F9D] =	sst s1;
	(tag) =	ssettag s2;
	_ =	strace s9  }
0x27: {  	s1 =	sld [smem:$0x3FAD]  }
0x28: {  	s2 =	sld [smem:$0x3FAE]  }
0x29: {  	s4 =	sld [smem:$0x3FB0]  }
0x2a: {  	p0 =	seq.s32 s5, $0x0;
	s5 =	sld [smem:$0x3FB1]  }
0x2b: {  	s6 =	sld [smem:$0x3FB2]  }
0x2c: {  	s7 =	sld [smem:$0x3FB3]  }
0x2d: {  	s3 =	simm.s32 $0x108;
	s8 =	sld [smem:$0x3FB4]  }
0x2e: {  	s3 =	simm.s32 @!p0 $0x1082;
	s9 =	sld [smem:$0x3FB5]  }
0x2f: {  	lr =	sadd.s32 s0, s3;
	s0 =	sld [smem:$0x3FAC]  }
0x30: {  	s3 =	sld [smem:$0x3FAF]  }
0x31: {  	[smem:$0x3FB8] =	sst s10  }
0x32: {  	s10 =	sld [smem:$0x3FB6];
	_ =	sdelay $0x3  }
0x33: {  	p0 =	seq.s32 s10, $0x1;
	s10 =	sld [smem:$0x3FB8];
	_ =	sdelay $0x3  }
0x34: {  	[smem:$0x3FB8] =	sst s10  }
0x35: {  	s10 =	sld [smem:$0x3FB7];
	_ =	sdelay $0x3  }
0x36: {  	p1 =	seq.s32 s10, $0x1;
	s10 =	sld [smem:$0x3FB8];
	_ =	sdelay $0x3  }
0x37: {  	[smem:$0x3FB8] =	sst s10  }
0x38: {  	s10 =	sld [smem:$0x3FB9]  }
0x39: {  	_ = 	snop;
	(pc) =	sbr.ind lr, $3  }
0x3a: {  	_ = 	snop  }
0x3b: {  	_ = 	snop  }
0x3c: {  	p2 =	seq.s32 s10, $0x1;
	s10 =	sld [smem:$0x3FB8]  }
0x3d: {  	_ =	shalt  }
0x3e: {  	_ =	shalt  }
0x3f: {  	_ =	shalt  }
0x40: {  	_ =	shalt  }
0x41: {  	_ =	shalt  }
0x42: {  	_ =	shalt  }
0x43: {  	_ =	shalt  }
0x44: {  	_ =	shalt  }
0x45: {  	_ =	shalt  }
0x46: {  	_ =	shalt  }
0x47: {  	_ =	shalt  }
0x48: {  	_ =	shalt  }
0x49: {  	_ =	shalt  }
0x4a: {  	_ =	shalt  }
0x4b: {  	_ =	shalt  }
0x4c: {  	_ =	shalt  }
0x4d: {  	_ =	shalt  }
0x4e: {  	_ =	shalt  }
0x4f: {  	_ =	shalt  }
0x50: {  	_ =	shalt  }
0x51: {  	_ =	shalt  }
0x52: {  	_ =	shalt  }
0x53: {  	_ =	shalt  }
0x54: {  	_ =	shalt  }
0x55: {  	_ =	shalt  }
0x56: {  	_ =	shalt  }
0x57: {  	_ =	shalt  }
0x58: {  	_ =	shalt  }
0x59: {  	_ =	shalt  }
0x5a: {  	_ =	shalt  }
0x5b: {  	_ =	shalt  }
0x5c: {  	_ =	shalt  }
0x5d: {  	_ =	shalt  }
0x5e: {  	_ =	shalt  }
0x5f: {  	_ =	shalt  }
0x60: {  	_ =	shalt  }
0x61: {  	_ =	shalt  }
0x62: {  	_ =	shalt  }
0x63: {  	_ =	shalt  }
0x64: {  	_ =	shalt  }
0x65: {  	_ =	shalt  }
0x66: {  	_ =	shalt  }
0x67: {  	_ =	shalt  }
0x68: {  	_ =	shalt  }
0x69: {  	_ =	shalt  }
0x6a: {  	_ =	shalt  }
0x6b: {  	_ =	shalt  }
0x6c: {  	_ =	shalt  }
0x6d: {  	_ =	shalt  }
0x6e: {  	_ =	shalt  }
0x6f: {  	_ =	shalt  }
0x70: {  	_ =	shalt  }
0x71: {  	_ =	shalt  }
0x72: {  	_ =	shalt  }
0x73: {  	_ =	shalt  }
0x74: {  	_ =	shalt  }
0x75: {  	_ =	shalt  }
0x76: {  	_ =	shalt  }
0x77: {  	_ =	shalt  }
0x78: {  	_ =	shalt  }
0x79: {  	_ =	shalt  }
0x7a: {  	_ =	shalt  }
0x7b: {  	_ =	shalt  }
0x7c: {  	_ =	shalt  }
0x7d: {  	_ =	shalt  }
0x7e: {  	_ =	shalt  }
0x7f: {  	_ =	shalt  }
0x80: {  	_ =	shalt  }
0x81: {  	_ =	shalt  }
0x82: {  	_ =	shalt  }
0x83: {  	_ =	shalt  }
0x84: {  	_ =	shalt  }
0x85: {  	_ =	shalt  }
0x86: {  	_ =	shalt  }
0x87: {  	_ =	shalt  }
.Lfunc_end0:
.L_simem_size_0:
called_computation_lowered:
.L_overlay_start_0:
0x88: {  	s2 =	sld [smem:$0x3FD9]  }
0x89: {  	s3 =	sld [smem:$0x3FFE];
	_ =	sdelay $0x1  }
0x8a: {  	s1 =	srdreg.scid  }
0x8b: {  	s0 =	sand.u32 $0x1, s1  }
0x8c: {  	s15 =	sshll.u32 s0, $0xA;
	s2 =	sadd.s32 s3, s2  }
0x8d: {  	s2 =	sadd.s32 s2, s15  }
0x8e: {  	[smem:$0x3FC4] =	sst s2  }
0x8f: {  	_ = 	snop  }
0x90: {  	s2 =	sld [smem:$0x3FC9]  }
0x91: {  	s16 =	sld [smem:$0x3FD0]  }
0x92: {  	s4 =	sld [smem:$0x3FC8]  }
0x93: {  	s5 =	sld [smem:$0x3FC7]  }
0x94: {  	s7 =	simm.s32 $0xA;
	s8 =	simm.s32 $0x10;
	s6 =	sld [smem:$0x3FC6]  }
0x95: {  	[smem:s8], [sflag:s7] =	dma.local [hbm:s16], $0x1  }
0x96: {  	_ =	swait.eq [sflag:s7], $0x1  }
0x97: {  	[sflag:s7] =	ssyncset.done $0x0  }
0x98: {  	s17 =	sld [smem:$0x10];
	[sflag:s7] =	ssyncadd.s32 $0xFFFFFFFF  }
0x99: {  	s18 =	sld [smem:$0x11];
	(tm) =	ssettm $0x1  }
0x9a: {  	s19 =	sld [smem:$0x3FFB];
	_ =	sdelay $0x3  }
0x9b: {  	_ =	strace s19  }
0x9c: {  	s8 =	sld [smem:$0x3FFC];
	_ =	sdelay $0x3  }
0x9d: {  	_ =	strace s8  }
0x9e: {  	s8 =	sld [smem:$0x3FFD];
	_ =	sdelay $0x3  }
0x9f: {  	_ =	strace s8  }
0xa0: {  	_ =	strace $0x8FFFFFFF  }
0xa1: {  	s20 =	sld [smem:$0x3FDB];
	_ =	sdelay $0x1  }
0xa2: {  	s9 =	simm.s32 $_scs_section_size  }
0xa3: {  	s10 =	simm.s32 $_size__tile_overlayer_lowered;
	s11 =	simm.s32 $_tile_overlayer_lowered  }
0xa4: {  	s23 =	simm.s32 $0x1BFF;
	s22 =	sshll.u32 s11, $0x1;
	s8 =	sadd.s32 s9, s20  }
0xa5: {  	s12 =	simm.s32 $0x0;
	s21 =	sshll.u32 s10, $0x1;
	s10 =	sadd.s32 s22, s8  }
0xa6: {  	[timem:s12], [sflag:s23] =	dma.local [hbm:s10], s21  }
0xa7: {  	_ =	swait.ge [sflag:s23], s21  }
0xa8: {  	s9 =	ssub.s32 $0x0, s21;
	[sflag:s23] =	ssyncset.done $0x0  }
0xa9: {  	[sflag:s23] =	ssyncadd.s32 s9;
	_ =	sdelay $0x1  }
0xaa: {  	s24 =	simm.s32 $0x1B8B  }
0xab: {  	_ =	swait.ge [sflag:s24], $0x1  }
0xac: {  	[sflag:s24] =	ssyncset.done $0x0  }
0xad: {  	s25 =	simm.s32 $0x1B8E;
	[sflag:s24] =	ssyncadd.s32 $0xFFFFFFFF  }
0xae: {  	s26 =	simm.s32 $execute0_lowered;
	[smem:$0x3FD2] =	sst s25  }
0xaf: {  	s9 =	sshll.u32 s26, $0x1;
	_ =	strace $0x80000046;
	[dreg:$0x1] =	wrdreg $0xFFFFFFFF  }
0xb0: {  	s28 =	simm.s32 $_size_execute0_lowered;
	s8 =	sadd.s32 s8, s9;
	[dreg:$0x0] =	wrdreg $0x0  }
0xb1: {  	s9 =	sshll.u32 s28, $0x1;
	[dreg:$0x2] =	wrdreg s8  }
0xb2: {  	[dreg:$0x3] =	wrdreg s9  }
0xb3: {  	[dreg:$0x4] =	wrdreg $0xC0  }
0xb4: {  	_ =	task [dreg:s12], $0x5FFFF  }
0xb5: {  	[dreg:$0x1] =	wrdreg $0xFFFFFFFF  }
0xb6: {  	[dreg:$0x0] =	wrdreg $0x60  }
0xb7: {  	[dreg:$0x2] =	wrdreg s2  }
0xb8: {  	[dreg:$0x3] =	wrdreg s4  }
0xb9: {  	[dreg:$0x4] =	wrdreg s5  }
0xba: {  	[dreg:$0x5] =	wrdreg s6  }
0xbb: {  	[dreg:$0x6] =	wrdreg s17  }
0xbc: {  	[dreg:$0x7] =	wrdreg s18  }
0xbd: {  	[dreg:$0x8] =	wrdreg $0x0  }
0xbe: {  	[dreg:$0x9] =	wrdreg $0x9  }
0xbf: {  	_ =	task.clear_ibuf [dreg:s12], $0xAFFFF;
	_ =	strace $0x90000046  }
0xc0: {  	s29 =	simm.s32 $0x9;
	_ =	strace $0x80000048  }
0xc1: {  	_ =	swait.ge [sflag:s29], $0x1  }
0xc2: {  	[sflag:s29] =	ssyncadd.s32 $0xFFFFFFFF  }
0xc3: {  	_ =	strace $0x90000048  }
0xc4: {  	_ =	sfence  }
0xc5: {  	s30 =	sld [smem:$0x0];
	_ =	sdelay $0x2  }
0xc6: {  	s31 =	sshll.u32 s1, $0xD;
	s1 =	sshrl.u32 s1, $0x2  }
0xc7: {  	s3 =	sand.u32 $0x4000, s31;
	s1 =	sadd.s32 s1, s30  }
0xc8: {  	s0 =	sor.u32 s3, s0;
	s1 =	sshll.u32 s1, $0x11  }
0xc9: {  	s0 =	sor.u32 s1, s0  }
0xca: {  	s0 =	sadd.s32 $0x8F2B, s0  }
0xcb: {  	[sflag:s0] =	ssyncadd.remote.s32 $0x1  }
0xcc: {  	_ =	sfence.sel $0xFFFF  }
0xcd: {  	[dreg:$0x0] =	wrdreg $0xFFFFFFFF;
	(pc) =	sbr.abs _section_cstart, $3  }
0xce: {  	[dreg:$0x1] =	wrdreg $0xFFFFFFFF  }
0xcf: {  	_ =	task.clear_ibuf [dreg:s12], $0x2FFFF;
	_ =	strace $0x9FFFFFFF  }
0xd0: {  	(tm) =	ssettm $0x7FFFFFFF  }
0xd1: {  	_ =	shalt  }
tec
execute0_lowered:
.L_overlay_start_1:
0x0: {  	(tag) =	ssettag $0x1  }
0x1: {  	s4 =	rddreg [dreg:$0x0]  }
0x2: {  	s2 =	rddreg [dreg:$0x1]  }
0x3: {  	s16 =	rddreg [dreg:$0x4]  }
0x4: {  	s23 =	rddreg [dreg:$0x5]  }
0x5: {  	s3 =	rddreg [dreg:$0x6]  }
0x6: {  	s0 =	srdreg.scid;
	s18 =	simm.s32 $0x0;
	s17 =	stileid.u32  }
0x7: {  	s5 =	sand.u32 $0x1, s0;
	[smem:$0x7FF] =	sst s18;
	s6 =	sshll.u32 s17, $0x1  }
0x8: {  	s7 =	sand.u32 $0x1, s17;
	s8 =	sshll.u32 s17, $0x10;
	s0 =	ssub.s32 $0x2, s5  }
0x9: {  	_ =	strace $0x80000047;
	s6 =	sand.u32 $0x2, s6;
	s10 =	sshll.u32 s7, $0x16  }
0xa: {  	s19 =	sadd.s32 s8, s3;
	s1 =	sshrl.u32 s0, $0x1;
	s6 =	sor.u32 s5, s6  }
0xb: {  	s5 =	sshll.u32 s5, $0x15;
	s0 =	ssub.s32 s0, s1;
	s1 =	sshrl.u32 s17, $0x1  }
0xc: {  	[smem:$0x7F7] =	sst s19;
	s7 =	sshll.u32 s6, $0x15;
	s9 =	sshll.u32 s1, $0x17  }
0xd: {  	s8 =	sor.u32 $0x4000, s7;
	s3 =	smul.u32 $0x810000, s1;
	s0 =	smax.u32 s0, $0x1  }
0xe: {  	s1 =	sshll.u32 s1, $0xC;
	s11 =	sor.u32 s10, s9;
	[smem:$0x7EE] =	sst s0  }
0xf: {  	s25 =	sor.u32 s9, s8;
	[smem:$0x7FB] =	sst s1;
	s11 =	sor.u32 s5, s11  }
0x10: {  	s14 =	sshrl.u32 s25, $0x4;
	s10 =	sadd.s32 s10, s3;
	s13 =	sor.u32 $0x24000, s11  }
0x11: {  	s15 =	sadd.s32 s4, s14;
	s31 =	sor.u32 $0x20000, s11;
	s5 =	sadd.s32 s5, s10  }
0x12: {  	s14 =	sadd.s32 s2, s14;
	s13 =	sshrl.u32 s13, $0x4;
	[smem:$0x7CA] =	sst s15  }
0x13: {  	s24 =	sor.u32 $0x1C000, s11;
	[smem:$0x7CB] =	sst s14;
	s26 =	sadd.s32 s13, s2  }
0x14: {  	s15 =	sshrl.u32 s31, $0x4;
	s13 =	sadd.s32 s13, s4;
	[dreg:$0x8] =	wrdreg s26  }
0x15: {  	s20 =	sadd.s32 $0x14000, s5;
	s21 =	sadd.s32 s15, s4;
	[dreg:$0x9] =	wrdreg s13  }
0x16: {  	s13 =	sadd.s32 s15, s2;
	[dreg:$0xb] =	wrdreg s21;
	s26 =	sshrl.u32 s24, $0x4  }
0x17: {  	[dreg:$0xa] =	wrdreg s13;
	s13 =	sshrl.u32 s20, $0x4;
	s31 =	sadd.s32 s26, s2  }
0x18: {  	s11 =	sor.u32 $0x18000, s11;
	s22 =	sadd.s32 s13, s23;
	[dreg:$0xe] =	wrdreg s31  }
0x19: {  	s15 =	sadd.s32 $0x1C000, s5;
	s25 =	sadd.s32 s13, s16;
	[dreg:$0xc] =	wrdreg s22  }
0x1a: {  	s10 =	sshrl.u32 s15, $0x4;
	s13 =	sadd.s32 s26, s4;
	[dreg:$0xd] =	wrdreg s25  }
0x1b: {  	s14 =	sor.u32 $0x8000, s7;
	s21 =	sadd.s32 s10, s23;
	[dreg:$0xf] =	wrdreg s13  }
0x1c: {  	s11 =	sshrl.u32 s11, $0x4;
	s10 =	sadd.s32 s10, s16;
	[dreg:$0x10] =	wrdreg s21  }
0x1d: {  	s20 =	sor.u32 s9, s14;
	[dreg:$0x11] =	wrdreg s10;
	s22 =	sadd.s32 s11, s2  }
0x1e: {  	s15 =	sshrl.u32 s20, $0x4;
	s11 =	sadd.s32 s11, s4;
	[dreg:$0x12] =	wrdreg s22  }
0x1f: {  	s12 =	sor.u32 s9, s7;
	s25 =	sadd.s32 s4, s15;
	[dreg:$0x13] =	wrdreg s11  }
0x20: {  	s12 =	sshrl.u32 s12, $0x4;
	s26 =	sadd.s32 s2, s15;
	[smem:$0x7CC] =	sst s25  }
0x21: {  	s15 =	sadd.s32 s4, s12;
	[smem:$0x7CD] =	sst s26  }
0x22: {  	s13 =	sor.u32 $0xC000, s7;
	s21 =	sadd.s32 s2, s12;
	[smem:$0x7D0] =	sst s15  }
0x23: {  	s20 =	sor.u32 $0x1000, s12;
	s24 =	sor.u32 s9, s13;
	[smem:$0x7D1] =	sst s21  }
0x24: {  	s22 =	sor.u32 $0x1400, s12;
	s10 =	sshrl.u32 s24, $0x4;
	s24 =	sadd.s32 s4, s20  }
0x25: {  	p0 =	seq.s32 s6, $0x0;
	s25 =	sadd.s32 s4, s22;
	[smem:$0x7D2] =	sst s24  }
0x26: {  	s31 =	sadd.s32 s4, s10;
	s10 =	sadd.s32 s2, s10;
	[smem:$0x7D4] =	sst s25  }
0x27: {  	s12 =	sor.u32 $0x1FC000, s7;
	[smem:$0x7CF] =	sst s10;
	s10 =	sadd.s32 s2, s20  }
0x28: {  	s11 =	sadd.s32 s2, s22;
	[smem:$0x7D3] =	sst s10;
	s10 =	sor.u32 $0x1F8000, s7  }
0x29: {  	[smem:$0x7D5] =	sst s11;
	s24 =	sadd.s32 s3, s14;
	s26 =	sor.u32 s9, s10  }
0x2a: {  	[smem:$0x7CE] =	sst s31;
	s9 =	sor.u32 s9, s12;
	s11 =	sshrl.u32 s26, $0x4  }
0x2b: {  	s26 =	sshrl.u32 s24, $0x4;
	s24 =	sadd.s32 s3, s12;
	s12 =	sadd.s32 $0x10000, s5  }
0x2c: {  	p1 =	sne.s32 s6, $0x1;
	s20 =	sadd.s32 s4, s11;
	[smem:$0x7EF] =	sst s12  }
0x2d: {  	s9 =	sshrl.u32 s9, $0x4;
	s11 =	sadd.s32 s2, s11;
	[smem:$0x7D6] =	sst s20  }
0x2e: {  	s21 =	sadd.s32 s3, s8;
	s4 =	sadd.s32 s4, s9;
	[smem:$0x7D7] =	sst s11  }
0x2f: {  	s31 =	sadd.s32 $0x18000, s5;
	s2 =	sadd.s32 s2, s9;
	[smem:$0x7D8] =	sst s4  }
0x30: {  	s15 =	sshrl.u32 s31, $0x4;
	s8 =	sadd.s32 s16, s26;
	[smem:$0x7D9] =	sst s2  }
0x31: {  	s31 =	sadd.s32 s3, s13;
	s11 =	sadd.s32 s15, s23;
	[smem:$0x7DC] =	sst s8  }
0x32: {  	s9 =	sshrl.u32 s31, $0x4;
	s20 =	sadd.s32 s15, s16;
	[dreg:$0x14] =	wrdreg s11  }
0x33: {  	s2 =	sshrl.u32 s21, $0x4;
	s6 =	sadd.s32 s16, s9;
	[dreg:$0x15] =	wrdreg s20  }
0x34: {  	s22 =	sadd.s32 s3, s7;
	s25 =	sadd.s32 s16, s2;
	[smem:$0x7DE] =	sst s6  }
0x35: {  	s4 =	sshrl.u32 s22, $0x4;
	s2 =	sadd.s32 s23, s2;
	[smem:$0x7DA] =	sst s25  }
0x36: {  	s22 =	sadd.s32 s3, s10;
	s15 =	sadd.s32 s16, s4;
	[smem:$0x7DB] =	sst s2  }
0x37: {  	s3 =	sshrl.u32 s3, $0x4;
	s20 =	sadd.s32 s23, s4;
	[smem:$0x7E2] =	sst s15  }
0x38: {  	s11 =	sadd.s32 $0x1F000, s4;
	s8 =	sadd.s32 $0x80000, s3;
	[smem:$0x7E3] =	sst s20  }
0x39: {  	s21 =	sadd.s32 $0x1F400, s4;
	s10 =	sadd.s32 $0x80800, s3;
	[smem:$0x7EA] =	sst s8  }
0x3a: {  	s4 =	sshrl.u32 s22, $0x4;
	s22 =	sadd.s32 $0xC000, s19;
	[smem:$0x7EC] =	sst s10  }
0x3b: {  	s2 =	sadd.s32 s23, s26;
	[smem:$0x7F6] =	sst s22  }
0x3c: {  	s13 =	sadd.s32 s16, s11;
	[smem:$0x7DD] =	sst s2  }
0x3d: {  	s25 =	sadd.s32 s16, s21;
	[smem:$0x7E0] =	sst s13  }
0x3e: {  	s31 =	sadd.s32 s16, s4;
	[smem:$0x7E4] =	sst s25  }
0x3f: {  	s4 =	sadd.s32 s23, s4;
	[smem:$0x7E6] =	sst s31  }
0x40: {  	s15 =	sadd.s32 $0x2000, s19;
	[smem:$0x7E7] =	sst s4  }
0x41: {  	s20 =	sadd.s32 $0x8000, s19;
	[smem:$0x7F1] =	sst s15  }
0x42: {  	s26 =	sshrl.u32 s24, $0x4;
	s24 =	sadd.s32 $0xE000, s19;
	[smem:$0x7F4] =	sst s20  }
0x43: {  	s2 =	sadd.s32 s23, s9;
	[smem:$0x7F8] =	sst s24  }
0x44: {  	s7 =	sadd.s32 s16, s26;
	[smem:$0x7DF] =	sst s2  }
0x45: {  	s9 =	sadd.s32 $0x80400, s3;
	[smem:$0x7E8] =	sst s7  }
0x46: {  	s13 =	sshll.u32 s17, $0x6;
	[smem:$0x7EB] =	sst s9  }
0x47: {  	s14 =	smov.u32 s16;
	s16 =	sadd.s32 $0x4000, s19;
	[smem:$0x7F0] =	sst s13  }
0x48: {  	s17 =	sadd.s32 $0x6000, s19;
	[smem:$0x7F2] =	sst s16  }
0x49: {  	s25 =	sor.u32 $0xC00, s1;
	[smem:$0x7F3] =	sst s17  }
0x4a: {  	s31 =	sor.u32 $0x400, s1;
	[smem:$0x7F9] =	sst s25  }
0x4b: {  	s2 =	sadd.s32 s23, s11;
	[smem:$0x7FC] =	sst s31  }
0x4c: {  	s28 =	simm.s32 $0x4;
	s11 =	sadd.s32 $0x80C00, s3;
	[smem:$0x7E1] =	sst s2  }
0x4d: {  	s29 =	simm.s32 $0x9;
	s30 =	sor.u32 $0x1C01, s13;
	[smem:$0x7ED] =	sst s11  }
.Ltmp0:
0x4e: {  	s2 =	sadd.s32 s23, s21;
	[smem:$0x7FD] =	sst s30;
	(pc) =	sbr.rel .LBB2_1-.Ltmp0, $4  }
0x4f: {  	s0 =	simm.s32 $0xA;
	s21 =	sadd.s32 $0xA000, s19;
	[smem:$0x7E5] =	sst s2  }
0x50: {  	s12 =	simm.s32 $0x10;
	s2 =	sadd.s32 s23, s26;
	[smem:$0x7F5] =	sst s21  }
0x51: {  	s22 =	simm.s32 $0x2;
	s26 =	sor.u32 $0x800, s1;
	[smem:$0x7E9] =	sst s2  }
0x52: {  	s21 =	simm.s32 $0x1;
	[smem:$0x7FA] =	sst s26;
	s26 =	simm.s32 $0x3  }
.LBB2_5:
0x53: {  	s4 =	rddreg [dreg:$0x3];
	s3 =	smov.u32 s23  }
.LBB2_6:
0x54: {  	s6 =	sld [smem:$0x7FB];
	_ =	sdelay $0x2  }
0x55: {  	s6 =	sadd.s32 s4, s6  }
0x56: {  	[spmem:s18], [sflag:s30] =	dma.local [hbm:s6], $0x400  }
0x57: {  	s6 =	sld [smem:$0x7FC];
	_ =	sdelay $0x2  }
0x58: {  	s6 =	sadd.s32 s6, s4  }
0x59: {  	[spmem:s17], [sflag:s15] =	dma.local [hbm:s6], $0x400  }
0x5a: {  	s6 =	sld [smem:$0x7FA];
	_ =	sdelay $0x2  }
0x5b: {  	s6 =	sadd.s32 s6, s4  }
0x5c: {  	[spmem:s13], [sflag:s16] =	dma.local [hbm:s6], $0x400  }
0x5d: {  	s6 =	sld [smem:$0x7F9];
	_ =	sdelay $0x2  }
0x5e: {  	s16 =	sadd.s32 s6, s4  }
0x5f: {  	[spmem:s7], [sflag:s19] =	dma.local [hbm:s16], $0x400  }
0x60: {  	_ =	swait.ge [sflag:s21], $0x400  }
0x61: {  	s19 =	sld [smem:$0x7EA];
	_ =	sdelay $0x1  }
0x62: {  	[sflag:s21] =	ssyncset.done $0x0  }
0x63: {  	[sflag:s21] =	ssyncadd.s32 $0xFFFFFC00;
	s4 =	sadd.s32 s3, s19  }
0x64: {  	[hbm:s4], [sflag:s20] =	dma.local [spmem:s18], $0x400  }
0x65: {  	_ =	swait.ge [sflag:s22], $0x400  }
0x66: {  	s20 =	sld [smem:$0x7EB];
	_ =	sdelay $0x1  }
0x67: {  	[sflag:s22] =	ssyncset.done $0x0  }
0x68: {  	[sflag:s22] =	ssyncadd.s32 $0xFFFFFC00;
	s4 =	sadd.s32 s3, s20  }
0x69: {  	[hbm:s4], [sflag:s12] =	dma.local [spmem:s17], $0x400  }
0x6a: {  	_ =	swait.ge [sflag:s26], $0x400  }
0x6b: {  	s24 =	sld [smem:$0x7EC];
	_ =	sdelay $0x1  }
0x6c: {  	[sflag:s26] =	ssyncset.done $0x0  }
0x6d: {  	[sflag:s26] =	ssyncadd.s32 $0xFFFFFC00;
	s4 =	sadd.s32 s3, s24  }
0x6e: {  	[hbm:s4], [sflag:s1] =	dma.local [spmem:s13], $0x400  }
0x6f: {  	_ =	swait.ge [sflag:s28], $0x400  }
0x70: {  	s25 =	sld [smem:$0x7ED];
	_ =	sdelay $0x1  }
0x71: {  	[sflag:s28] =	ssyncset.done $0x0  }
0x72: {  	[sflag:s28] =	ssyncadd.s32 $0xFFFFFC00;
	s31 =	sadd.s32 s3, s25  }
0x73: {  	[hbm:s31], [sflag:s10] =	dma.local [spmem:s7], $0x400  }
0x74: {  	_ =	swait.ge [sflag:s29], $0x400  }
0x75: {  	[sflag:s29] =	ssyncset.done $0x0  }
0x76: {  	[sflag:s29] =	ssyncadd.s32 $0xFFFFFC00  }
0x77: {  	_ =	swait.ge [sflag:s0], $0x400  }
0x78: {  	[sflag:s0] =	ssyncset.done $0x0  }
0x79: {  	[sflag:s0] =	ssyncadd.s32 $0xFFFFFC00  }
0x7a: {  	_ =	swait.ge [sflag:s2], $0x400  }
0x7b: {  	[sflag:s2] =	ssyncset.done $0x0  }
0x7c: {  	[sflag:s2] =	ssyncadd.s32 $0xFFFFFC00  }
0x7d: {  	_ =	swait.ge [sflag:s9], $0x400  }
0x7e: {  	[sflag:s9] =	ssyncset.done $0x0  }
0x7f: {  	s3 =	sld [smem:$0x7C4];
	[sflag:s9] =	ssyncadd.s32 $0xFFFFFC00  }
.LBB2_7:
0x80: {  	s4 =	sld [smem:$0x7EE];
	_ =	sdelay $0x1  }
0x81: {  	s18 =	sadd.s32 $0x1, s3  }
0x82: {  	p2 =	sne.s32 s18, s4  }
.Ltmp1:
0x83: {  	_ = 	snop;
	(pc) =	sbr.rel @!p2 .LBB2_8-.Ltmp1, $2  }
0x84: {  	_ =	sdelay $0x2  }
0x85: {  	s12 =	simm.s32 $0x10  }
.LBB2_1:
0x86: {  	s3 =	sld [smem:$0x7F7]  }
0x87: {  	s5 =	sld [smem:$0x7D0];
	_ =	sdelay $0x1  }
0x88: {  	[smem:$0x7C4] =	sst s18;
	s18 =	sshrl.u32 s3, $0x3  }
0x89: {  	[spmem:s18], [sflag:s30] =	dma.local [hbm:s5], $0x400  }
0x8a: {  	s19 =	sld [smem:$0x7F0]  }
0x8b: {  	s3 =	sld [smem:$0x7F1]  }
0x8c: {  	s6 =	sld [smem:$0x7D1];
	_ =	sdelay $0x1  }
0x8d: {  	s2 =	sor.u32 $0x1C02, s19;
	s17 =	sshrl.u32 s3, $0x3  }
0x8e: {  	[spmem:s17], [sflag:s2] =	dma.local [hbm:s6], $0x400  }
0x8f: {  	s3 =	sld [smem:$0x7F2]  }
0x90: {  	s7 =	sld [smem:$0x7CA];
	_ =	sdelay $0x1  }
0x91: {  	s24 =	sor.u32 $0x1C03, s19;
	[dreg:$0x16] =	wrdreg s2;
	s13 =	sshrl.u32 s3, $0x3  }
0x92: {  	[spmem:s13], [sflag:s24] =	dma.local [hbm:s7], $0x400  }
0x93: {  	s3 =	sld [smem:$0x7F3]  }
0x94: {  	s8 =	sld [smem:$0x7CB];
	_ =	sdelay $0x1  }
0x95: {  	s20 =	sor.u32 $0x1C04, s19;
	[dreg:$0x17] =	wrdreg s24;
	s7 =	sshrl.u32 s3, $0x3  }
0x96: {  	[spmem:s7], [sflag:s20] =	dma.local [hbm:s8], $0x400  }
0x97: {  	s3 =	sld [smem:$0x7F4]  }
0x98: {  	s9 =	sld [smem:$0x7CC];
	_ =	sdelay $0x1  }
0x99: {  	s25 =	sor.u32 $0x1C05, s19;
	[dreg:$0x18] =	wrdreg s20;
	s15 =	sshrl.u32 s3, $0x3  }
0x9a: {  	[spmem:s15], [sflag:s25] =	dma.local [hbm:s9], $0x400  }
0x9b: {  	_ =	swait.ge [sflag:s21], $0x400  }
0x9c: {  	s10 =	sld [smem:$0x7E2]  }
0x9d: {  	[sflag:s21] =	ssyncset.done $0x0  }
0x9e: {  	s9 =	sor.u32 $0x1C09, s19;
	[sflag:s21] =	ssyncadd.s32 $0xFFFFFC00  }
0x9f: {  	[hbm:s10], [sflag:s9] =	dma.local [spmem:s18], $0x400  }
0xa0: {  	s3 =	sld [smem:$0x7F5]  }
0xa1: {  	s4 =	sld [smem:$0x7CD];
	_ =	sdelay $0x1  }
0xa2: {  	s31 =	sor.u32 $0x1C06, s19;
	s3 =	sshrl.u32 s3, $0x3  }
0xa3: {  	[spmem:s3], [sflag:s31] =	dma.local [hbm:s4], $0x400  }
0xa4: {  	_ =	swait.ge [sflag:s22], $0x400  }
0xa5: {  	s11 =	sld [smem:$0x7E3]  }
0xa6: {  	[sflag:s22] =	ssyncset.done $0x0  }
0xa7: {  	s1 =	sor.u32 $0x1C0A, s19;
	[sflag:s22] =	ssyncadd.s32 $0xFFFFFC00  }
0xa8: {  	[hbm:s11], [sflag:s1] =	dma.local [spmem:s17], $0x400  }
0xa9: {  	s4 =	sld [smem:$0x7F6]  }
0xaa: {  	s6 =	sld [smem:$0x7CE];
	_ =	sdelay $0x1  }
0xab: {  	s11 =	sor.u32 $0x1C07, s19;
	s4 =	sshrl.u32 s4, $0x3  }
0xac: {  	[spmem:s4], [sflag:s11] =	dma.local [hbm:s6], $0x400  }
0xad: {  	_ =	swait.ge [sflag:s26], $0x400  }
0xae: {  	s16 =	sld [smem:$0x7DA]  }
0xaf: {  	[sflag:s26] =	ssyncset.done $0x0  }
0xb0: {  	s5 =	sor.u32 $0x1C0B, s19;
	[sflag:s26] =	ssyncadd.s32 $0xFFFFFC00  }
0xb1: {  	[hbm:s16], [sflag:s5] =	dma.local [spmem:s13], $0x400  }
0xb2: {  	s6 =	sld [smem:$0x7F8]  }
0xb3: {  	s8 =	sld [smem:$0x7CF];
	_ =	sdelay $0x1  }
0xb4: {  	s10 =	sor.u32 $0x1C08, s19;
	s16 =	sshrl.u32 s6, $0x3  }
0xb5: {  	[spmem:s16], [sflag:s10] =	dma.local [hbm:s8], $0x400  }
0xb6: {  	_ =	swait.ge [sflag:s28], $0x400  }
0xb7: {  	s6 =	sld [smem:$0x7DB]  }
0xb8: {  	s8 =	sor.u32 $0x1C0C, s19;
	[sflag:s28] =	ssyncset.done $0x0  }
0xb9: {  	[dreg:$0x1c] =	wrdreg s8;
	[sflag:s28] =	ssyncadd.s32 $0xFFFFFC00  }
0xba: {  	[hbm:s6], [sflag:s8] =	dma.local [spmem:s7], $0x400  }
0xbb: {  	_ =	swait.ge [sflag:s29], $0x400  }
0xbc: {  	s8 =	sld [smem:$0x7D2]  }
0xbd: {  	[sflag:s29] =	ssyncset.done $0x0  }
0xbe: {  	[sflag:s29] =	ssyncadd.s32 $0xFFFFFC00  }
0xbf: {  	[spmem:s18], [sflag:s30] =	dma.local [hbm:s8], $0x400  }
0xc0: {  	s8 =	simm.s32 $0x5  }
0xc1: {  	_ =	swait.ge [sflag:s8], $0x400  }
0xc2: {  	[sflag:s8] =	ssyncset.done $0x0  }
0xc3: {  	[sflag:s8] =	ssyncadd.s32 $0xFFFFFC00;
	s8 =	sld [smem:$0x7DC];
	_ =	sdelay $0x1  }
0xc4: {  	s30 =	sor.u32 $0x1C0D, s19  }
0xc5: {  	[hbm:s8], [sflag:s30] =	dma.local [spmem:s15], $0x400  }
0xc6: {  	_ =	swait.ge [sflag:s0], $0x400  }
0xc7: {  	s8 =	sld [smem:$0x7D3]  }
0xc8: {  	[sflag:s0] =	ssyncset.done $0x0  }
0xc9: {  	[sflag:s0] =	ssyncadd.s32 $0xFFFFFC00  }
0xca: {  	[spmem:s17], [sflag:s2] =	dma.local [hbm:s8], $0x400  }
0xcb: {  	s8 =	simm.s32 $0x6  }
0xcc: {  	_ =	swait.ge [sflag:s8], $0x400  }
0xcd: {  	[sflag:s8] =	ssyncset.done $0x0  }
0xce: {  	[sflag:s8] =	ssyncadd.s32 $0xFFFFFC00;
	s8 =	sld [smem:$0x7DD]  }
0xcf: {  	s6 =	sor.u32 $0x1C0E, s19  }
0xd0: {  	[smem:$0x7C8] =	sst s6  }
0xd1: {  	[hbm:s8], [sflag:s6] =	dma.local [spmem:s3], $0x400  }
0xd2: {  	s8 =	simm.s32 $0xB  }
0xd3: {  	_ =	swait.ge [sflag:s8], $0x400  }
0xd4: {  	s2 =	sld [smem:$0x7D4]  }
0xd5: {  	[sflag:s8] =	ssyncset.done $0x0  }
0xd6: {  	s6 =	simm.s32 $0x7;
	[sflag:s8] =	ssyncadd.s32 $0xFFFFFC00  }
0xd7: {  	[spmem:s13], [sflag:s24] =	dma.local [hbm:s2], $0x400  }
0xd8: {  	_ =	swait.ge [sflag:s6], $0x400  }
0xd9: {  	s24 =	sld [smem:$0x7DE]  }
0xda: {  	[sflag:s6] =	ssyncset.done $0x0  }
0xdb: {  	s2 =	sor.u32 $0x1C0F, s19;
	[sflag:s6] =	ssyncadd.s32 $0xFFFFFC00  }
0xdc: {  	[hbm:s24], [sflag:s2] =	dma.local [spmem:s4], $0x400  }
0xdd: {  	s24 =	simm.s32 $0xC  }
0xde: {  	_ =	swait.ge [sflag:s24], $0x400  }
0xdf: {  	[sflag:s24] =	ssyncset.done $0x0  }
0xe0: {  	[sflag:s24] =	ssyncadd.s32 $0xFFFFFC00;
	s24 =	sld [smem:$0x7D5];
	_ =	sdelay $0x2  }
0xe1: {  	[spmem:s7], [sflag:s20] =	dma.local [hbm:s24], $0x400  }
0xe2: {  	s24 =	simm.s32 $0x8  }
0xe3: {  	_ =	swait.ge [sflag:s24], $0x400  }
0xe4: {  	[sflag:s24] =	ssyncset.done $0x0  }
0xe5: {  	[sflag:s24] =	ssyncadd.s32 $0xFFFFFC00;
	s24 =	sld [smem:$0x7DF]  }
0xe6: {  	s6 =	sor.u32 $0x1C10, s19  }
0xe7: {  	[smem:$0x7C5] =	sst s6  }
0xe8: {  	[hbm:s24], [sflag:s6] =	dma.local [spmem:s16], $0x400  }
0xe9: {  	s24 =	simm.s32 $0xD  }
0xea: {  	_ =	swait.ge [sflag:s24], $0x400;
	s24 =	simm.s32 $0xD  }
0xeb: {  	s6 =	rddreg [dreg:$0x13];
	[sflag:s24] =	ssyncset.done $0x0  }
0xec: {  	[dreg:$0x1d] =	wrdreg s25;
	[sflag:s24] =	ssyncadd.s32 $0xFFFFFC00;
	s20 =	sadd.s32 $0x0, s6  }
0xed: {  	[spmem:s15], [sflag:s25] =	dma.local [hbm:s20], $0x400  }
0xee: {  	_ =	swait.ge [sflag:s21], $0x400  }
0xef: {  	s6 =	sld [smem:$0x7EF];
	_ =	sdelay $0x2  }
0xf0: {  	[sflag:s21] =	ssyncset.done $0x0;
	s20 =	sshrl.u32 s6, $0x4  }
0xf1: {  	[dreg:$0x19] =	wrdreg s9;
	[sflag:s21] =	ssyncadd.s32 $0xFFFFFC00;
	s21 =	sadd.s32 s14, s20  }
0xf2: {  	[hbm:s21], [sflag:s9] =	dma.local [spmem:s18], $0x400  }
0xf3: {  	s9 =	simm.s32 $0xE  }
0xf4: {  	_ =	swait.ge [sflag:s9], $0x400  }
0xf5: {  	s21 =	rddreg [dreg:$0x12];
	[sflag:s9] =	ssyncset.done $0x0  }
0xf6: {  	[dreg:$0x1e] =	wrdreg s31;
	[sflag:s9] =	ssyncadd.s32 $0xFFFFFC00;
	s21 =	sadd.s32 $0x0, s21  }
0xf7: {  	[spmem:s3], [sflag:s31] =	dma.local [hbm:s21], $0x400  }
0xf8: {  	_ =	swait.ge [sflag:s22], $0x400  }
0xf9: {  	s19 =	simm.s32 $0xF;
	[sflag:s22] =	ssyncset.done $0x0  }
0xfa: {  	s20 =	sadd.s32 s23, s20;
	[dreg:$0x1a] =	wrdreg s1;
	[sflag:s22] =	ssyncadd.s32 $0xFFFFFC00  }
0xfb: {  	[hbm:s20], [sflag:s1] =	dma.local [spmem:s17], $0x400  }
0xfc: {  	_ =	swait.ge [sflag:s19], $0x400  }
0xfd: {  	s21 =	rddreg [dreg:$0xf];
	[sflag:s19] =	ssyncset.done $0x0  }
0xfe: {  	[dreg:$0x1f] =	wrdreg s11;
	[sflag:s19] =	ssyncadd.s32 $0xFFFFFC00;
	s20 =	sadd.s32 $0x0, s21  }
0xff: {  	[spmem:s4], [sflag:s11] =	dma.local [hbm:s20], $0x400  }
0x100: {  	_ =	swait.ge [sflag:s26], $0x400  }
0x101: {  	s22 =	rddreg [dreg:$0xd];
	[sflag:s26] =	ssyncset.done $0x0  }
0x102: {  	[dreg:$0x1b] =	wrdreg s5;
	[sflag:s26] =	ssyncadd.s32 $0xFFFFFC00;
	s20 =	sadd.s32 $0x0, s22  }
0x103: {  	[hbm:s20], [sflag:s5] =	dma.local [spmem:s13], $0x400  }
0x104: {  	_ =	swait.ge [sflag:s12], $0x400  }
0x105: {  	s26 =	rddreg [dreg:$0xe];
	[sflag:s12] =	ssyncset.done $0x0  }
0x106: {  	[smem:$0x7C6] =	sst s10;
	[sflag:s12] =	ssyncadd.s32 $0xFFFFFC00;
	s20 =	sadd.s32 $0x0, s26  }
0x107: {  	[spmem:s16], [sflag:s10] =	dma.local [hbm:s20], $0x400  }
0x108: {  	_ =	swait.ge [sflag:s28], $0x400  }
0x109: {  	s1 =	rddreg [dreg:$0xc];
	[sflag:s28] =	ssyncset.done $0x0  }
0x10a: {  	s5 =	rddreg [dreg:$0x1c];
	[sflag:s28] =	ssyncadd.s32 $0xFFFFFC00;
	s20 =	sadd.s32 $0x0, s1  }
0x10b: {  	[hbm:s20], [sflag:s5] =	dma.local [spmem:s7], $0x400  }
0x10c: {  	_ =	swait.ge [sflag:s29], $0x400  }
0x10d: {  	s10 =	sld [smem:$0x7FD]  }
0x10e: {  	s9 =	rddreg [dreg:$0xb];
	[sflag:s29] =	ssyncset.done $0x0  }
0x10f: {  	s11 =	simm.s32 $0x5;
	[sflag:s29] =	ssyncadd.s32 $0xFFFFFC00;
	s20 =	sadd.s32 $0x0, s9  }
0x110: {  	[spmem:s18], [sflag:s10] =	dma.local [hbm:s20], $0x400  }
0x111: {  	_ =	swait.ge [sflag:s11], $0x400  }
0x112: {  	s12 =	rddreg [dreg:$0x15];
	[sflag:s11] =	ssyncset.done $0x0  }
0x113: {  	[smem:$0x7C7] =	sst s30;
	[sflag:s11] =	ssyncadd.s32 $0xFFFFFC00;
	s20 =	sadd.s32 $0x0, s12  }
0x114: {  	[hbm:s20], [sflag:s30] =	dma.local [spmem:s15], $0x400  }
0x115: {  	_ =	swait.ge [sflag:s0], $0x400  }
0x116: {  	s22 =	simm.s32 $0x6;
	s19 =	rddreg [dreg:$0xa];
	[sflag:s0] =	ssyncset.done $0x0  }
0x117: {  	s21 =	rddreg [dreg:$0x16];
	[sflag:s0] =	ssyncadd.s32 $0xFFFFFC00;
	s20 =	sadd.s32 $0x0, s19  }
0x118: {  	[spmem:s17], [sflag:s21] =	dma.local [hbm:s20], $0x400  }
0x119: {  	_ =	swait.ge [sflag:s22], $0x400  }
0x11a: {  	s8 =	simm.s32 $0xB;
	s25 =	simm.s32 $0x1;
	s30 =	sld [smem:$0x7C8]  }
0x11b: {  	s31 =	simm.s32 $0x5;
	s26 =	rddreg [dreg:$0x14];
	[sflag:s22] =	ssyncset.done $0x0  }
0x11c: {  	s28 =	simm.s32 $0x3;
	[sflag:s22] =	ssyncadd.s32 $0xFFFFFC00;
	s20 =	sadd.s32 $0x0, s26  }
0x11d: {  	[hbm:s20], [sflag:s30] =	dma.local [spmem:s3], $0x400  }
0x11e: {  	s29 =	simm.s32 $0x4;
	s10 =	simm.s32 $0xC;
	_ =	swait.ge [sflag:s8], $0x400  }
0x11f: {  	s12 =	simm.s32 $0x10;
	s0 =	simm.s32 $0xA;
	s1 =	rddreg [dreg:$0x9]  }
0x120: {  	s21 =	simm.s32 $0x8;
	[sflag:s8] =	ssyncset.done $0x0;
	s5 =	rddreg [dreg:$0x17]  }
0x121: {  	[sflag:s8] =	ssyncadd.s32 $0xFFFFFC00;
	s20 =	sadd.s32 $0x0, s1;
	s8 =	simm.s32 $0x7  }
0x122: {  	[spmem:s13], [sflag:s5] =	dma.local [hbm:s20], $0x400  }
0x123: {  	s26 =	simm.s32 $0x2;
	s30 =	simm.s32 $0x9;
	_ =	swait.ge [sflag:s8], $0x400  }
0x124: {  	s1 =	simm.s32 $0x7;
	s9 =	rddreg [dreg:$0x11];
	[sflag:s8] =	ssyncset.done $0x0  }
0x125: {  	[smem:$0x7C9] =	sst s2;
	[sflag:s8] =	ssyncadd.s32 $0xFFFFFC00;
	s20 =	sadd.s32 $0x0, s9  }
0x126: {  	[hbm:s20], [sflag:s2] =	dma.local [spmem:s4], $0x400  }
0x127: {  	s5 =	simm.s32 $0x6;
	s8 =	simm.s32 $0xC;
	_ =	swait.ge [sflag:s10], $0x400  }
0x128: {  	s9 =	simm.s32 $0x8;
	s11 =	rddreg [dreg:$0x8];
	[sflag:s10] =	ssyncset.done $0x0  }
0x129: {  	s19 =	rddreg [dreg:$0x18];
	[sflag:s10] =	ssyncadd.s32 $0xFFFFFC00;
	s20 =	sadd.s32 $0x0, s11  }
0x12a: {  	[spmem:s7], [sflag:s19] =	dma.local [hbm:s20], $0x400  }
0x12b: {  	s2 =	simm.s32 $0xB;
	s11 =	simm.s32 $0xE;
	_ =	swait.ge [sflag:s21], $0x400  }
0x12c: {  	s20 =	simm.s32 $0x1000;
	s22 =	rddreg [dreg:$0x10];
	[sflag:s21] =	ssyncset.done $0x0  }
0x12d: {  	[sflag:s21] =	ssyncadd.s32 $0xFFFFFC00;
	s22 =	sadd.s32 $0x0, s22;
	s21 =	sadd.s32 $0x10000, s6  }
.LBB2_2:
0x12e: {  	s6 =	sld [smem:$0x7C5];
	_ =	sdelay $0x2  }
0x12f: {  	[hbm:s22], [sflag:s6] =	dma.local [spmem:s16], $0x400  }
0x130: {  	s19 =	smov.u32 s23;
	_ =	swait.ge [sflag:s24], $0x400  }
0x131: {  	s22 =	smov.u32 s20;
	[sflag:s24] =	ssyncset.done $0x0;
	s6 =	rddreg [dreg:$0x13]  }
0x132: {  	s10 =	rddreg [dreg:$0x1d];
	[sflag:s24] =	ssyncadd.s32 $0xFFFFFC00;
	s23 =	sadd.s32 s22, s6  }
0x133: {  	[spmem:s15], [sflag:s10] =	dma.local [hbm:s23], $0x400  }
0x134: {  	_ =	swait.ge [sflag:s25], $0x400  }
0x135: {  	s6 =	smov.u32 s14;
	s23 =	sshrl.u32 s21, $0x4;
	[sflag:s25] =	ssyncset.done $0x0  }
0x136: {  	s14 =	sadd.s32 s14, s23;
	s10 =	rddreg [dreg:$0x19];
	[sflag:s25] =	ssyncadd.s32 $0xFFFFFC00  }
0x137: {  	[hbm:s14], [sflag:s10] =	dma.local [spmem:s18], $0x400  }
0x138: {  	_ =	swait.ge [sflag:s11], $0x400  }
0x139: {  	[sflag:s11] =	ssyncset.done $0x0;
	s10 =	rddreg [dreg:$0x12]  }
0x13a: {  	[sflag:s11] =	ssyncadd.s32 $0xFFFFFC00;
	s14 =	sadd.s32 s22, s10;
	s10 =	rddreg [dreg:$0x1e]  }
0x13b: {  	[spmem:s3], [sflag:s10] =	dma.local [hbm:s14], $0x400  }
0x13c: {  	_ =	swait.ge [sflag:s26], $0x400  }
0x13d: {  	s14 =	sadd.s32 s19, s23;
	s23 =	smov.u32 s19;
	[sflag:s26] =	ssyncset.done $0x0  }
0x13e: {  	s19 =	simm.s32 $0xF;
	s10 =	rddreg [dreg:$0x1a];
	[sflag:s26] =	ssyncadd.s32 $0xFFFFFC00  }
0x13f: {  	[hbm:s14], [sflag:s10] =	dma.local [spmem:s17], $0x400  }
0x140: {  	_ =	swait.ge [sflag:s19], $0x400  }
0x141: {  	[sflag:s19] =	ssyncset.done $0x0;
	s10 =	rddreg [dreg:$0xf]  }
0x142: {  	[sflag:s19] =	ssyncadd.s32 $0xFFFFFC00;
	s14 =	sadd.s32 s22, s10;
	s10 =	rddreg [dreg:$0x1f]  }
0x143: {  	[spmem:s4], [sflag:s10] =	dma.local [hbm:s14], $0x400  }
0x144: {  	_ =	swait.ge [sflag:s28], $0x400  }
0x145: {  	[sflag:s28] =	ssyncset.done $0x0;
	s10 =	rddreg [dreg:$0xd]  }
0x146: {  	[sflag:s28] =	ssyncadd.s32 $0xFFFFFC00;
	s14 =	sadd.s32 s22, s10;
	s10 =	rddreg [dreg:$0x1b]  }
0x147: {  	[hbm:s14], [sflag:s10] =	dma.local [spmem:s13], $0x400  }
0x148: {  	_ =	swait.ge [sflag:s12], $0x400  }
0x149: {  	s10 =	rddreg [dreg:$0xe]  }
0x14a: {  	s14 =	sadd.s32 s22, s10;
	s10 =	sld [smem:$0x7C6]  }
0x14b: {  	[sflag:s12] =	ssyncset.done $0x0  }
0x14c: {  	[sflag:s12] =	ssyncadd.s32 $0xFFFFFC00  }
0x14d: {  	[spmem:s16], [sflag:s10] =	dma.local [hbm:s14], $0x400  }
0x14e: {  	_ =	swait.ge [sflag:s29], $0x400  }
0x14f: {  	[sflag:s29] =	ssyncset.done $0x0;
	s10 =	rddreg [dreg:$0xc]  }
0x150: {  	[sflag:s29] =	ssyncadd.s32 $0xFFFFFC00;
	s14 =	sadd.s32 s22, s10;
	s10 =	rddreg [dreg:$0x1c]  }
0x151: {  	[hbm:s14], [sflag:s10] =	dma.local [spmem:s7], $0x400  }
0x152: {  	_ =	swait.ge [sflag:s30], $0x400  }
0x153: {  	s10 =	rddreg [dreg:$0xb]  }
0x154: {  	s14 =	sadd.s32 s22, s10;
	s10 =	sld [smem:$0x7FD]  }
0x155: {  	[sflag:s30] =	ssyncset.done $0x0  }
0x156: {  	[sflag:s30] =	ssyncadd.s32 $0xFFFFFC00  }
0x157: {  	[spmem:s18], [sflag:s10] =	dma.local [hbm:s14], $0x400  }
0x158: {  	_ =	swait.ge [sflag:s31], $0x400  }
0x159: {  	s10 =	rddreg [dreg:$0x15]  }
0x15a: {  	s14 =	sadd.s32 s22, s10;
	s10 =	sld [smem:$0x7C7]  }
0x15b: {  	[sflag:s31] =	ssyncset.done $0x0  }
0x15c: {  	[sflag:s31] =	ssyncadd.s32 $0xFFFFFC00  }
0x15d: {  	[hbm:s14], [sflag:s10] =	dma.local [spmem:s15], $0x400  }
0x15e: {  	_ =	swait.ge [sflag:s0], $0x400  }
0x15f: {  	[sflag:s0] =	ssyncset.done $0x0;
	s10 =	rddreg [dreg:$0xa]  }
0x160: {  	[sflag:s0] =	ssyncadd.s32 $0xFFFFFC00;
	s14 =	sadd.s32 s22, s10;
	s10 =	rddreg [dreg:$0x16]  }
0x161: {  	[spmem:s17], [sflag:s10] =	dma.local [hbm:s14], $0x400  }
0x162: {  	_ =	swait.ge [sflag:s5], $0x400  }
0x163: {  	s10 =	rddreg [dreg:$0x14]  }
0x164: {  	s14 =	sadd.s32 s22, s10;
	s10 =	sld [smem:$0x7C8]  }
0x165: {  	[sflag:s5] =	ssyncset.done $0x0  }
0x166: {  	[sflag:s5] =	ssyncadd.s32 $0xFFFFFC00  }
0x167: {  	[hbm:s14], [sflag:s10] =	dma.local [spmem:s3], $0x400  }
0x168: {  	_ =	swait.ge [sflag:s2], $0x400  }
0x169: {  	[sflag:s2] =	ssyncset.done $0x0;
	s10 =	rddreg [dreg:$0x9]  }
0x16a: {  	[sflag:s2] =	ssyncadd.s32 $0xFFFFFC00;
	s14 =	sadd.s32 s22, s10;
	s10 =	rddreg [dreg:$0x17]  }
0x16b: {  	[spmem:s13], [sflag:s10] =	dma.local [hbm:s14], $0x400  }
0x16c: {  	_ =	swait.ge [sflag:s1], $0x400  }
0x16d: {  	s10 =	rddreg [dreg:$0x11]  }
0x16e: {  	s14 =	sadd.s32 s22, s10;
	s10 =	sld [smem:$0x7C9]  }
0x16f: {  	[sflag:s1] =	ssyncset.done $0x0  }
0x170: {  	[sflag:s1] =	ssyncadd.s32 $0xFFFFFC00  }
0x171: {  	[hbm:s14], [sflag:s10] =	dma.local [spmem:s4], $0x400  }
0x172: {  	_ =	swait.ge [sflag:s8], $0x400  }
0x173: {  	[sflag:s8] =	ssyncset.done $0x0  }
0x174: {  	p2 =	sne.s32 s20, $0x1D000;
	s10 =	rddreg [dreg:$0x8];
	[sflag:s8] =	ssyncadd.s32 $0xFFFFFC00  }
.Ltmp2:
0x175: {  	s14 =	sadd.s32 s22, s10;
	s10 =	rddreg [dreg:$0x18];
	(pc) =	sbr.rel @p2 .LBB2_2-.Ltmp2, $4  }
0x176: {  	[spmem:s7], [sflag:s10] =	dma.local [hbm:s14], $0x400  }
0x177: {  	s20 =	sadd.s32 $0x1000, s20;
	_ =	swait.ge [sflag:s9], $0x400  }
0x178: {  	s21 =	sadd.s32 $0x10000, s21;
	[sflag:s9] =	ssyncset.done $0x0;
	s10 =	rddreg [dreg:$0x10]  }
0x179: {  	s14 =	smov.u32 s6;
	[sflag:s9] =	ssyncadd.s32 $0xFFFFFC00;
	s22 =	sadd.s32 s22, s10  }
0x17a: {  	s20 =	sld [smem:$0x7C5];
	_ =	sdelay $0x2  }
0x17b: {  	[hbm:s22], [sflag:s20] =	dma.local [spmem:s16], $0x400  }
0x17c: {  	_ =	swait.ge [sflag:s24], $0x400  }
0x17d: {  	s6 =	sld [smem:$0x7D6]  }
0x17e: {  	[sflag:s24] =	ssyncset.done $0x0  }
0x17f: {  	s10 =	rddreg [dreg:$0x1d];
	[sflag:s24] =	ssyncadd.s32 $0xFFFFFC00  }
0x180: {  	[spmem:s15], [sflag:s10] =	dma.local [hbm:s6], $0x400  }
0x181: {  	_ =	swait.ge [sflag:s25], $0x400  }
0x182: {  	s10 =	sld [smem:$0x7E0]  }
0x183: {  	[sflag:s25] =	ssyncset.done $0x0  }
0x184: {  	s21 =	rddreg [dreg:$0x19];
	[sflag:s25] =	ssyncadd.s32 $0xFFFFFC00  }
0x185: {  	[hbm:s10], [sflag:s21] =	dma.local [spmem:s18], $0x400  }
0x186: {  	_ =	swait.ge [sflag:s11], $0x400  }
0x187: {  	s22 =	sld [smem:$0x7D7]  }
0x188: {  	[sflag:s11] =	ssyncset.done $0x0  }
0x189: {  	s25 =	rddreg [dreg:$0x1e];
	[sflag:s11] =	ssyncadd.s32 $0xFFFFFC00  }
0x18a: {  	[spmem:s3], [sflag:s25] =	dma.local [hbm:s22], $0x400  }
0x18b: {  	_ =	swait.ge [sflag:s26], $0x400  }
0x18c: {  	s21 =	sld [smem:$0x7E1]  }
0x18d: {  	[sflag:s26] =	ssyncset.done $0x0  }
0x18e: {  	s22 =	rddreg [dreg:$0x1a];
	[sflag:s26] =	ssyncadd.s32 $0xFFFFFC00  }
0x18f: {  	[hbm:s21], [sflag:s22] =	dma.local [spmem:s17], $0x400  }
0x190: {  	_ =	swait.ge [sflag:s19], $0x400  }
0x191: {  	s25 =	sld [smem:$0x7D8]  }
0x192: {  	[sflag:s19] =	ssyncset.done $0x0  }
0x193: {  	s26 =	rddreg [dreg:$0x1f];
	[sflag:s19] =	ssyncadd.s32 $0xFFFFFC00  }
0x194: {  	[spmem:s4], [sflag:s26] =	dma.local [hbm:s25], $0x400  }
0x195: {  	_ =	swait.ge [sflag:s28], $0x400  }
0x196: {  	s10 =	sld [smem:$0x7E4]  }
0x197: {  	[sflag:s28] =	ssyncset.done $0x0  }
0x198: {  	s25 =	rddreg [dreg:$0x1b];
	[sflag:s28] =	ssyncadd.s32 $0xFFFFFC00  }
0x199: {  	[hbm:s10], [sflag:s25] =	dma.local [spmem:s13], $0x400  }
0x19a: {  	_ =	swait.ge [sflag:s12], $0x400  }
0x19b: {  	s21 =	sld [smem:$0x7D9]  }
0x19c: {  	s22 =	sld [smem:$0x7C6]  }
0x19d: {  	[sflag:s12] =	ssyncset.done $0x0  }
0x19e: {  	[sflag:s12] =	ssyncadd.s32 $0xFFFFFC00  }
0x19f: {  	[spmem:s16], [sflag:s22] =	dma.local [hbm:s21], $0x400  }
0x1a0: {  	_ =	swait.ge [sflag:s29], $0x400  }
0x1a1: {  	s26 =	sld [smem:$0x7E5]  }
0x1a2: {  	[sflag:s29] =	ssyncset.done $0x0  }
0x1a3: {  	s10 =	rddreg [dreg:$0x1c];
	[sflag:s29] =	ssyncadd.s32 $0xFFFFFC00  }
0x1a4: {  	[hbm:s26], [sflag:s10] =	dma.local [spmem:s7], $0x400  }
0x1a5: {  	_ =	swait.ge [sflag:s30], $0x400  }
0x1a6: {  	[sflag:s30] =	ssyncset.done $0x0  }
0x1a7: {  	[sflag:s30] =	ssyncadd.s32 $0xFFFFFC00  }
0x1a8: {  	_ =	swait.ge [sflag:s31], $0x400  }
0x1a9: {  	[sflag:s31] =	ssyncset.done $0x0;
	s21 =	sld [smem:$0x7C7]  }
0x1aa: {  	[sflag:s31] =	ssyncadd.s32 $0xFFFFFC00;
	s31 =	sld [smem:$0x7E6];
	_ =	sdelay $0x2  }
0x1ab: {  	[hbm:s31], [sflag:s21] =	dma.local [spmem:s15], $0x400  }
0x1ac: {  	_ =	swait.ge [sflag:s0], $0x400  }
0x1ad: {  	[sflag:s0] =	ssyncset.done $0x0  }
0x1ae: {  	[sflag:s0] =	ssyncadd.s32 $0xFFFFFC00  }
0x1af: {  	_ =	swait.ge [sflag:s5], $0x400  }
0x1b0: {  	s15 =	sld [smem:$0x7E7]  }
0x1b1: {  	s21 =	sld [smem:$0x7C8]  }
0x1b2: {  	[sflag:s5] =	ssyncset.done $0x0  }
0x1b3: {  	[sflag:s5] =	ssyncadd.s32 $0xFFFFFC00  }
0x1b4: {  	[hbm:s15], [sflag:s21] =	dma.local [spmem:s3], $0x400  }
0x1b5: {  	_ =	swait.ge [sflag:s2], $0x400  }
0x1b6: {  	[sflag:s2] =	ssyncset.done $0x0  }
0x1b7: {  	[sflag:s2] =	ssyncadd.s32 $0xFFFFFC00  }
0x1b8: {  	_ =	swait.ge [sflag:s1], $0x400  }
0x1b9: {  	s22 =	sld [smem:$0x7E8]  }
0x1ba: {  	s26 =	sld [smem:$0x7C9]  }
0x1bb: {  	[sflag:s1] =	ssyncset.done $0x0  }
0x1bc: {  	[sflag:s1] =	ssyncadd.s32 $0xFFFFFC00  }
0x1bd: {  	[hbm:s22], [sflag:s26] =	dma.local [spmem:s4], $0x400  }
0x1be: {  	_ =	swait.ge [sflag:s8], $0x400  }
0x1bf: {  	[sflag:s8] =	ssyncset.done $0x0  }
0x1c0: {  	[sflag:s8] =	ssyncadd.s32 $0xFFFFFC00  }
0x1c1: {  	_ =	swait.ge [sflag:s9], $0x400  }
0x1c2: {  	s31 =	sld [smem:$0x7E9]  }
0x1c3: {  	[sflag:s9] =	ssyncset.done $0x0  }
0x1c4: {  	[sflag:s9] =	ssyncadd.s32 $0xFFFFFC00  }
0x1c5: {  	[hbm:s31], [sflag:s20] =	dma.local [spmem:s16], $0x400  }
0x1c6: {  	_ =	swait.ge [sflag:s24], $0x400  }
0x1c7: {  	[sflag:s24] =	ssyncset.done $0x0  }
0x1c8: {  	[sflag:s24] =	ssyncadd.s32 $0xFFFFFC00  }
0x1c9: {  	_ =	swait.ge [sflag:s11], $0x400  }
0x1ca: {  	[sflag:s11] =	ssyncset.done $0x0  }
0x1cb: {  	[sflag:s11] =	ssyncadd.s32 $0xFFFFFC00  }
0x1cc: {  	_ =	swait.ge [sflag:s19], $0x400  }
0x1cd: {  	[sflag:s19] =	ssyncset.done $0x0  }
0x1ce: {  	[sflag:s19] =	ssyncadd.s32 $0xFFFFFC00  }
0x1cf: {  	_ =	swait.ge [sflag:s12], $0x400  }
0x1d0: {  	s28 =	simm.s32 $0x4;
	s30 =	sld [smem:$0x7FD]  }
0x1d1: {  	s29 =	simm.s32 $0x9;
	s0 =	simm.s32 $0xA;
	s15 =	rddreg [dreg:$0x16]  }
.Ltmp3:
0x1d2: {  	s3 =	smov.u32 s14;
	s16 =	rddreg [dreg:$0x17];
	(pc) =	sbr.rel @p0 .LBB2_6-.Ltmp3, $4  }
0x1d3: {  	s21 =	simm.s32 $0x1;
	s2 =	simm.s32 $0xB;
	s19 =	rddreg [dreg:$0x18]  }
0x1d4: {  	s1 =	smov.u32 s25;
	[sflag:s12] =	ssyncset.done $0x0;
	s20 =	rddreg [dreg:$0x19]  }
0x1d5: {  	s22 =	simm.s32 $0x2;
	[sflag:s12] =	ssyncadd.s32 $0xFFFFFC00;
	s12 =	rddreg [dreg:$0x1a]  }
0x1d6: {  	s26 =	simm.s32 $0x3;
	s9 =	simm.s32 $0xC;
	s4 =	rddreg [dreg:$0x2]  }
.Ltmp4:
0x1d7: {  	(pc) =	sbr.rel @!p1 .LBB2_5-.Ltmp4, $4  }
.Ltmp5:
0x1d8: {  	(pc) =	sbr.rel @p1 .LBB2_7-.Ltmp5, $4  }
0x1d9: {  	_ = 	snop  }
0x1da: {  	_ = 	snop  }
0x1db: {  	s3 =	sld [smem:$0x7C4]  }
0x1dc: {  	_ = 	snop  }
.LBB2_8:
0x1dd: {  	_ =	sfence.sel $0x180000  }
0x1de: {  	[bflag:$0x0] =	sbarrier.arrive $0xFFFF  }
0x1df: {  	_ =	strace $0x90000047  }
0x1e0: {  	s0 =	stileid.u32;
	[bflag:$0x2] =	sbarrier.arrive $0xFFFF  }
0x1e1: {  	p0 =	sne.s32 s0, $0x0;
	s0 =	rddreg [dreg:$0x7]  }
0x1e2: {  	s0 =	sadd.s32 @!p0 $0x100000, s0  }
0x1e3: {  	[sflag:s0] =	ssyncadd.tile.s32 @!p0 $0x1;
	_ =	shalt  }
.Lfunc_end2:
_tile_overlayer_lowered:
.L_overlay_start_2:
0x1e4: {  	(tag) =	ssettag $0x2  }
0x1e5: {  	s0 =	rddreg [dreg:$0x0];
	s2 =	stileid.u32  }
0x1e6: {  	s1 =	rddreg [dreg:$0x1];
	p0 =	sne.s32 s2, $0x0  }
0x1e7: {  	s3 =	rddreg [dreg:$0x2];
	[bflag:$0x3] =	sbarrier.arrive $0xFFFF;
	s2 =	simm.s32 @!p0 $0x1C11  }
0x1e8: {  	[timem:s3], [sflag:s2] =	dma.local @!p0 [hbm:s0], s1  }
0x1e9: {  	s0 =	simm.s32 @!p0 $0x11  }
0x1ea: {  	_ =	swait.ge @!p0 [sflag:s0], s1  }
0x1eb: {  	s1 =	ssub.s32 @!p0 $0x0, s1;
	[sflag:s0] =	ssyncset.done @!p0 $0x0  }
0x1ec: {  	[sflag:s0] =	ssyncadd.s32 @!p0 s1  }
0x1ed: {  	[bflag:$0x3] =	sbarrier.arrive $0xFFFF  }
0x1ee: {  	_ =	shalt  }

</sc_bundles>
